<compile_context>
chip_gen: v7x
topology: tpu7x:2x2x1
jax: 0.10.2.dev20260603
libtpu: 0.0.44.dev20260713+nightly
codegen_flags: <defaults>
</compile_context>

<pallas_src>
import functools

import jax
import jax.numpy as jnp
from jax import lax
from jax.experimental import pallas as pl
from jax.experimental.pallas import tpu as pltpu
from jax.experimental.pallas import tpu_sc as plsc

G = 2
V = 1024
D = 512
DIN = 512
TAU = 0.5

TB1 = 512
TB3 = 2048

SC_NC = 2
SC_NS = 16
SC_NW = SC_NC * SC_NS
SC_CHUNK = 128


def _stage1_body(*refs):
    x_ref, u_ref, w1_ref, b1_ref = refs[:4]
    w1p_ref, b1p_ref = refs[-2:]
    p_ref, idx_ref = refs[-4:-2]
    @pl.when(pl.program_id(0) == 0)
    def _():
        co = lax.broadcasted_iota(jnp.int32, (2 * SC_CHUNK, SC_CHUNK), 0)
        oo = lax.broadcasted_iota(jnp.int32, (2 * SC_CHUNK, SC_CHUNK), 1)
        for g in range(G):
            sel = (co == G * oo + g).astype(jnp.float32)
            for j in range(G * V // 256):
                src = slice(j * 256, (j + 1) * 256)
                dst = slice(g * V + j * 128, g * V + (j + 1) * 128)
                w1p_ref[:, dst] = jnp.dot(w1_ref[:, src], sel)
                b1p_ref[:, dst] = jnp.dot(b1_ref[:, src], sel)

    xb = x_ref[...]
    h = jnp.maximum(jnp.dot(xb, w1p_ref[...]) + b1p_ref[...], 0.0)
    idx_rows = []
    for g in range(G):
        xg = -jnp.log(-jnp.log(u_ref[:, g, :])) + h[:, g * V:(g + 1) * V]
        e = jnp.exp(xg)
        s = jnp.sum(e, axis=1, keepdims=True)
        p_ref[:, g, :] = (e / s) * (1.0 / TAU)
        m = jnp.max(xg, axis=1, keepdims=True)
        io = lax.broadcasted_iota(jnp.int32, xg.shape, 1)
        idx = jnp.min(jnp.where(xg >= m, io, V), axis=1, keepdims=True) + g * V
        idx_rows.append(jnp.reshape(idx, (TB1 // 128, 128)))
    idx_ref[0] = jnp.concatenate(idx_rows, axis=0)


def _stage1(x2d, u3d, w1p, b1p, blk_lo, nblk, p_alias=None):
    bt = x2d.shape[0]
    in_specs = [
        pl.BlockSpec((TB1, DIN), lambda i, o=blk_lo: (i + o, 0)),
        pl.BlockSpec((TB1, G, V), lambda i, o=blk_lo: (i + o, 0, 0)),
        pl.BlockSpec((DIN, G * V), lambda i: (0, 0)),
        pl.BlockSpec((1, G * V), lambda i: (0, 0)),
    ]
    args = [x2d, u3d, w1p, b1p]
    aliases = {}
    if p_alias is not None:
        in_specs.append(pl.BlockSpec(memory_space=pl.ANY))
        args.append(p_alias)
        aliases = {4: 0}
    return pl.pallas_call(
        _stage1_body,
        grid=(nblk,),
        in_specs=in_specs,
        out_specs=[
            pl.BlockSpec((TB1, G, V), lambda i, o=blk_lo: (i + o, 0, 0)),
            pl.BlockSpec((1, G * TB1 // 128, 128), lambda i: (i, 0, 0)),
        ],
        out_shape=[
            jax.ShapeDtypeStruct((bt, G, V), jnp.float32),
            jax.ShapeDtypeStruct((nblk, G * TB1 // 128, 128), jnp.int32),
        ],
        scratch_shapes=[
            pltpu.VMEM((DIN, G * V), jnp.float32),
            pltpu.VMEM((1, G * V), jnp.float32),
        ],
        input_output_aliases=aliases,
    )(*args)


def _stage3_body(*refs):
    s_ref, w2_ref, b2_ref = refs[:3]
    q_ref = refs[-1]
    q_ref[...] = jnp.maximum(jnp.dot(s_ref[...], w2_ref[...]) + b2_ref[...], 0.0)


def _stage3(sub, W2, b2row, bt, blk_lo, nblk, q_alias=None):
    in_specs = [
        pl.BlockSpec((TB3, G * D), lambda i: (i, 0)),
        pl.BlockSpec((G * D, D), lambda i: (0, 0)),
        pl.BlockSpec((1, D), lambda i: (0, 0)),
    ]
    args = [sub, W2, b2row]
    aliases = {}
    if q_alias is not None:
        in_specs.append(pl.BlockSpec(memory_space=pl.ANY))
        args.append(q_alias)
        aliases = {3: 0}
    return pl.pallas_call(
        _stage3_body,
        grid=(nblk,),
        in_specs=in_specs,
        out_specs=pl.BlockSpec((TB3, D), lambda i, o=blk_lo: (i + o, 0)),
        out_shape=jax.ShapeDtypeStruct((bt, D), jnp.float32),
        input_output_aliases=aliases,
    )(*args)


def _sc_gather(table, idx3, ntok):
    tw = ntok // SC_NW
    cpb = TB1 // SC_CHUNK
    mesh = plsc.VectorSubcoreMesh(core_axis_name="c", subcore_axis_name="s")

    @functools.partial(
        pl.kernel,
        mesh=mesh,
        out_type=jax.ShapeDtypeStruct((ntok, G * D), jnp.float32),
        scratch_types=[
            pltpu.VMEM((2, G * cpb, SC_CHUNK), jnp.int32),
            pltpu.VMEM((SC_CHUNK, D), jnp.float32),
            pltpu.SemaphoreType.DMA,
        ],
    )
    def k(table_hbm, idx_hbm, out_hbm, idx_v, rows_v, sem):
        wid = lax.axis_index("s") * SC_NC + lax.axis_index("c")
        ts = wid * tw
        ow = ts // TB1
        c0 = (ts % TB1) // SC_CHUNK
        if tw % SC_CHUNK == 0:
            pltpu.sync_copy(idx_hbm.at[ow], idx_v.at[0])
            for g in range(G):
                for kk in range(tw // SC_CHUNK):
                    pltpu.async_copy(
                        table_hbm.at[idx_v.at[0, g * cpb + c0 + kk]], rows_v,
                        sem).wait()
                    pltpu.sync_copy(
                        rows_v,
                        out_hbm.at[pl.ds(ts + kk * SC_CHUNK, SC_CHUNK),
                                   pl.ds(g * D, D)])
        else:
            ow1 = (ts + tw - 1) // TB1
            pltpu.sync_copy(idx_hbm.at[ow], idx_v.at[0])
            pltpu.sync_copy(idx_hbm.at[ow1], idx_v.at[1])
            for g in range(G):
                for kk in range(tw // 64):
                    t_u = ts + 64 * kk
                    lb = t_u // TB1 - ow
                    c_u = (t_u % TB1) // SC_CHUNK
                    lo = t_u % SC_CHUNK
                    pltpu.async_copy(
                        table_hbm.at[idx_v.at[lb, g * cpb + c_u, pl.ds(lo, 64)]],
                        rows_v.at[pl.ds(0, 64)], sem).wait()
                    pltpu.sync_copy(
                        rows_v.at[pl.ds(0, 64)],
                        out_hbm.at[pl.ds(t_u, 64), pl.ds(g * D, D)])

    return k(table, idx3)


def kernel(data, u, W1, b1, W2, b2, code_book):
    B, T, _ = data.shape
    bt = B * T
    half = bt // 2
    x2d = data.reshape(bt, DIN)
    u3d = u.reshape(bt, G, V)
    w1p = W1
    b1p = b1.reshape(1, G * V)
    table = code_book.reshape(G * V, D)
    b2row = b2.reshape(1, D)

    chunks = [3 * bt // 4, bt // 4]

    p_buf, idxs, t0 = None, [], 0
    for ntok in chunks:
        p_buf, idx_c = _stage1(x2d, u3d, w1p, b1p, t0 // TB1, ntok // TB1,
                               p_alias=p_buf)
        idxs.append(idx_c)
        t0 += ntok

    subs = [_sc_gather(table, idx_c, ntok)
            for idx_c, ntok in zip(idxs, chunks)]

    q_buf, t0 = None, 0
    for sub, ntok in zip(subs, chunks):
        q_buf = _stage3(sub, W2, b2row, bt, t0 // TB3, ntok // TB3,
                        q_alias=q_buf)
        t0 += ntok

    return (p_buf.reshape(B, T, G, V), q_buf.reshape(B, T, D))

# --- scband reference (transcript-rebuilt; emitter-appended) ---
"""Pipeline reference for scband-layer-51101520888167 (READ-ONLY COPY).

The authoritative reference and input builder live on the scoring server;
editing this copy changes nothing except your own understanding.
"""

import jax, jax.numpy as jnp
import numpy as np

G = 2
V = 1024
D = 512
TAU = 0.5
B = 8
T = 1024
DIN = 512

def setup_inputs(seed: int = 0) -> dict:
    key = jax.random.key(seed)
    ks = jax.random.split(key, 8)
    data = jax.random.normal(ks[0], (B, T, DIN), dtype=jnp.float32)
    u = jnp.clip(jax.random.uniform(ks[1], (B, T, G, V), dtype=jnp.float32), 1e-9, 1.0 - 1e-9)
    W1 = jax.random.normal(ks[2], (DIN, G * V), dtype=jnp.float32) * (1.0 / np.sqrt(DIN))
    b1 = jnp.zeros((G * V,), jnp.float32)
    W2 = jax.random.normal(ks[3], (G * D, D), dtype=jnp.float32) * (1.0 / np.sqrt(G * D))
    b2 = jnp.zeros((D,), jnp.float32)
    code_book = jax.random.normal(ks[4], (G, V, D), dtype=jnp.float32)
    return {"data": data, "u": u, "W1": W1, "b1": b1, "W2": W2, "b2": b2, "code_book": code_book}

def reference(data, u, W1, b1, W2, b2, code_book):
    Bq, Tq, _ = data.shape
    # fc1 with relu activation
    h = jax.nn.relu(data @ W1 + b1)
    # reshape (B,T,V,G) then transpose to (B,T,G,V) as in the TF code
    logits = jnp.transpose(h.reshape(Bq, Tq, V, G), (0, 1, 3, 2))
    # gumbel noise from uniform samples (passed in for determinism)
    noise = -jnp.log(-jnp.log(u))
    numertor = jnp.exp(noise + logits) / TAU
    p_g_v = numertor / jnp.sum(numertor, axis=-1, keepdims=True) / TAU
    y_hard = (p_g_v >= (jnp.max(p_g_v, axis=-1, keepdims=True) - 1e-12)).astype(p_g_v.dtype)
    p_gv_one_hot = jax.lax.stop_gradient(y_hard - p_g_v) + p_g_v
    # codebook lookup via soft one-hot: sum over V of onehot * codebook
    # (equivalent to expand-mul-reduce in TF, contracted to avoid the huge intermediate)
    q_t = jnp.einsum('btgv,gvd->btgd', p_gv_one_hot, code_book)
    # split over G and concat on last axis == reshape (B,T,G*D)
    sub_words = q_t.reshape(Bq, Tq, G * D)
    q = jax.nn.relu(sub_words @ W2 + b2)
    return (p_g_v, q)

if __name__ == "__main__":
    import jax
    _d = setup_inputs()
    print(jax.jit(kernel)(*tuple(_d.values())))

</pallas_src>

<mosaic_0001>
#map = affine_map<(d0, d1) -> (0, 0)>
#map1 = affine_map<(d0, d1) -> (0, 0, 0)>
module attributes {stable_mosaic.version = 14 : i64} {
  func.func @k(%arg0: i32, %arg1: i32, %arg2: memref<2048x512xf32, #tpu.memory_space<hbm>>, %arg3: memref<12x8x128xi32, #tpu.memory_space<hbm>>, %arg4: memref<6144x1024xf32, #tpu.memory_space<hbm>>, %arg5: memref<2x8x128xi32, #tpu.memory_space<vmem>>, %arg6: memref<128x512xf32, #tpu.memory_space<vmem>>, %arg7: memref<!tpu.dma_semaphore, #tpu.memory_space<semaphore_mem>>) attributes {dimension_semantics = [#tpu.dimension_semantics<core_parallel>, #tpu.dimension_semantics<subcore_parallel>], iteration_bounds = array<i64: 2, 16>, scalar_prefetch = 0 : i64, scratch_operands = 3 : i64, tpu.core_type = #tpu.core_type<sc_vector_subcore>, window_params = [{transform_indices = #map}, {transform_indices = #map1}, {transform_indices = #map}]} {
    %mul3A = arith.constant 2 : i32
    %mul3A_0 = arith.muli %arg1, %mul3A : i32
    %add3A = arith.addi %mul3A_0, %arg0 : i32
    %mul3A_1 = arith.constant 192 : i32
    %mul3A_2 = arith.muli %add3A, %mul3A_1 : i32
    %jit3A = arith.constant 512 : i32
    %div3A = arith.divsi %mul3A_2, %jit3A : i32
    %sign3A = arith.constant 0 : i32
    %sign3A_3 = arith.cmpi sgt, %mul3A_2, %sign3A : i32
    %sign3A_4 = arith.extui %sign3A_3 : i1 to i32
    %sign3A_5 = arith.constant 0 : i32
    %sign3A_6 = arith.cmpi slt, %mul3A_2, %sign3A_5 : i32
    %sign3A_7 = arith.extui %sign3A_6 : i1 to i32
    %sign3A_8 = arith.subi %sign3A_4, %sign3A_7 : i32
    %sign3A_9 = arith.constant 0 : i32
    %sign3A_10 = arith.cmpi sgt, %jit3A, %sign3A_9 : i32
    %sign3A_11 = arith.extui %sign3A_10 : i1 to i32
    %sign3A_12 = arith.constant 0 : i32
    %sign3A_13 = arith.cmpi slt, %jit3A, %sign3A_12 : i32
    %sign3A_14 = arith.extui %sign3A_13 : i1 to i32
    %sign3A_15 = arith.subi %sign3A_11, %sign3A_14 : i32
    %ne3A = arith.cmpi ne, %sign3A_8, %sign3A_15 : i32
    %rem3A = arith.remsi %mul3A_2, %jit3A : i32
    %ne3A_16 = arith.constant 0 : i32
    %ne3A_17 = arith.cmpi ne, %rem3A, %ne3A_16 : i32
    %and3A = arith.andi %ne3A, %ne3A_17 : i1
    %sub3A = arith.constant 1 : i32
    %sub3A_18 = arith.subi %div3A, %sub3A : i32
    %select_n3A = arith.select %and3A, %sub3A_18, %div3A : i32
    %jit3A_19 = arith.constant 512 : i32
    %eq3A = arith.constant 0 : i32
    %eq3A_20 = arith.cmpi eq, %jit3A_19, %eq3A : i32
    %jit3A_21 = arith.constant 1 : i32
    %select_n3A_22 = arith.select %eq3A_20, %jit3A_21, %jit3A_19 : i32
    %rem3A_23 = arith.remsi %mul3A_2, %select_n3A_22 : i32
    %ne3A_24 = arith.constant 0 : i32
    %ne3A_25 = arith.cmpi ne, %rem3A_23, %ne3A_24 : i32
    %lt3A = arith.constant 0 : i32
    %lt3A_26 = arith.cmpi slt, %rem3A_23, %lt3A : i32
    %lt3A_27 = arith.constant 0 : i32
    %lt3A_28 = arith.cmpi slt, %select_n3A_22, %lt3A_27 : i32
    %ne3A_29 = arith.xori %lt3A_26, %lt3A_28 : i1
    %and3A_30 = arith.andi %ne3A_29, %ne3A_25 : i1
    %add3A_31 = arith.addi %rem3A_23, %select_n3A_22 : i32
    %select_n3A_32 = arith.select %and3A_30, %add3A_31, %rem3A_23 : i32
    %jit3A_33 = arith.constant 128 : i32
    %div3A_34 = arith.divsi %select_n3A_32, %jit3A_33 : i32
    %sign3A_35 = arith.constant 0 : i32
    %sign3A_36 = arith.cmpi sgt, %select_n3A_32, %sign3A_35 : i32
    %sign3A_37 = arith.extui %sign3A_36 : i1 to i32
    %sign3A_38 = arith.constant 0 : i32
    %sign3A_39 = arith.cmpi slt, %select_n3A_32, %sign3A_38 : i32
    %sign3A_40 = arith.extui %sign3A_39 : i1 to i32
    %sign3A_41 = arith.subi %sign3A_37, %sign3A_40 : i32
    %sign3A_42 = arith.constant 0 : i32
    %sign3A_43 = arith.cmpi sgt, %jit3A_33, %sign3A_42 : i32
    %sign3A_44 = arith.extui %sign3A_43 : i1 to i32
    %sign3A_45 = arith.constant 0 : i32
    %sign3A_46 = arith.cmpi slt, %jit3A_33, %sign3A_45 : i32
    %sign3A_47 = arith.extui %sign3A_46 : i1 to i32
    %sign3A_48 = arith.subi %sign3A_44, %sign3A_47 : i32
    %ne3A_49 = arith.cmpi ne, %sign3A_41, %sign3A_48 : i32
    %rem3A_50 = arith.remsi %select_n3A_32, %jit3A_33 : i32
    %ne3A_51 = arith.constant 0 : i32
    %ne3A_52 = arith.cmpi ne, %rem3A_50, %ne3A_51 : i32
    %and3A_53 = arith.andi %ne3A_49, %ne3A_52 : i1
    %sub3A_54 = arith.constant 1 : i32
    %sub3A_55 = arith.subi %div3A_34, %sub3A_54 : i32
    %select_n3A_56 = arith.select %and3A_53, %sub3A_55, %div3A_34 : i32
    %add3A_57 = arith.constant 192 : i32
    %add3A_58 = arith.addi %mul3A_2, %add3A_57 : i32
    %sub3A_59 = arith.constant 1 : i32
    %sub3A_60 = arith.subi %add3A_58, %sub3A_59 : i32
    %jit3A_61 = arith.constant 512 : i32
    %div3A_62 = arith.divsi %sub3A_60, %jit3A_61 : i32
    %sign3A_63 = arith.constant 0 : i32
    %sign3A_64 = arith.cmpi sgt, %sub3A_60, %sign3A_63 : i32
    %sign3A_65 = arith.extui %sign3A_64 : i1 to i32
    %sign3A_66 = arith.constant 0 : i32
    %sign3A_67 = arith.cmpi slt, %sub3A_60, %sign3A_66 : i32
    %sign3A_68 = arith.extui %sign3A_67 : i1 to i32
    %sign3A_69 = arith.subi %sign3A_65, %sign3A_68 : i32
    %sign3A_70 = arith.constant 0 : i32
    %sign3A_71 = arith.cmpi sgt, %jit3A_61, %sign3A_70 : i32
    %sign3A_72 = arith.extui %sign3A_71 : i1 to i32
    %sign3A_73 = arith.constant 0 : i32
    %sign3A_74 = arith.cmpi slt, %jit3A_61, %sign3A_73 : i32
    %sign3A_75 = arith.extui %sign3A_74 : i1 to i32
    %sign3A_76 = arith.subi %sign3A_72, %sign3A_75 : i32
    %ne3A_77 = arith.cmpi ne, %sign3A_69, %sign3A_76 : i32
    %rem3A_78 = arith.remsi %sub3A_60, %jit3A_61 : i32
    %ne3A_79 = arith.constant 0 : i32
    %ne3A_80 = arith.cmpi ne, %rem3A_78, %ne3A_79 : i32
    %and3A_81 = arith.andi %ne3A_77, %ne3A_80 : i1
    %sub3A_82 = arith.constant 1 : i32
    %sub3A_83 = arith.subi %div3A_62, %sub3A_82 : i32
    %select_n3A_84 = arith.select %and3A_81, %sub3A_83, %div3A_62 : i32
    %run_scoped3A = arith.constant 0 : i32
    "tpu.region"() ({
      %run_scoped3A_690 = tpu.sem_alloc : memref<!tpu.dma_semaphore, #tpu.memory_space<semaphore_mem>>
      %dma_start3A_691 = arith.constant 0 : i32
      %dma_start3A_692 = arith.constant 0 : i32
      %dma_start3A_693 = tpu.memref_slice %arg5[%run_scoped3A, %dma_start3A_691, %dma_start3A_692] : memref<2x8x128xi32, #tpu.memory_space<vmem>> -> memref<1x8x128xi32, #tpu.memory_space<vmem>>
      %dma_start3A_694 = tpu.memref_squeeze %dma_start3A_693 : memref<1x8x128xi32, #tpu.memory_space<vmem>> -> memref<8x128xi32, #tpu.memory_space<vmem>>
      %dma_start3A_695 = arith.constant 0 : i32
      %dma_start3A_696 = arith.constant 0 : i32
      %dma_start3A_697 = tpu.memref_slice %arg3[%select_n3A, %dma_start3A_695, %dma_start3A_696] : memref<12x8x128xi32, #tpu.memory_space<hbm>> -> memref<1x8x128xi32, #tpu.memory_space<hbm>>
      %dma_start3A_698 = tpu.memref_squeeze %dma_start3A_697 : memref<1x8x128xi32, #tpu.memory_space<hbm>> -> memref<8x128xi32, #tpu.memory_space<hbm>>
      %dma_start3A_699 = arith.constant 0 : i32
      %dma_start3A_700 = arith.constant 0 : i32
      %dma_start3A_701 = tpu.memref_slice %arg5[%run_scoped3A, %dma_start3A_699, %dma_start3A_700] : memref<2x8x128xi32, #tpu.memory_space<vmem>> -> memref<1x8x128xi32, #tpu.memory_space<vmem>>
      %dma_start3A_702 = tpu.memref_squeeze %dma_start3A_701 : memref<1x8x128xi32, #tpu.memory_space<vmem>> -> memref<8x128xi32, #tpu.memory_space<vmem>>
      %dma_start3A_703 = arith.constant 0 : i32
      %dma_start3A_704 = arith.constant 0 : i32
      %dma_start3A_705 = tpu.memref_slice %arg3[%select_n3A, %dma_start3A_703, %dma_start3A_704] : memref<12x8x128xi32, #tpu.memory_space<hbm>> -> memref<1x8x128xi32, #tpu.memory_space<hbm>>
      %dma_start3A_706 = tpu.memref_squeeze %dma_start3A_705 : memref<1x8x128xi32, #tpu.memory_space<hbm>> -> memref<8x128xi32, #tpu.memory_space<hbm>>
      tpu.enqueue_dma source(%dma_start3A_706 : memref<8x128xi32, #tpu.memory_space<hbm>>) target(%dma_start3A_702 : memref<8x128xi32, #tpu.memory_space<vmem>>) target_semaphore(%run_scoped3A_690 : memref<!tpu.dma_semaphore, #tpu.memory_space<semaphore_mem>>)
      %dma_wait3A_707 = arith.constant 0 : i32
      %dma_wait3A_708 = arith.constant 0 : i32
      %dma_wait3A_709 = tpu.memref_slice %arg5[%run_scoped3A, %dma_wait3A_707, %dma_wait3A_708] : memref<2x8x128xi32, #tpu.memory_space<vmem>> -> memref<1x8x128xi32, #tpu.memory_space<vmem>>
      %dma_wait3A_710 = tpu.memref_squeeze %dma_wait3A_709 : memref<1x8x128xi32, #tpu.memory_space<vmem>> -> memref<8x128xi32, #tpu.memory_space<vmem>>
      %dma_wait3A_711 = arith.constant 0 : i32
      %dma_wait3A_712 = arith.constant 0 : i32
      %dma_wait3A_713 = tpu.memref_slice %arg3[%select_n3A, %dma_wait3A_711, %dma_wait3A_712] : memref<12x8x128xi32, #tpu.memory_space<hbm>> -> memref<1x8x128xi32, #tpu.memory_space<hbm>>
      %dma_wait3A_714 = tpu.memref_squeeze %dma_wait3A_713 : memref<1x8x128xi32, #tpu.memory_space<hbm>> -> memref<8x128xi32, #tpu.memory_space<hbm>>
      %dma_wait3A_715 = arith.constant 0 : i32
      %dma_wait3A_716 = arith.constant 0 : i32
      %dma_wait3A_717 = tpu.memref_slice %arg5[%run_scoped3A, %dma_wait3A_715, %dma_wait3A_716] : memref<2x8x128xi32, #tpu.memory_space<vmem>> -> memref<1x8x128xi32, #tpu.memory_space<vmem>>
      %dma_wait3A_718 = tpu.memref_squeeze %dma_wait3A_717 : memref<1x8x128xi32, #tpu.memory_space<vmem>> -> memref<8x128xi32, #tpu.memory_space<vmem>>
      %dma_wait3A_719 = arith.constant 0 : i32
      %dma_wait3A_720 = arith.constant 0 : i32
      %dma_wait3A_721 = tpu.memref_slice %arg3[%select_n3A, %dma_wait3A_719, %dma_wait3A_720] : memref<12x8x128xi32, #tpu.memory_space<hbm>> -> memref<1x8x128xi32, #tpu.memory_space<hbm>>
      %dma_wait3A_722 = tpu.memref_squeeze %dma_wait3A_721 : memref<1x8x128xi32, #tpu.memory_space<hbm>> -> memref<8x128xi32, #tpu.memory_space<hbm>>
      tpu.wait_dma2 semaphore(%run_scoped3A_690 : memref<!tpu.dma_semaphore, #tpu.memory_space<semaphore_mem>>) src(%dma_wait3A_722 : memref<8x128xi32, #tpu.memory_space<hbm>>) dst(%dma_wait3A_718 : memref<8x128xi32, #tpu.memory_space<vmem>>)
      tpu.yield
    }) : () -> ()
    %run_scoped3A_85 = arith.constant 1 : i32
    "tpu.region"() ({
      %run_scoped3A_690 = tpu.sem_alloc : memref<!tpu.dma_semaphore, #tpu.memory_space<semaphore_mem>>
      %dma_start3A_691 = arith.constant 0 : i32
      %dma_start3A_692 = arith.constant 0 : i32
      %dma_start3A_693 = tpu.memref_slice %arg5[%run_scoped3A_85, %dma_start3A_691, %dma_start3A_692] : memref<2x8x128xi32, #tpu.memory_space<vmem>> -> memref<1x8x128xi32, #tpu.memory_space<vmem>>
      %dma_start3A_694 = tpu.memref_squeeze %dma_start3A_693 : memref<1x8x128xi32, #tpu.memory_space<vmem>> -> memref<8x128xi32, #tpu.memory_space<vmem>>
      %dma_start3A_695 = arith.constant 0 : i32
      %dma_start3A_696 = arith.constant 0 : i32
      %dma_start3A_697 = tpu.memref_slice %arg3[%select_n3A_84, %dma_start3A_695, %dma_start3A_696] : memref<12x8x128xi32, #tpu.memory_space<hbm>> -> memref<1x8x128xi32, #tpu.memory_space<hbm>>
      %dma_start3A_698 = tpu.memref_squeeze %dma_start3A_697 : memref<1x8x128xi32, #tpu.memory_space<hbm>> -> memref<8x128xi32, #tpu.memory_space<hbm>>
      %dma_start3A_699 = arith.constant 0 : i32
      %dma_start3A_700 = arith.constant 0 : i32
      %dma_start3A_701 = tpu.memref_slice %arg5[%run_scoped3A_85, %dma_start3A_699, %dma_start3A_700] : memref<2x8x128xi32, #tpu.memory_space<vmem>> -> memref<1x8x128xi32, #tpu.memory_space<vmem>>
      %dma_start3A_702 = tpu.memref_squeeze %dma_start3A_701 : memref<1x8x128xi32, #tpu.memory_space<vmem>> -> memref<8x128xi32, #tpu.memory_space<vmem>>
      %dma_start3A_703 = arith.constant 0 : i32
      %dma_start3A_704 = arith.constant 0 : i32
      %dma_start3A_705 = tpu.memref_slice %arg3[%select_n3A_84, %dma_start3A_703, %dma_start3A_704] : memref<12x8x128xi32, #tpu.memory_space<hbm>> -> memref<1x8x128xi32, #tpu.memory_space<hbm>>
      %dma_start3A_706 = tpu.memref_squeeze %dma_start3A_705 : memref<1x8x128xi32, #tpu.memory_space<hbm>> -> memref<8x128xi32, #tpu.memory_space<hbm>>
      tpu.enqueue_dma source(%dma_start3A_706 : memref<8x128xi32, #tpu.memory_space<hbm>>) target(%dma_start3A_702 : memref<8x128xi32, #tpu.memory_space<vmem>>) target_semaphore(%run_scoped3A_690 : memref<!tpu.dma_semaphore, #tpu.memory_space<semaphore_mem>>)
      %dma_wait3A_707 = arith.constant 0 : i32
      %dma_wait3A_708 = arith.constant 0 : i32
      %dma_wait3A_709 = tpu.memref_slice %arg5[%run_scoped3A_85, %dma_wait3A_707, %dma_wait3A_708] : memref<2x8x128xi32, #tpu.memory_space<vmem>> -> memref<1x8x128xi32, #tpu.memory_space<vmem>>
      %dma_wait3A_710 = tpu.memref_squeeze %dma_wait3A_709 : memref<1x8x128xi32, #tpu.memory_space<vmem>> -> memref<8x128xi32, #tpu.memory_space<vmem>>
      %dma_wait3A_711 = arith.constant 0 : i32
      %dma_wait3A_712 = arith.constant 0 : i32
      %dma_wait3A_713 = tpu.memref_slice %arg3[%select_n3A_84, %dma_wait3A_711, %dma_wait3A_712] : memref<12x8x128xi32, #tpu.memory_space<hbm>> -> memref<1x8x128xi32, #tpu.memory_space<hbm>>
      %dma_wait3A_714 = tpu.memref_squeeze %dma_wait3A_713 : memref<1x8x128xi32, #tpu.memory_space<hbm>> -> memref<8x128xi32, #tpu.memory_space<hbm>>
      %dma_wait3A_715 = arith.constant 0 : i32
      %dma_wait3A_716 = arith.constant 0 : i32
      %dma_wait3A_717 = tpu.memref_slice %arg5[%run_scoped3A_85, %dma_wait3A_715, %dma_wait3A_716] : memref<2x8x128xi32, #tpu.memory_space<vmem>> -> memref<1x8x128xi32, #tpu.memory_space<vmem>>
      %dma_wait3A_718 = tpu.memref_squeeze %dma_wait3A_717 : memref<1x8x128xi32, #tpu.memory_space<vmem>> -> memref<8x128xi32, #tpu.memory_space<vmem>>
      %dma_wait3A_719 = arith.constant 0 : i32
      %dma_wait3A_720 = arith.constant 0 : i32
      %dma_wait3A_721 = tpu.memref_slice %arg3[%select_n3A_84, %dma_wait3A_719, %dma_wait3A_720] : memref<12x8x128xi32, #tpu.memory_space<hbm>> -> memref<1x8x128xi32, #tpu.memory_space<hbm>>
      %dma_wait3A_722 = tpu.memref_squeeze %dma_wait3A_721 : memref<1x8x128xi32, #tpu.memory_space<hbm>> -> memref<8x128xi32, #tpu.memory_space<hbm>>
      tpu.wait_dma2 semaphore(%run_scoped3A_690 : memref<!tpu.dma_semaphore, #tpu.memory_space<semaphore_mem>>) src(%dma_wait3A_722 : memref<8x128xi32, #tpu.memory_space<hbm>>) dst(%dma_wait3A_718 : memref<8x128xi32, #tpu.memory_space<vmem>>)
      tpu.yield
    }) : () -> ()
    %add3A_86 = arith.constant 0 : i32
    %add3A_87 = arith.addi %mul3A_2, %add3A_86 : i32
    %jit3A_88 = arith.constant 512 : i32
    %div3A_89 = arith.divsi %add3A_87, %jit3A_88 : i32
    %sign3A_90 = arith.constant 0 : i32
    %sign3A_91 = arith.cmpi sgt, %add3A_87, %sign3A_90 : i32
    %sign3A_92 = arith.extui %sign3A_91 : i1 to i32
    %sign3A_93 = arith.constant 0 : i32
    %sign3A_94 = arith.cmpi slt, %add3A_87, %sign3A_93 : i32
    %sign3A_95 = arith.extui %sign3A_94 : i1 to i32
    %sign3A_96 = arith.subi %sign3A_92, %sign3A_95 : i32
    %sign3A_97 = arith.constant 0 : i32
    %sign3A_98 = arith.cmpi sgt, %jit3A_88, %sign3A_97 : i32
    %sign3A_99 = arith.extui %sign3A_98 : i1 to i32
    %sign3A_100 = arith.constant 0 : i32
    %sign3A_101 = arith.cmpi slt, %jit3A_88, %sign3A_100 : i32
    %sign3A_102 = arith.extui %sign3A_101 : i1 to i32
    %sign3A_103 = arith.subi %sign3A_99, %sign3A_102 : i32
    %ne3A_104 = arith.cmpi ne, %sign3A_96, %sign3A_103 : i32
    %rem3A_105 = arith.remsi %add3A_87, %jit3A_88 : i32
    %ne3A_106 = arith.constant 0 : i32
    %ne3A_107 = arith.cmpi ne, %rem3A_105, %ne3A_106 : i32
    %and3A_108 = arith.andi %ne3A_104, %ne3A_107 : i1
    %sub3A_109 = arith.constant 1 : i32
    %sub3A_110 = arith.subi %div3A_89, %sub3A_109 : i32
    %select_n3A_111 = arith.select %and3A_108, %sub3A_110, %div3A_89 : i32
    %sub3A_112 = arith.subi %select_n3A_111, %select_n3A : i32
    %jit3A_113 = arith.constant 512 : i32
    %eq3A_114 = arith.constant 0 : i32
    %eq3A_115 = arith.cmpi eq, %jit3A_113, %eq3A_114 : i32
    %jit3A_116 = arith.constant 1 : i32
    %select_n3A_117 = arith.select %eq3A_115, %jit3A_116, %jit3A_113 : i32
    %rem3A_118 = arith.remsi %add3A_87, %select_n3A_117 : i32
    %ne3A_119 = arith.constant 0 : i32
    %ne3A_120 = arith.cmpi ne, %rem3A_118, %ne3A_119 : i32
    %lt3A_121 = arith.constant 0 : i32
    %lt3A_122 = arith.cmpi slt, %rem3A_118, %lt3A_121 : i32
    %lt3A_123 = arith.constant 0 : i32
    %lt3A_124 = arith.cmpi slt, %select_n3A_117, %lt3A_123 : i32
    %ne3A_125 = arith.xori %lt3A_122, %lt3A_124 : i1
    %and3A_126 = arith.andi %ne3A_125, %ne3A_120 : i1
    %add3A_127 = arith.addi %rem3A_118, %select_n3A_117 : i32
    %select_n3A_128 = arith.select %and3A_126, %add3A_127, %rem3A_118 : i32
    %jit3A_129 = arith.constant 128 : i32
    %div3A_130 = arith.divsi %select_n3A_128, %jit3A_129 : i32
    %sign3A_131 = arith.constant 0 : i32
    %sign3A_132 = arith.cmpi sgt, %select_n3A_128, %sign3A_131 : i32
    %sign3A_133 = arith.extui %sign3A_132 : i1 to i32
    %sign3A_134 = arith.constant 0 : i32
    %sign3A_135 = arith.cmpi slt, %select_n3A_128, %sign3A_134 : i32
    %sign3A_136 = arith.extui %sign3A_135 : i1 to i32
    %sign3A_137 = arith.subi %sign3A_133, %sign3A_136 : i32
    %sign3A_138 = arith.constant 0 : i32
    %sign3A_139 = arith.cmpi sgt, %jit3A_129, %sign3A_138 : i32
    %sign3A_140 = arith.extui %sign3A_139 : i1 to i32
    %sign3A_141 = arith.constant 0 : i32
    %sign3A_142 = arith.cmpi slt, %jit3A_129, %sign3A_141 : i32
    %sign3A_143 = arith.extui %sign3A_142 : i1 to i32
    %sign3A_144 = arith.subi %sign3A_140, %sign3A_143 : i32
    %ne3A_145 = arith.cmpi ne, %sign3A_137, %sign3A_144 : i32
    %rem3A_146 = arith.remsi %select_n3A_128, %jit3A_129 : i32
    %ne3A_147 = arith.constant 0 : i32
    %ne3A_148 = arith.cmpi ne, %rem3A_146, %ne3A_147 : i32
    %and3A_149 = arith.andi %ne3A_145, %ne3A_148 : i1
    %sub3A_150 = arith.constant 1 : i32
    %sub3A_151 = arith.subi %div3A_130, %sub3A_150 : i32
    %select_n3A_152 = arith.select %and3A_149, %sub3A_151, %div3A_130 : i32
    %jit3A_153 = arith.constant 128 : i32
    %eq3A_154 = arith.constant 0 : i32
    %eq3A_155 = arith.cmpi eq, %jit3A_153, %eq3A_154 : i32
    %jit3A_156 = arith.constant 1 : i32
    %select_n3A_157 = arith.select %eq3A_155, %jit3A_156, %jit3A_153 : i32
    %rem3A_158 = arith.remsi %add3A_87, %select_n3A_157 : i32
    %ne3A_159 = arith.constant 0 : i32
    %ne3A_160 = arith.cmpi ne, %rem3A_158, %ne3A_159 : i32
    %lt3A_161 = arith.constant 0 : i32
    %lt3A_162 = arith.cmpi slt, %rem3A_158, %lt3A_161 : i32
    %lt3A_163 = arith.constant 0 : i32
    %lt3A_164 = arith.cmpi slt, %select_n3A_157, %lt3A_163 : i32
    %ne3A_165 = arith.xori %lt3A_162, %lt3A_164 : i1
    %and3A_166 = arith.andi %ne3A_165, %ne3A_160 : i1
    %add3A_167 = arith.addi %rem3A_158, %select_n3A_157 : i32
    %select_n3A_168 = arith.select %and3A_166, %add3A_167, %rem3A_158 : i32
    %add3A_169 = arith.constant 0 : i32
    %add3A_170 = arith.addi %add3A_169, %select_n3A_152 : i32
    %dma_start3A = arith.constant 0 : i32
    %dma_start3A_171 = arith.constant 0 : i32
    %dma_start3A_172 = tpu.memref_slice %arg6[%dma_start3A, %dma_start3A_171] : memref<128x512xf32, #tpu.memory_space<vmem>> -> memref<64x512xf32, #tpu.memory_space<vmem>>
    %dma_start3A_173 = tpu.memref_slice %arg5[%sub3A_112, %add3A_170, %select_n3A_168] : memref<2x8x128xi32, #tpu.memory_space<vmem>> -> memref<1x1x64xi32, #tpu.memory_space<vmem>>
    %dma_start3A_174 = tpu.memref_squeeze %dma_start3A_173 : memref<1x1x64xi32, #tpu.memory_space<vmem>> -> memref<64xi32, #tpu.memory_space<vmem>>
    %dma_start3A_175 = arith.constant 0 : i32
    %dma_start3A_176 = arith.constant 0 : i32
    %dma_start3A_177 = tpu.memref_slice %arg2[%dma_start3A_175, %dma_start3A_176] : memref<2048x512xf32, #tpu.memory_space<hbm>> -> memref<2048x512xf32, #tpu.memory_space<hbm>>
    tpu.enqueue_indirect_dma source(%dma_start3A_177 : memref<2048x512xf32, #tpu.memory_space<hbm>>) target(%dma_start3A_172 : memref<64x512xf32, #tpu.memory_space<vmem>>) offsets(%dma_start3A_174 : memref<64xi32, #tpu.memory_space<vmem>>) semaphore(%arg7 : memref<!tpu.dma_semaphore, #tpu.memory_space<semaphore_mem>>)
    %dma_wait3A = arith.constant 0 : i32
    %dma_wait3A_178 = arith.constant 0 : i32
    %dma_wait3A_179 = tpu.memref_slice %arg6[%dma_wait3A, %dma_wait3A_178] : memref<128x512xf32, #tpu.memory_space<vmem>> -> memref<64x512xf32, #tpu.memory_space<vmem>>
    %dma_wait3A_180 = tpu.memref_slice %arg5[%sub3A_112, %add3A_170, %select_n3A_168] : memref<2x8x128xi32, #tpu.memory_space<vmem>> -> memref<1x1x64xi32, #tpu.memory_space<vmem>>
    %dma_wait3A_181 = tpu.memref_squeeze %dma_wait3A_180 : memref<1x1x64xi32, #tpu.memory_space<vmem>> -> memref<64xi32, #tpu.memory_space<vmem>>
    %dma_wait3A_182 = arith.constant 0 : i32
    %dma_wait3A_183 = arith.constant 0 : i32
    %dma_wait3A_184 = tpu.memref_slice %arg2[%dma_wait3A_182, %dma_wait3A_183] : memref<2048x512xf32, #tpu.memory_space<hbm>> -> memref<2048x512xf32, #tpu.memory_space<hbm>>
    tpu.wait_indirect_dma semaphore(%arg7 : memref<!tpu.dma_semaphore, #tpu.memory_space<semaphore_mem>>) src(%dma_wait3A_184 : memref<2048x512xf32, #tpu.memory_space<hbm>>) dst(%dma_wait3A_179 : memref<64x512xf32, #tpu.memory_space<vmem>>)
    "tpu.region"() ({
      %run_scoped3A_690 = tpu.sem_alloc : memref<!tpu.dma_semaphore, #tpu.memory_space<semaphore_mem>>
      %dma_start3A_691 = arith.constant 0 : i32
      %dma_start3A_692 = arith.constant 0 : i32
      %dma_start3A_693 = tpu.memref_slice %arg6[%dma_start3A_691, %dma_start3A_692] : memref<128x512xf32, #tpu.memory_space<vmem>> -> memref<64x512xf32, #tpu.memory_space<vmem>>
      %dma_start3A_694 = arith.constant 0 : i32
      %dma_start3A_695 = tpu.memref_slice %arg4[%add3A_87, %dma_start3A_694] : memref<6144x1024xf32, #tpu.memory_space<hbm>> -> memref<64x512xf32, #tpu.memory_space<hbm>>
      %dma_start3A_696 = arith.constant 0 : i32
      %dma_start3A_697 = tpu.memref_slice %arg4[%add3A_87, %dma_start3A_696] : memref<6144x1024xf32, #tpu.memory_space<hbm>> -> memref<64x512xf32, #tpu.memory_space<hbm>>
      %dma_start3A_698 = arith.constant 0 : i32
      %dma_start3A_699 = arith.constant 0 : i32
      %dma_start3A_700 = tpu.memref_slice %arg6[%dma_start3A_698, %dma_start3A_699] : memref<128x512xf32, #tpu.memory_space<vmem>> -> memref<64x512xf32, #tpu.memory_space<vmem>>
      tpu.enqueue_dma source(%dma_start3A_700 : memref<64x512xf32, #tpu.memory_space<vmem>>) target(%dma_start3A_697 : memref<64x512xf32, #tpu.memory_space<hbm>>) target_semaphore(%run_scoped3A_690 : memref<!tpu.dma_semaphore, #tpu.memory_space<semaphore_mem>>)
      %dma_wait3A_701 = arith.constant 0 : i32
      %dma_wait3A_702 = arith.constant 0 : i32
      %dma_wait3A_703 = tpu.memref_slice %arg6[%dma_wait3A_701, %dma_wait3A_702] : memref<128x512xf32, #tpu.memory_space<vmem>> -> memref<64x512xf32, #tpu.memory_space<vmem>>
      %dma_wait3A_704 = arith.constant 0 : i32
      %dma_wait3A_705 = tpu.memref_slice %arg4[%add3A_87, %dma_wait3A_704] : memref<6144x1024xf32, #tpu.memory_space<hbm>> -> memref<64x512xf32, #tpu.memory_space<hbm>>
      %dma_wait3A_706 = arith.constant 0 : i32
      %dma_wait3A_707 = tpu.memref_slice %arg4[%add3A_87, %dma_wait3A_706] : memref<6144x1024xf32, #tpu.memory_space<hbm>> -> memref<64x512xf32, #tpu.memory_space<hbm>>
      %dma_wait3A_708 = arith.constant 0 : i32
      %dma_wait3A_709 = arith.constant 0 : i32
      %dma_wait3A_710 = tpu.memref_slice %arg6[%dma_wait3A_708, %dma_wait3A_709] : memref<128x512xf32, #tpu.memory_space<vmem>> -> memref<64x512xf32, #tpu.memory_space<vmem>>
      tpu.wait_dma2 semaphore(%run_scoped3A_690 : memref<!tpu.dma_semaphore, #tpu.memory_space<semaphore_mem>>) src(%dma_wait3A_710 : memref<64x512xf32, #tpu.memory_space<vmem>>) dst(%dma_wait3A_707 : memref<64x512xf32, #tpu.memory_space<hbm>>)
      tpu.yield
    }) : () -> ()
    %add3A_185 = arith.constant 64 : i32
    %add3A_186 = arith.addi %mul3A_2, %add3A_185 : i32
    %jit3A_187 = arith.constant 512 : i32
    %div3A_188 = arith.divsi %add3A_186, %jit3A_187 : i32
    %sign3A_189 = arith.constant 0 : i32
    %sign3A_190 = arith.cmpi sgt, %add3A_186, %sign3A_189 : i32
    %sign3A_191 = arith.extui %sign3A_190 : i1 to i32
    %sign3A_192 = arith.constant 0 : i32
    %sign3A_193 = arith.cmpi slt, %add3A_186, %sign3A_192 : i32
    %sign3A_194 = arith.extui %sign3A_193 : i1 to i32
    %sign3A_195 = arith.subi %sign3A_191, %sign3A_194 : i32
    %sign3A_196 = arith.constant 0 : i32
    %sign3A_197 = arith.cmpi sgt, %jit3A_187, %sign3A_196 : i32
    %sign3A_198 = arith.extui %sign3A_197 : i1 to i32
    %sign3A_199 = arith.constant 0 : i32
    %sign3A_200 = arith.cmpi slt, %jit3A_187, %sign3A_199 : i32
    %sign3A_201 = arith.extui %sign3A_200 : i1 to i32
    %sign3A_202 = arith.subi %sign3A_198, %sign3A_201 : i32
    %ne3A_203 = arith.cmpi ne, %sign3A_195, %sign3A_202 : i32
    %rem3A_204 = arith.remsi %add3A_186, %jit3A_187 : i32
    %ne3A_205 = arith.constant 0 : i32
    %ne3A_206 = arith.cmpi ne, %rem3A_204, %ne3A_205 : i32
    %and3A_207 = arith.andi %ne3A_203, %ne3A_206 : i1
    %sub3A_208 = arith.constant 1 : i32
    %sub3A_209 = arith.subi %div3A_188, %sub3A_208 : i32
    %select_n3A_210 = arith.select %and3A_207, %sub3A_209, %div3A_188 : i32
    %sub3A_211 = arith.subi %select_n3A_210, %select_n3A : i32
    %jit3A_212 = arith.constant 512 : i32
    %eq3A_213 = arith.constant 0 : i32
    %eq3A_214 = arith.cmpi eq, %jit3A_212, %eq3A_213 : i32
    %jit3A_215 = arith.constant 1 : i32
    %select_n3A_216 = arith.select %eq3A_214, %jit3A_215, %jit3A_212 : i32
    %rem3A_217 = arith.remsi %add3A_186, %select_n3A_216 : i32
    %ne3A_218 = arith.constant 0 : i32
    %ne3A_219 = arith.cmpi ne, %rem3A_217, %ne3A_218 : i32
    %lt3A_220 = arith.constant 0 : i32
    %lt3A_221 = arith.cmpi slt, %rem3A_217, %lt3A_220 : i32
    %lt3A_222 = arith.constant 0 : i32
    %lt3A_223 = arith.cmpi slt, %select_n3A_216, %lt3A_222 : i32
    %ne3A_224 = arith.xori %lt3A_221, %lt3A_223 : i1
    %and3A_225 = arith.andi %ne3A_224, %ne3A_219 : i1
    %add3A_226 = arith.addi %rem3A_217, %select_n3A_216 : i32
    %select_n3A_227 = arith.select %and3A_225, %add3A_226, %rem3A_217 : i32
    %jit3A_228 = arith.constant 128 : i32
    %div3A_229 = arith.divsi %select_n3A_227, %jit3A_228 : i32
    %sign3A_230 = arith.constant 0 : i32
    %sign3A_231 = arith.cmpi sgt, %select_n3A_227, %sign3A_230 : i32
    %sign3A_232 = arith.extui %sign3A_231 : i1 to i32
    %sign3A_233 = arith.constant 0 : i32
    %sign3A_234 = arith.cmpi slt, %select_n3A_227, %sign3A_233 : i32
    %sign3A_235 = arith.extui %sign3A_234 : i1 to i32
    %sign3A_236 = arith.subi %sign3A_232, %sign3A_235 : i32
    %sign3A_237 = arith.constant 0 : i32
    %sign3A_238 = arith.cmpi sgt, %jit3A_228, %sign3A_237 : i32
    %sign3A_239 = arith.extui %sign3A_238 : i1 to i32
    %sign3A_240 = arith.constant 0 : i32
    %sign3A_241 = arith.cmpi slt, %jit3A_228, %sign3A_240 : i32
    %sign3A_242 = arith.extui %sign3A_241 : i1 to i32
    %sign3A_243 = arith.subi %sign3A_239, %sign3A_242 : i32
    %ne3A_244 = arith.cmpi ne, %sign3A_236, %sign3A_243 : i32
    %rem3A_245 = arith.remsi %select_n3A_227, %jit3A_228 : i32
    %ne3A_246 = arith.constant 0 : i32
    %ne3A_247 = arith.cmpi ne, %rem3A_245, %ne3A_246 : i32
    %and3A_248 = arith.andi %ne3A_244, %ne3A_247 : i1
    %sub3A_249 = arith.constant 1 : i32
    %sub3A_250 = arith.subi %div3A_229, %sub3A_249 : i32
    %select_n3A_251 = arith.select %and3A_248, %sub3A_250, %div3A_229 : i32
    %jit3A_252 = arith.constant 128 : i32
    %eq3A_253 = arith.constant 0 : i32
    %eq3A_254 = arith.cmpi eq, %jit3A_252, %eq3A_253 : i32
    %jit3A_255 = arith.constant 1 : i32
    %select_n3A_256 = arith.select %eq3A_254, %jit3A_255, %jit3A_252 : i32
    %rem3A_257 = arith.remsi %add3A_186, %select_n3A_256 : i32
    %ne3A_258 = arith.constant 0 : i32
    %ne3A_259 = arith.cmpi ne, %rem3A_257, %ne3A_258 : i32
    %lt3A_260 = arith.constant 0 : i32
    %lt3A_261 = arith.cmpi slt, %rem3A_257, %lt3A_260 : i32
    %lt3A_262 = arith.constant 0 : i32
    %lt3A_263 = arith.cmpi slt, %select_n3A_256, %lt3A_262 : i32
    %ne3A_264 = arith.xori %lt3A_261, %lt3A_263 : i1
    %and3A_265 = arith.andi %ne3A_264, %ne3A_259 : i1
    %add3A_266 = arith.addi %rem3A_257, %select_n3A_256 : i32
    %select_n3A_267 = arith.select %and3A_265, %add3A_266, %rem3A_257 : i32
    %add3A_268 = arith.constant 0 : i32
    %add3A_269 = arith.addi %add3A_268, %select_n3A_251 : i32
    %dma_start3A_270 = arith.constant 0 : i32
    %dma_start3A_271 = arith.constant 0 : i32
    %dma_start3A_272 = tpu.memref_slice %arg6[%dma_start3A_270, %dma_start3A_271] : memref<128x512xf32, #tpu.memory_space<vmem>> -> memref<64x512xf32, #tpu.memory_space<vmem>>
    %dma_start3A_273 = tpu.memref_slice %arg5[%sub3A_211, %add3A_269, %select_n3A_267] : memref<2x8x128xi32, #tpu.memory_space<vmem>> -> memref<1x1x64xi32, #tpu.memory_space<vmem>>
    %dma_start3A_274 = tpu.memref_squeeze %dma_start3A_273 : memref<1x1x64xi32, #tpu.memory_space<vmem>> -> memref<64xi32, #tpu.memory_space<vmem>>
    %dma_start3A_275 = arith.constant 0 : i32
    %dma_start3A_276 = arith.constant 0 : i32
    %dma_start3A_277 = tpu.memref_slice %arg2[%dma_start3A_275, %dma_start3A_276] : memref<2048x512xf32, #tpu.memory_space<hbm>> -> memref<2048x512xf32, #tpu.memory_space<hbm>>
    tpu.enqueue_indirect_dma source(%dma_start3A_277 : memref<2048x512xf32, #tpu.memory_space<hbm>>) target(%dma_start3A_272 : memref<64x512xf32, #tpu.memory_space<vmem>>) offsets(%dma_start3A_274 : memref<64xi32, #tpu.memory_space<vmem>>) semaphore(%arg7 : memref<!tpu.dma_semaphore, #tpu.memory_space<semaphore_mem>>)
    %dma_wait3A_278 = arith.constant 0 : i32
    %dma_wait3A_279 = arith.constant 0 : i32
    %dma_wait3A_280 = tpu.memref_slice %arg6[%dma_wait3A_278, %dma_wait3A_279] : memref<128x512xf32, #tpu.memory_space<vmem>> -> memref<64x512xf32, #tpu.memory_space<vmem>>
    %dma_wait3A_281 = tpu.memref_slice %arg5[%sub3A_211, %add3A_269, %select_n3A_267] : memref<2x8x128xi32, #tpu.memory_space<vmem>> -> memref<1x1x64xi32, #tpu.memory_space<vmem>>
    %dma_wait3A_282 = tpu.memref_squeeze %dma_wait3A_281 : memref<1x1x64xi32, #tpu.memory_space<vmem>> -> memref<64xi32, #tpu.memory_space<vmem>>
    %dma_wait3A_283 = arith.constant 0 : i32
    %dma_wait3A_284 = arith.constant 0 : i32
    %dma_wait3A_285 = tpu.memref_slice %arg2[%dma_wait3A_283, %dma_wait3A_284] : memref<2048x512xf32, #tpu.memory_space<hbm>> -> memref<2048x512xf32, #tpu.memory_space<hbm>>
    tpu.wait_indirect_dma semaphore(%arg7 : memref<!tpu.dma_semaphore, #tpu.memory_space<semaphore_mem>>) src(%dma_wait3A_285 : memref<2048x512xf32, #tpu.memory_space<hbm>>) dst(%dma_wait3A_280 : memref<64x512xf32, #tpu.memory_space<vmem>>)
    "tpu.region"() ({
      %run_scoped3A_690 = tpu.sem_alloc : memref<!tpu.dma_semaphore, #tpu.memory_space<semaphore_mem>>
      %dma_start3A_691 = arith.constant 0 : i32
      %dma_start3A_692 = arith.constant 0 : i32
      %dma_start3A_693 = tpu.memref_slice %arg6[%dma_start3A_691, %dma_start3A_692] : memref<128x512xf32, #tpu.memory_space<vmem>> -> memref<64x512xf32, #tpu.memory_space<vmem>>
      %dma_start3A_694 = arith.constant 0 : i32
      %dma_start3A_695 = tpu.memref_slice %arg4[%add3A_186, %dma_start3A_694] : memref<6144x1024xf32, #tpu.memory_space<hbm>> -> memref<64x512xf32, #tpu.memory_space<hbm>>
      %dma_start3A_696 = arith.constant 0 : i32
      %dma_start3A_697 = tpu.memref_slice %arg4[%add3A_186, %dma_start3A_696] : memref<6144x1024xf32, #tpu.memory_space<hbm>> -> memref<64x512xf32, #tpu.memory_space<hbm>>
      %dma_start3A_698 = arith.constant 0 : i32
      %dma_start3A_699 = arith.constant 0 : i32
      %dma_start3A_700 = tpu.memref_slice %arg6[%dma_start3A_698, %dma_start3A_699] : memref<128x512xf32, #tpu.memory_space<vmem>> -> memref<64x512xf32, #tpu.memory_space<vmem>>
      tpu.enqueue_dma source(%dma_start3A_700 : memref<64x512xf32, #tpu.memory_space<vmem>>) target(%dma_start3A_697 : memref<64x512xf32, #tpu.memory_space<hbm>>) target_semaphore(%run_scoped3A_690 : memref<!tpu.dma_semaphore, #tpu.memory_space<semaphore_mem>>)
      %dma_wait3A_701 = arith.constant 0 : i32
      %dma_wait3A_702 = arith.constant 0 : i32
      %dma_wait3A_703 = tpu.memref_slice %arg6[%dma_wait3A_701, %dma_wait3A_702] : memref<128x512xf32, #tpu.memory_space<vmem>> -> memref<64x512xf32, #tpu.memory_space<vmem>>
      %dma_wait3A_704 = arith.constant 0 : i32
      %dma_wait3A_705 = tpu.memref_slice %arg4[%add3A_186, %dma_wait3A_704] : memref<6144x1024xf32, #tpu.memory_space<hbm>> -> memref<64x512xf32, #tpu.memory_space<hbm>>
      %dma_wait3A_706 = arith.constant 0 : i32
      %dma_wait3A_707 = tpu.memref_slice %arg4[%add3A_186, %dma_wait3A_706] : memref<6144x1024xf32, #tpu.memory_space<hbm>> -> memref<64x512xf32, #tpu.memory_space<hbm>>
      %dma_wait3A_708 = arith.constant 0 : i32
      %dma_wait3A_709 = arith.constant 0 : i32
      %dma_wait3A_710 = tpu.memref_slice %arg6[%dma_wait3A_708, %dma_wait3A_709] : memref<128x512xf32, #tpu.memory_space<vmem>> -> memref<64x512xf32, #tpu.memory_space<vmem>>
      tpu.wait_dma2 semaphore(%run_scoped3A_690 : memref<!tpu.dma_semaphore, #tpu.memory_space<semaphore_mem>>) src(%dma_wait3A_710 : memref<64x512xf32, #tpu.memory_space<vmem>>) dst(%dma_wait3A_707 : memref<64x512xf32, #tpu.memory_space<hbm>>)
      tpu.yield
    }) : () -> ()
    %add3A_286 = arith.constant 128 : i32
    %add3A_287 = arith.addi %mul3A_2, %add3A_286 : i32
    %jit3A_288 = arith.constant 512 : i32
    %div3A_289 = arith.divsi %add3A_287, %jit3A_288 : i32
    %sign3A_290 = arith.constant 0 : i32
    %sign3A_291 = arith.cmpi sgt, %add3A_287, %sign3A_290 : i32
    %sign3A_292 = arith.extui %sign3A_291 : i1 to i32
    %sign3A_293 = arith.constant 0 : i32
    %sign3A_294 = arith.cmpi slt, %add3A_287, %sign3A_293 : i32
    %sign3A_295 = arith.extui %sign3A_294 : i1 to i32
    %sign3A_296 = arith.subi %sign3A_292, %sign3A_295 : i32
    %sign3A_297 = arith.constant 0 : i32
    %sign3A_298 = arith.cmpi sgt, %jit3A_288, %sign3A_297 : i32
    %sign3A_299 = arith.extui %sign3A_298 : i1 to i32
    %sign3A_300 = arith.constant 0 : i32
    %sign3A_301 = arith.cmpi slt, %jit3A_288, %sign3A_300 : i32
    %sign3A_302 = arith.extui %sign3A_301 : i1 to i32
    %sign3A_303 = arith.subi %sign3A_299, %sign3A_302 : i32
    %ne3A_304 = arith.cmpi ne, %sign3A_296, %sign3A_303 : i32
    %rem3A_305 = arith.remsi %add3A_287, %jit3A_288 : i32
    %ne3A_306 = arith.constant 0 : i32
    %ne3A_307 = arith.cmpi ne, %rem3A_305, %ne3A_306 : i32
    %and3A_308 = arith.andi %ne3A_304, %ne3A_307 : i1
    %sub3A_309 = arith.constant 1 : i32
    %sub3A_310 = arith.subi %div3A_289, %sub3A_309 : i32
    %select_n3A_311 = arith.select %and3A_308, %sub3A_310, %div3A_289 : i32
    %sub3A_312 = arith.subi %select_n3A_311, %select_n3A : i32
    %jit3A_313 = arith.constant 512 : i32
    %eq3A_314 = arith.constant 0 : i32
    %eq3A_315 = arith.cmpi eq, %jit3A_313, %eq3A_314 : i32
    %jit3A_316 = arith.constant 1 : i32
    %select_n3A_317 = arith.select %eq3A_315, %jit3A_316, %jit3A_313 : i32
    %rem3A_318 = arith.remsi %add3A_287, %select_n3A_317 : i32
    %ne3A_319 = arith.constant 0 : i32
    %ne3A_320 = arith.cmpi ne, %rem3A_318, %ne3A_319 : i32
    %lt3A_321 = arith.constant 0 : i32
    %lt3A_322 = arith.cmpi slt, %rem3A_318, %lt3A_321 : i32
    %lt3A_323 = arith.constant 0 : i32
    %lt3A_324 = arith.cmpi slt, %select_n3A_317, %lt3A_323 : i32
    %ne3A_325 = arith.xori %lt3A_322, %lt3A_324 : i1
    %and3A_326 = arith.andi %ne3A_325, %ne3A_320 : i1
    %add3A_327 = arith.addi %rem3A_318, %select_n3A_317 : i32
    %select_n3A_328 = arith.select %and3A_326, %add3A_327, %rem3A_318 : i32
    %jit3A_329 = arith.constant 128 : i32
    %div3A_330 = arith.divsi %select_n3A_328, %jit3A_329 : i32
    %sign3A_331 = arith.constant 0 : i32
    %sign3A_332 = arith.cmpi sgt, %select_n3A_328, %sign3A_331 : i32
    %sign3A_333 = arith.extui %sign3A_332 : i1 to i32
    %sign3A_334 = arith.constant 0 : i32
    %sign3A_335 = arith.cmpi slt, %select_n3A_328, %sign3A_334 : i32
    %sign3A_336 = arith.extui %sign3A_335 : i1 to i32
    %sign3A_337 = arith.subi %sign3A_333, %sign3A_336 : i32
    %sign3A_338 = arith.constant 0 : i32
    %sign3A_339 = arith.cmpi sgt, %jit3A_329, %sign3A_338 : i32
    %sign3A_340 = arith.extui %sign3A_339 : i1 to i32
    %sign3A_341 = arith.constant 0 : i32
    %sign3A_342 = arith.cmpi slt, %jit3A_329, %sign3A_341 : i32
    %sign3A_343 = arith.extui %sign3A_342 : i1 to i32
    %sign3A_344 = arith.subi %sign3A_340, %sign3A_343 : i32
    %ne3A_345 = arith.cmpi ne, %sign3A_337, %sign3A_344 : i32
    %rem3A_346 = arith.remsi %select_n3A_328, %jit3A_329 : i32
    %ne3A_347 = arith.constant 0 : i32
    %ne3A_348 = arith.cmpi ne, %rem3A_346, %ne3A_347 : i32
    %and3A_349 = arith.andi %ne3A_345, %ne3A_348 : i1
    %sub3A_350 = arith.constant 1 : i32
    %sub3A_351 = arith.subi %div3A_330, %sub3A_350 : i32
    %select_n3A_352 = arith.select %and3A_349, %sub3A_351, %div3A_330 : i32
    %jit3A_353 = arith.constant 128 : i32
    %eq3A_354 = arith.constant 0 : i32
    %eq3A_355 = arith.cmpi eq, %jit3A_353, %eq3A_354 : i32
    %jit3A_356 = arith.constant 1 : i32
    %select_n3A_357 = arith.select %eq3A_355, %jit3A_356, %jit3A_353 : i32
    %rem3A_358 = arith.remsi %add3A_287, %select_n3A_357 : i32
    %ne3A_359 = arith.constant 0 : i32
    %ne3A_360 = arith.cmpi ne, %rem3A_358, %ne3A_359 : i32
    %lt3A_361 = arith.constant 0 : i32
    %lt3A_362 = arith.cmpi slt, %rem3A_358, %lt3A_361 : i32
    %lt3A_363 = arith.constant 0 : i32
    %lt3A_364 = arith.cmpi slt, %select_n3A_357, %lt3A_363 : i32
    %ne3A_365 = arith.xori %lt3A_362, %lt3A_364 : i1
    %and3A_366 = arith.andi %ne3A_365, %ne3A_360 : i1
    %add3A_367 = arith.addi %rem3A_358, %select_n3A_357 : i32
    %select_n3A_368 = arith.select %and3A_366, %add3A_367, %rem3A_358 : i32
    %add3A_369 = arith.constant 0 : i32
    %add3A_370 = arith.addi %add3A_369, %select_n3A_352 : i32
    %dma_start3A_371 = arith.constant 0 : i32
    %dma_start3A_372 = arith.constant 0 : i32
    %dma_start3A_373 = tpu.memref_slice %arg6[%dma_start3A_371, %dma_start3A_372] : memref<128x512xf32, #tpu.memory_space<vmem>> -> memref<64x512xf32, #tpu.memory_space<vmem>>
    %dma_start3A_374 = tpu.memref_slice %arg5[%sub3A_312, %add3A_370, %select_n3A_368] : memref<2x8x128xi32, #tpu.memory_space<vmem>> -> memref<1x1x64xi32, #tpu.memory_space<vmem>>
    %dma_start3A_375 = tpu.memref_squeeze %dma_start3A_374 : memref<1x1x64xi32, #tpu.memory_space<vmem>> -> memref<64xi32, #tpu.memory_space<vmem>>
    %dma_start3A_376 = arith.constant 0 : i32
    %dma_start3A_377 = arith.constant 0 : i32
    %dma_start3A_378 = tpu.memref_slice %arg2[%dma_start3A_376, %dma_start3A_377] : memref<2048x512xf32, #tpu.memory_space<hbm>> -> memref<2048x512xf32, #tpu.memory_space<hbm>>
    tpu.enqueue_indirect_dma source(%dma_start3A_378 : memref<2048x512xf32, #tpu.memory_space<hbm>>) target(%dma_start3A_373 : memref<64x512xf32, #tpu.memory_space<vmem>>) offsets(%dma_start3A_375 : memref<64xi32, #tpu.memory_space<vmem>>) semaphore(%arg7 : memref<!tpu.dma_semaphore, #tpu.memory_space<semaphore_mem>>)
    %dma_wait3A_379 = arith.constant 0 : i32
    %dma_wait3A_380 = arith.constant 0 : i32
    %dma_wait3A_381 = tpu.memref_slice %arg6[%dma_wait3A_379, %dma_wait3A_380] : memref<128x512xf32, #tpu.memory_space<vmem>> -> memref<64x512xf32, #tpu.memory_space<vmem>>
    %dma_wait3A_382 = tpu.memref_slice %arg5[%sub3A_312, %add3A_370, %select_n3A_368] : memref<2x8x128xi32, #tpu.memory_space<vmem>> -> memref<1x1x64xi32, #tpu.memory_space<vmem>>
    %dma_wait3A_383 = tpu.memref_squeeze %dma_wait3A_382 : memref<1x1x64xi32, #tpu.memory_space<vmem>> -> memref<64xi32, #tpu.memory_space<vmem>>
    %dma_wait3A_384 = arith.constant 0 : i32
    %dma_wait3A_385 = arith.constant 0 : i32
    %dma_wait3A_386 = tpu.memref_slice %arg2[%dma_wait3A_384, %dma_wait3A_385] : memref<2048x512xf32, #tpu.memory_space<hbm>> -> memref<2048x512xf32, #tpu.memory_space<hbm>>
    tpu.wait_indirect_dma semaphore(%arg7 : memref<!tpu.dma_semaphore, #tpu.memory_space<semaphore_mem>>) src(%dma_wait3A_386 : memref<2048x512xf32, #tpu.memory_space<hbm>>) dst(%dma_wait3A_381 : memref<64x512xf32, #tpu.memory_space<vmem>>)
    "tpu.region"() ({
      %run_scoped3A_690 = tpu.sem_alloc : memref<!tpu.dma_semaphore, #tpu.memory_space<semaphore_mem>>
      %dma_start3A_691 = arith.constant 0 : i32
      %dma_start3A_692 = arith.constant 0 : i32
      %dma_start3A_693 = tpu.memref_slice %arg6[%dma_start3A_691, %dma_start3A_692] : memref<128x512xf32, #tpu.memory_space<vmem>> -> memref<64x512xf32, #tpu.memory_space<vmem>>
      %dma_start3A_694 = arith.constant 0 : i32
      %dma_start3A_695 = tpu.memref_slice %arg4[%add3A_287, %dma_start3A_694] : memref<6144x1024xf32, #tpu.memory_space<hbm>> -> memref<64x512xf32, #tpu.memory_space<hbm>>
      %dma_start3A_696 = arith.constant 0 : i32
      %dma_start3A_697 = tpu.memref_slice %arg4[%add3A_287, %dma_start3A_696] : memref<6144x1024xf32, #tpu.memory_space<hbm>> -> memref<64x512xf32, #tpu.memory_space<hbm>>
      %dma_start3A_698 = arith.constant 0 : i32
      %dma_start3A_699 = arith.constant 0 : i32
      %dma_start3A_700 = tpu.memref_slice %arg6[%dma_start3A_698, %dma_start3A_699] : memref<128x512xf32, #tpu.memory_space<vmem>> -> memref<64x512xf32, #tpu.memory_space<vmem>>
      tpu.enqueue_dma source(%dma_start3A_700 : memref<64x512xf32, #tpu.memory_space<vmem>>) target(%dma_start3A_697 : memref<64x512xf32, #tpu.memory_space<hbm>>) target_semaphore(%run_scoped3A_690 : memref<!tpu.dma_semaphore, #tpu.memory_space<semaphore_mem>>)
      %dma_wait3A_701 = arith.constant 0 : i32
      %dma_wait3A_702 = arith.constant 0 : i32
      %dma_wait3A_703 = tpu.memref_slice %arg6[%dma_wait3A_701, %dma_wait3A_702] : memref<128x512xf32, #tpu.memory_space<vmem>> -> memref<64x512xf32, #tpu.memory_space<vmem>>
      %dma_wait3A_704 = arith.constant 0 : i32
      %dma_wait3A_705 = tpu.memref_slice %arg4[%add3A_287, %dma_wait3A_704] : memref<6144x1024xf32, #tpu.memory_space<hbm>> -> memref<64x512xf32, #tpu.memory_space<hbm>>
      %dma_wait3A_706 = arith.constant 0 : i32
      %dma_wait3A_707 = tpu.memref_slice %arg4[%add3A_287, %dma_wait3A_706] : memref<6144x1024xf32, #tpu.memory_space<hbm>> -> memref<64x512xf32, #tpu.memory_space<hbm>>
      %dma_wait3A_708 = arith.constant 0 : i32
      %dma_wait3A_709 = arith.constant 0 : i32
      %dma_wait3A_710 = tpu.memref_slice %arg6[%dma_wait3A_708, %dma_wait3A_709] : memref<128x512xf32, #tpu.memory_space<vmem>> -> memref<64x512xf32, #tpu.memory_space<vmem>>
      tpu.wait_dma2 semaphore(%run_scoped3A_690 : memref<!tpu.dma_semaphore, #tpu.memory_space<semaphore_mem>>) src(%dma_wait3A_710 : memref<64x512xf32, #tpu.memory_space<vmem>>) dst(%dma_wait3A_707 : memref<64x512xf32, #tpu.memory_space<hbm>>)
      tpu.yield
    }) : () -> ()
    %add3A_387 = arith.constant 0 : i32
    %add3A_388 = arith.addi %mul3A_2, %add3A_387 : i32
    %jit3A_389 = arith.constant 512 : i32
    %div3A_390 = arith.divsi %add3A_388, %jit3A_389 : i32
    %sign3A_391 = arith.constant 0 : i32
    %sign3A_392 = arith.cmpi sgt, %add3A_388, %sign3A_391 : i32
    %sign3A_393 = arith.extui %sign3A_392 : i1 to i32
    %sign3A_394 = arith.constant 0 : i32
    %sign3A_395 = arith.cmpi slt, %add3A_388, %sign3A_394 : i32
    %sign3A_396 = arith.extui %sign3A_395 : i1 to i32
    %sign3A_397 = arith.subi %sign3A_393, %sign3A_396 : i32
    %sign3A_398 = arith.constant 0 : i32
    %sign3A_399 = arith.cmpi sgt, %jit3A_389, %sign3A_398 : i32
    %sign3A_400 = arith.extui %sign3A_399 : i1 to i32
    %sign3A_401 = arith.constant 0 : i32
    %sign3A_402 = arith.cmpi slt, %jit3A_389, %sign3A_401 : i32
    %sign3A_403 = arith.extui %sign3A_402 : i1 to i32
    %sign3A_404 = arith.subi %sign3A_400, %sign3A_403 : i32
    %ne3A_405 = arith.cmpi ne, %sign3A_397, %sign3A_404 : i32
    %rem3A_406 = arith.remsi %add3A_388, %jit3A_389 : i32
    %ne3A_407 = arith.constant 0 : i32
    %ne3A_408 = arith.cmpi ne, %rem3A_406, %ne3A_407 : i32
    %and3A_409 = arith.andi %ne3A_405, %ne3A_408 : i1
    %sub3A_410 = arith.constant 1 : i32
    %sub3A_411 = arith.subi %div3A_390, %sub3A_410 : i32
    %select_n3A_412 = arith.select %and3A_409, %sub3A_411, %div3A_390 : i32
    %sub3A_413 = arith.subi %select_n3A_412, %select_n3A : i32
    %jit3A_414 = arith.constant 512 : i32
    %eq3A_415 = arith.constant 0 : i32
    %eq3A_416 = arith.cmpi eq, %jit3A_414, %eq3A_415 : i32
    %jit3A_417 = arith.constant 1 : i32
    %select_n3A_418 = arith.select %eq3A_416, %jit3A_417, %jit3A_414 : i32
    %rem3A_419 = arith.remsi %add3A_388, %select_n3A_418 : i32
    %ne3A_420 = arith.constant 0 : i32
    %ne3A_421 = arith.cmpi ne, %rem3A_419, %ne3A_420 : i32
    %lt3A_422 = arith.constant 0 : i32
    %lt3A_423 = arith.cmpi slt, %rem3A_419, %lt3A_422 : i32
    %lt3A_424 = arith.constant 0 : i32
    %lt3A_425 = arith.cmpi slt, %select_n3A_418, %lt3A_424 : i32
    %ne3A_426 = arith.xori %lt3A_423, %lt3A_425 : i1
    %and3A_427 = arith.andi %ne3A_426, %ne3A_421 : i1
    %add3A_428 = arith.addi %rem3A_419, %select_n3A_418 : i32
    %select_n3A_429 = arith.select %and3A_427, %add3A_428, %rem3A_419 : i32
    %jit3A_430 = arith.constant 128 : i32
    %div3A_431 = arith.divsi %select_n3A_429, %jit3A_430 : i32
    %sign3A_432 = arith.constant 0 : i32
    %sign3A_433 = arith.cmpi sgt, %select_n3A_429, %sign3A_432 : i32
    %sign3A_434 = arith.extui %sign3A_433 : i1 to i32
    %sign3A_435 = arith.constant 0 : i32
    %sign3A_436 = arith.cmpi slt, %select_n3A_429, %sign3A_435 : i32
    %sign3A_437 = arith.extui %sign3A_436 : i1 to i32
    %sign3A_438 = arith.subi %sign3A_434, %sign3A_437 : i32
    %sign3A_439 = arith.constant 0 : i32
    %sign3A_440 = arith.cmpi sgt, %jit3A_430, %sign3A_439 : i32
    %sign3A_441 = arith.extui %sign3A_440 : i1 to i32
    %sign3A_442 = arith.constant 0 : i32
    %sign3A_443 = arith.cmpi slt, %jit3A_430, %sign3A_442 : i32
    %sign3A_444 = arith.extui %sign3A_443 : i1 to i32
    %sign3A_445 = arith.subi %sign3A_441, %sign3A_444 : i32
    %ne3A_446 = arith.cmpi ne, %sign3A_438, %sign3A_445 : i32
    %rem3A_447 = arith.remsi %select_n3A_429, %jit3A_430 : i32
    %ne3A_448 = arith.constant 0 : i32
    %ne3A_449 = arith.cmpi ne, %rem3A_447, %ne3A_448 : i32
    %and3A_450 = arith.andi %ne3A_446, %ne3A_449 : i1
    %sub3A_451 = arith.constant 1 : i32
    %sub3A_452 = arith.subi %div3A_431, %sub3A_451 : i32
    %select_n3A_453 = arith.select %and3A_450, %sub3A_452, %div3A_431 : i32
    %jit3A_454 = arith.constant 128 : i32
    %eq3A_455 = arith.constant 0 : i32
    %eq3A_456 = arith.cmpi eq, %jit3A_454, %eq3A_455 : i32
    %jit3A_457 = arith.constant 1 : i32
    %select_n3A_458 = arith.select %eq3A_456, %jit3A_457, %jit3A_454 : i32
    %rem3A_459 = arith.remsi %add3A_388, %select_n3A_458 : i32
    %ne3A_460 = arith.constant 0 : i32
    %ne3A_461 = arith.cmpi ne, %rem3A_459, %ne3A_460 : i32
    %lt3A_462 = arith.constant 0 : i32
    %lt3A_463 = arith.cmpi slt, %rem3A_459, %lt3A_462 : i32
    %lt3A_464 = arith.constant 0 : i32
    %lt3A_465 = arith.cmpi slt, %select_n3A_458, %lt3A_464 : i32
    %ne3A_466 = arith.xori %lt3A_463, %lt3A_465 : i1
    %and3A_467 = arith.andi %ne3A_466, %ne3A_461 : i1
    %add3A_468 = arith.addi %rem3A_459, %select_n3A_458 : i32
    %select_n3A_469 = arith.select %and3A_467, %add3A_468, %rem3A_459 : i32
    %add3A_470 = arith.constant 4 : i32
    %add3A_471 = arith.addi %add3A_470, %select_n3A_453 : i32
    %dma_start3A_472 = arith.constant 0 : i32
    %dma_start3A_473 = arith.constant 0 : i32
    %dma_start3A_474 = tpu.memref_slice %arg6[%dma_start3A_472, %dma_start3A_473] : memref<128x512xf32, #tpu.memory_space<vmem>> -> memref<64x512xf32, #tpu.memory_space<vmem>>
    %dma_start3A_475 = tpu.memref_slice %arg5[%sub3A_413, %add3A_471, %select_n3A_469] : memref<2x8x128xi32, #tpu.memory_space<vmem>> -> memref<1x1x64xi32, #tpu.memory_space<vmem>>
    %dma_start3A_476 = tpu.memref_squeeze %dma_start3A_475 : memref<1x1x64xi32, #tpu.memory_space<vmem>> -> memref<64xi32, #tpu.memory_space<vmem>>
    %dma_start3A_477 = arith.constant 0 : i32
    %dma_start3A_478 = arith.constant 0 : i32
    %dma_start3A_479 = tpu.memref_slice %arg2[%dma_start3A_477, %dma_start3A_478] : memref<2048x512xf32, #tpu.memory_space<hbm>> -> memref<2048x512xf32, #tpu.memory_space<hbm>>
    tpu.enqueue_indirect_dma source(%dma_start3A_479 : memref<2048x512xf32, #tpu.memory_space<hbm>>) target(%dma_start3A_474 : memref<64x512xf32, #tpu.memory_space<vmem>>) offsets(%dma_start3A_476 : memref<64xi32, #tpu.memory_space<vmem>>) semaphore(%arg7 : memref<!tpu.dma_semaphore, #tpu.memory_space<semaphore_mem>>)
    %dma_wait3A_480 = arith.constant 0 : i32
    %dma_wait3A_481 = arith.constant 0 : i32
    %dma_wait3A_482 = tpu.memref_slice %arg6[%dma_wait3A_480, %dma_wait3A_481] : memref<128x512xf32, #tpu.memory_space<vmem>> -> memref<64x512xf32, #tpu.memory_space<vmem>>
    %dma_wait3A_483 = tpu.memref_slice %arg5[%sub3A_413, %add3A_471, %select_n3A_469] : memref<2x8x128xi32, #tpu.memory_space<vmem>> -> memref<1x1x64xi32, #tpu.memory_space<vmem>>
    %dma_wait3A_484 = tpu.memref_squeeze %dma_wait3A_483 : memref<1x1x64xi32, #tpu.memory_space<vmem>> -> memref<64xi32, #tpu.memory_space<vmem>>
    %dma_wait3A_485 = arith.constant 0 : i32
    %dma_wait3A_486 = arith.constant 0 : i32
    %dma_wait3A_487 = tpu.memref_slice %arg2[%dma_wait3A_485, %dma_wait3A_486] : memref<2048x512xf32, #tpu.memory_space<hbm>> -> memref<2048x512xf32, #tpu.memory_space<hbm>>
    tpu.wait_indirect_dma semaphore(%arg7 : memref<!tpu.dma_semaphore, #tpu.memory_space<semaphore_mem>>) src(%dma_wait3A_487 : memref<2048x512xf32, #tpu.memory_space<hbm>>) dst(%dma_wait3A_482 : memref<64x512xf32, #tpu.memory_space<vmem>>)
    "tpu.region"() ({
      %run_scoped3A_690 = tpu.sem_alloc : memref<!tpu.dma_semaphore, #tpu.memory_space<semaphore_mem>>
      %dma_start3A_691 = arith.constant 0 : i32
      %dma_start3A_692 = arith.constant 0 : i32
      %dma_start3A_693 = tpu.memref_slice %arg6[%dma_start3A_691, %dma_start3A_692] : memref<128x512xf32, #tpu.memory_space<vmem>> -> memref<64x512xf32, #tpu.memory_space<vmem>>
      %dma_start3A_694 = arith.constant 512 : i32
      %dma_start3A_695 = tpu.memref_slice %arg4[%add3A_388, %dma_start3A_694] : memref<6144x1024xf32, #tpu.memory_space<hbm>> -> memref<64x512xf32, #tpu.memory_space<hbm>>
      %dma_start3A_696 = arith.constant 512 : i32
      %dma_start3A_697 = tpu.memref_slice %arg4[%add3A_388, %dma_start3A_696] : memref<6144x1024xf32, #tpu.memory_space<hbm>> -> memref<64x512xf32, #tpu.memory_space<hbm>>
      %dma_start3A_698 = arith.constant 0 : i32
      %dma_start3A_699 = arith.constant 0 : i32
      %dma_start3A_700 = tpu.memref_slice %arg6[%dma_start3A_698, %dma_start3A_699] : memref<128x512xf32, #tpu.memory_space<vmem>> -> memref<64x512xf32, #tpu.memory_space<vmem>>
      tpu.enqueue_dma source(%dma_start3A_700 : memref<64x512xf32, #tpu.memory_space<vmem>>) target(%dma_start3A_697 : memref<64x512xf32, #tpu.memory_space<hbm>>) target_semaphore(%run_scoped3A_690 : memref<!tpu.dma_semaphore, #tpu.memory_space<semaphore_mem>>)
      %dma_wait3A_701 = arith.constant 0 : i32
      %dma_wait3A_702 = arith.constant 0 : i32
      %dma_wait3A_703 = tpu.memref_slice %arg6[%dma_wait3A_701, %dma_wait3A_702] : memref<128x512xf32, #tpu.memory_space<vmem>> -> memref<64x512xf32, #tpu.memory_space<vmem>>
      %dma_wait3A_704 = arith.constant 512 : i32
      %dma_wait3A_705 = tpu.memref_slice %arg4[%add3A_388, %dma_wait3A_704] : memref<6144x1024xf32, #tpu.memory_space<hbm>> -> memref<64x512xf32, #tpu.memory_space<hbm>>
      %dma_wait3A_706 = arith.constant 512 : i32
      %dma_wait3A_707 = tpu.memref_slice %arg4[%add3A_388, %dma_wait3A_706] : memref<6144x1024xf32, #tpu.memory_space<hbm>> -> memref<64x512xf32, #tpu.memory_space<hbm>>
      %dma_wait3A_708 = arith.constant 0 : i32
      %dma_wait3A_709 = arith.constant 0 : i32
      %dma_wait3A_710 = tpu.memref_slice %arg6[%dma_wait3A_708, %dma_wait3A_709] : memref<128x512xf32, #tpu.memory_space<vmem>> -> memref<64x512xf32, #tpu.memory_space<vmem>>
      tpu.wait_dma2 semaphore(%run_scoped3A_690 : memref<!tpu.dma_semaphore, #tpu.memory_space<semaphore_mem>>) src(%dma_wait3A_710 : memref<64x512xf32, #tpu.memory_space<vmem>>) dst(%dma_wait3A_707 : memref<64x512xf32, #tpu.memory_space<hbm>>)
      tpu.yield
    }) : () -> ()
    %add3A_488 = arith.constant 64 : i32
    %add3A_489 = arith.addi %mul3A_2, %add3A_488 : i32
    %jit3A_490 = arith.constant 512 : i32
    %div3A_491 = arith.divsi %add3A_489, %jit3A_490 : i32
    %sign3A_492 = arith.constant 0 : i32
    %sign3A_493 = arith.cmpi sgt, %add3A_489, %sign3A_492 : i32
    %sign3A_494 = arith.extui %sign3A_493 : i1 to i32
    %sign3A_495 = arith.constant 0 : i32
    %sign3A_496 = arith.cmpi slt, %add3A_489, %sign3A_495 : i32
    %sign3A_497 = arith.extui %sign3A_496 : i1 to i32
    %sign3A_498 = arith.subi %sign3A_494, %sign3A_497 : i32
    %sign3A_499 = arith.constant 0 : i32
    %sign3A_500 = arith.cmpi sgt, %jit3A_490, %sign3A_499 : i32
    %sign3A_501 = arith.extui %sign3A_500 : i1 to i32
    %sign3A_502 = arith.constant 0 : i32
    %sign3A_503 = arith.cmpi slt, %jit3A_490, %sign3A_502 : i32
    %sign3A_504 = arith.extui %sign3A_503 : i1 to i32
    %sign3A_505 = arith.subi %sign3A_501, %sign3A_504 : i32
    %ne3A_506 = arith.cmpi ne, %sign3A_498, %sign3A_505 : i32
    %rem3A_507 = arith.remsi %add3A_489, %jit3A_490 : i32
    %ne3A_508 = arith.constant 0 : i32
    %ne3A_509 = arith.cmpi ne, %rem3A_507, %ne3A_508 : i32
    %and3A_510 = arith.andi %ne3A_506, %ne3A_509 : i1
    %sub3A_511 = arith.constant 1 : i32
    %sub3A_512 = arith.subi %div3A_491, %sub3A_511 : i32
    %select_n3A_513 = arith.select %and3A_510, %sub3A_512, %div3A_491 : i32
    %sub3A_514 = arith.subi %select_n3A_513, %select_n3A : i32
    %jit3A_515 = arith.constant 512 : i32
    %eq3A_516 = arith.constant 0 : i32
    %eq3A_517 = arith.cmpi eq, %jit3A_515, %eq3A_516 : i32
    %jit3A_518 = arith.constant 1 : i32
    %select_n3A_519 = arith.select %eq3A_517, %jit3A_518, %jit3A_515 : i32
    %rem3A_520 = arith.remsi %add3A_489, %select_n3A_519 : i32
    %ne3A_521 = arith.constant 0 : i32
    %ne3A_522 = arith.cmpi ne, %rem3A_520, %ne3A_521 : i32
    %lt3A_523 = arith.constant 0 : i32
    %lt3A_524 = arith.cmpi slt, %rem3A_520, %lt3A_523 : i32
    %lt3A_525 = arith.constant 0 : i32
    %lt3A_526 = arith.cmpi slt, %select_n3A_519, %lt3A_525 : i32
    %ne3A_527 = arith.xori %lt3A_524, %lt3A_526 : i1
    %and3A_528 = arith.andi %ne3A_527, %ne3A_522 : i1
    %add3A_529 = arith.addi %rem3A_520, %select_n3A_519 : i32
    %select_n3A_530 = arith.select %and3A_528, %add3A_529, %rem3A_520 : i32
    %jit3A_531 = arith.constant 128 : i32
    %div3A_532 = arith.divsi %select_n3A_530, %jit3A_531 : i32
    %sign3A_533 = arith.constant 0 : i32
    %sign3A_534 = arith.cmpi sgt, %select_n3A_530, %sign3A_533 : i32
    %sign3A_535 = arith.extui %sign3A_534 : i1 to i32
    %sign3A_536 = arith.constant 0 : i32
    %sign3A_537 = arith.cmpi slt, %select_n3A_530, %sign3A_536 : i32
    %sign3A_538 = arith.extui %sign3A_537 : i1 to i32
    %sign3A_539 = arith.subi %sign3A_535, %sign3A_538 : i32
    %sign3A_540 = arith.constant 0 : i32
    %sign3A_541 = arith.cmpi sgt, %jit3A_531, %sign3A_540 : i32
    %sign3A_542 = arith.extui %sign3A_541 : i1 to i32
    %sign3A_543 = arith.constant 0 : i32
    %sign3A_544 = arith.cmpi slt, %jit3A_531, %sign3A_543 : i32
    %sign3A_545 = arith.extui %sign3A_544 : i1 to i32
    %sign3A_546 = arith.subi %sign3A_542, %sign3A_545 : i32
    %ne3A_547 = arith.cmpi ne, %sign3A_539, %sign3A_546 : i32
    %rem3A_548 = arith.remsi %select_n3A_530, %jit3A_531 : i32
    %ne3A_549 = arith.constant 0 : i32
    %ne3A_550 = arith.cmpi ne, %rem3A_548, %ne3A_549 : i32
    %and3A_551 = arith.andi %ne3A_547, %ne3A_550 : i1
    %sub3A_552 = arith.constant 1 : i32
    %sub3A_553 = arith.subi %div3A_532, %sub3A_552 : i32
    %select_n3A_554 = arith.select %and3A_551, %sub3A_553, %div3A_532 : i32
    %jit3A_555 = arith.constant 128 : i32
    %eq3A_556 = arith.constant 0 : i32
    %eq3A_557 = arith.cmpi eq, %jit3A_555, %eq3A_556 : i32
    %jit3A_558 = arith.constant 1 : i32
    %select_n3A_559 = arith.select %eq3A_557, %jit3A_558, %jit3A_555 : i32
    %rem3A_560 = arith.remsi %add3A_489, %select_n3A_559 : i32
    %ne3A_561 = arith.constant 0 : i32
    %ne3A_562 = arith.cmpi ne, %rem3A_560, %ne3A_561 : i32
    %lt3A_563 = arith.constant 0 : i32
    %lt3A_564 = arith.cmpi slt, %rem3A_560, %lt3A_563 : i32
    %lt3A_565 = arith.constant 0 : i32
    %lt3A_566 = arith.cmpi slt, %select_n3A_559, %lt3A_565 : i32
    %ne3A_567 = arith.xori %lt3A_564, %lt3A_566 : i1
    %and3A_568 = arith.andi %ne3A_567, %ne3A_562 : i1
    %add3A_569 = arith.addi %rem3A_560, %select_n3A_559 : i32
    %select_n3A_570 = arith.select %and3A_568, %add3A_569, %rem3A_560 : i32
    %add3A_571 = arith.constant 4 : i32
    %add3A_572 = arith.addi %add3A_571, %select_n3A_554 : i32
    %dma_start3A_573 = arith.constant 0 : i32
    %dma_start3A_574 = arith.constant 0 : i32
    %dma_start3A_575 = tpu.memref_slice %arg6[%dma_start3A_573, %dma_start3A_574] : memref<128x512xf32, #tpu.memory_space<vmem>> -> memref<64x512xf32, #tpu.memory_space<vmem>>
    %dma_start3A_576 = tpu.memref_slice %arg5[%sub3A_514, %add3A_572, %select_n3A_570] : memref<2x8x128xi32, #tpu.memory_space<vmem>> -> memref<1x1x64xi32, #tpu.memory_space<vmem>>
    %dma_start3A_577 = tpu.memref_squeeze %dma_start3A_576 : memref<1x1x64xi32, #tpu.memory_space<vmem>> -> memref<64xi32, #tpu.memory_space<vmem>>
    %dma_start3A_578 = arith.constant 0 : i32
    %dma_start3A_579 = arith.constant 0 : i32
    %dma_start3A_580 = tpu.memref_slice %arg2[%dma_start3A_578, %dma_start3A_579] : memref<2048x512xf32, #tpu.memory_space<hbm>> -> memref<2048x512xf32, #tpu.memory_space<hbm>>
    tpu.enqueue_indirect_dma source(%dma_start3A_580 : memref<2048x512xf32, #tpu.memory_space<hbm>>) target(%dma_start3A_575 : memref<64x512xf32, #tpu.memory_space<vmem>>) offsets(%dma_start3A_577 : memref<64xi32, #tpu.memory_space<vmem>>) semaphore(%arg7 : memref<!tpu.dma_semaphore, #tpu.memory_space<semaphore_mem>>)
    %dma_wait3A_581 = arith.constant 0 : i32
    %dma_wait3A_582 = arith.constant 0 : i32
    %dma_wait3A_583 = tpu.memref_slice %arg6[%dma_wait3A_581, %dma_wait3A_582] : memref<128x512xf32, #tpu.memory_space<vmem>> -> memref<64x512xf32, #tpu.memory_space<vmem>>
    %dma_wait3A_584 = tpu.memref_slice %arg5[%sub3A_514, %add3A_572, %select_n3A_570] : memref<2x8x128xi32, #tpu.memory_space<vmem>> -> memref<1x1x64xi32, #tpu.memory_space<vmem>>
    %dma_wait3A_585 = tpu.memref_squeeze %dma_wait3A_584 : memref<1x1x64xi32, #tpu.memory_space<vmem>> -> memref<64xi32, #tpu.memory_space<vmem>>
    %dma_wait3A_586 = arith.constant 0 : i32
    %dma_wait3A_587 = arith.constant 0 : i32
    %dma_wait3A_588 = tpu.memref_slice %arg2[%dma_wait3A_586, %dma_wait3A_587] : memref<2048x512xf32, #tpu.memory_space<hbm>> -> memref<2048x512xf32, #tpu.memory_space<hbm>>
    tpu.wait_indirect_dma semaphore(%arg7 : memref<!tpu.dma_semaphore, #tpu.memory_space<semaphore_mem>>) src(%dma_wait3A_588 : memref<2048x512xf32, #tpu.memory_space<hbm>>) dst(%dma_wait3A_583 : memref<64x512xf32, #tpu.memory_space<vmem>>)
    "tpu.region"() ({
      %run_scoped3A_690 = tpu.sem_alloc : memref<!tpu.dma_semaphore, #tpu.memory_space<semaphore_mem>>
      %dma_start3A_691 = arith.constant 0 : i32
      %dma_start3A_692 = arith.constant 0 : i32
      %dma_start3A_693 = tpu.memref_slice %arg6[%dma_start3A_691, %dma_start3A_692] : memref<128x512xf32, #tpu.memory_space<vmem>> -> memref<64x512xf32, #tpu.memory_space<vmem>>
      %dma_start3A_694 = arith.constant 512 : i32
      %dma_start3A_695 = tpu.memref_slice %arg4[%add3A_489, %dma_start3A_694] : memref<6144x1024xf32, #tpu.memory_space<hbm>> -> memref<64x512xf32, #tpu.memory_space<hbm>>
      %dma_start3A_696 = arith.constant 512 : i32
      %dma_start3A_697 = tpu.memref_slice %arg4[%add3A_489, %dma_start3A_696] : memref<6144x1024xf32, #tpu.memory_space<hbm>> -> memref<64x512xf32, #tpu.memory_space<hbm>>
      %dma_start3A_698 = arith.constant 0 : i32
      %dma_start3A_699 = arith.constant 0 : i32
      %dma_start3A_700 = tpu.memref_slice %arg6[%dma_start3A_698, %dma_start3A_699] : memref<128x512xf32, #tpu.memory_space<vmem>> -> memref<64x512xf32, #tpu.memory_space<vmem>>
      tpu.enqueue_dma source(%dma_start3A_700 : memref<64x512xf32, #tpu.memory_space<vmem>>) target(%dma_start3A_697 : memref<64x512xf32, #tpu.memory_space<hbm>>) target_semaphore(%run_scoped3A_690 : memref<!tpu.dma_semaphore, #tpu.memory_space<semaphore_mem>>)
      %dma_wait3A_701 = arith.constant 0 : i32
      %dma_wait3A_702 = arith.constant 0 : i32
      %dma_wait3A_703 = tpu.memref_slice %arg6[%dma_wait3A_701, %dma_wait3A_702] : memref<128x512xf32, #tpu.memory_space<vmem>> -> memref<64x512xf32, #tpu.memory_space<vmem>>
      %dma_wait3A_704 = arith.constant 512 : i32
      %dma_wait3A_705 = tpu.memref_slice %arg4[%add3A_489, %dma_wait3A_704] : memref<6144x1024xf32, #tpu.memory_space<hbm>> -> memref<64x512xf32, #tpu.memory_space<hbm>>
      %dma_wait3A_706 = arith.constant 512 : i32
      %dma_wait3A_707 = tpu.memref_slice %arg4[%add3A_489, %dma_wait3A_706] : memref<6144x1024xf32, #tpu.memory_space<hbm>> -> memref<64x512xf32, #tpu.memory_space<hbm>>
      %dma_wait3A_708 = arith.constant 0 : i32
      %dma_wait3A_709 = arith.constant 0 : i32
      %dma_wait3A_710 = tpu.memref_slice %arg6[%dma_wait3A_708, %dma_wait3A_709] : memref<128x512xf32, #tpu.memory_space<vmem>> -> memref<64x512xf32, #tpu.memory_space<vmem>>
      tpu.wait_dma2 semaphore(%run_scoped3A_690 : memref<!tpu.dma_semaphore, #tpu.memory_space<semaphore_mem>>) src(%dma_wait3A_710 : memref<64x512xf32, #tpu.memory_space<vmem>>) dst(%dma_wait3A_707 : memref<64x512xf32, #tpu.memory_space<hbm>>)
      tpu.yield
    }) : () -> ()
    %add3A_589 = arith.constant 128 : i32
    %add3A_590 = arith.addi %mul3A_2, %add3A_589 : i32
    %jit3A_591 = arith.constant 512 : i32
    %div3A_592 = arith.divsi %add3A_590, %jit3A_591 : i32
    %sign3A_593 = arith.constant 0 : i32
    %sign3A_594 = arith.cmpi sgt, %add3A_590, %sign3A_593 : i32
    %sign3A_595 = arith.extui %sign3A_594 : i1 to i32
    %sign3A_596 = arith.constant 0 : i32
    %sign3A_597 = arith.cmpi slt, %add3A_590, %sign3A_596 : i32
    %sign3A_598 = arith.extui %sign3A_597 : i1 to i32
    %sign3A_599 = arith.subi %sign3A_595, %sign3A_598 : i32
    %sign3A_600 = arith.constant 0 : i32
    %sign3A_601 = arith.cmpi sgt, %jit3A_591, %sign3A_600 : i32
    %sign3A_602 = arith.extui %sign3A_601 : i1 to i32
    %sign3A_603 = arith.constant 0 : i32
    %sign3A_604 = arith.cmpi slt, %jit3A_591, %sign3A_603 : i32
    %sign3A_605 = arith.extui %sign3A_604 : i1 to i32
    %sign3A_606 = arith.subi %sign3A_602, %sign3A_605 : i32
    %ne3A_607 = arith.cmpi ne, %sign3A_599, %sign3A_606 : i32
    %rem3A_608 = arith.remsi %add3A_590, %jit3A_591 : i32
    %ne3A_609 = arith.constant 0 : i32
    %ne3A_610 = arith.cmpi ne, %rem3A_608, %ne3A_609 : i32
    %and3A_611 = arith.andi %ne3A_607, %ne3A_610 : i1
    %sub3A_612 = arith.constant 1 : i32
    %sub3A_613 = arith.subi %div3A_592, %sub3A_612 : i32
    %select_n3A_614 = arith.select %and3A_611, %sub3A_613, %div3A_592 : i32
    %sub3A_615 = arith.subi %select_n3A_614, %select_n3A : i32
    %jit3A_616 = arith.constant 512 : i32
    %eq3A_617 = arith.constant 0 : i32
    %eq3A_618 = arith.cmpi eq, %jit3A_616, %eq3A_617 : i32
    %jit3A_619 = arith.constant 1 : i32
    %select_n3A_620 = arith.select %eq3A_618, %jit3A_619, %jit3A_616 : i32
    %rem3A_621 = arith.remsi %add3A_590, %select_n3A_620 : i32
    %ne3A_622 = arith.constant 0 : i32
    %ne3A_623 = arith.cmpi ne, %rem3A_621, %ne3A_622 : i32
    %lt3A_624 = arith.constant 0 : i32
    %lt3A_625 = arith.cmpi slt, %rem3A_621, %lt3A_624 : i32
    %lt3A_626 = arith.constant 0 : i32
    %lt3A_627 = arith.cmpi slt, %select_n3A_620, %lt3A_626 : i32
    %ne3A_628 = arith.xori %lt3A_625, %lt3A_627 : i1
    %and3A_629 = arith.andi %ne3A_628, %ne3A_623 : i1
    %add3A_630 = arith.addi %rem3A_621, %select_n3A_620 : i32
    %select_n3A_631 = arith.select %and3A_629, %add3A_630, %rem3A_621 : i32
    %jit3A_632 = arith.constant 128 : i32
    %div3A_633 = arith.divsi %select_n3A_631, %jit3A_632 : i32
    %sign3A_634 = arith.constant 0 : i32
    %sign3A_635 = arith.cmpi sgt, %select_n3A_631, %sign3A_634 : i32
    %sign3A_636 = arith.extui %sign3A_635 : i1 to i32
    %sign3A_637 = arith.constant 0 : i32
    %sign3A_638 = arith.cmpi slt, %select_n3A_631, %sign3A_637 : i32
    %sign3A_639 = arith.extui %sign3A_638 : i1 to i32
    %sign3A_640 = arith.subi %sign3A_636, %sign3A_639 : i32
    %sign3A_641 = arith.constant 0 : i32
    %sign3A_642 = arith.cmpi sgt, %jit3A_632, %sign3A_641 : i32
    %sign3A_643 = arith.extui %sign3A_642 : i1 to i32
    %sign3A_644 = arith.constant 0 : i32
    %sign3A_645 = arith.cmpi slt, %jit3A_632, %sign3A_644 : i32
    %sign3A_646 = arith.extui %sign3A_645 : i1 to i32
    %sign3A_647 = arith.subi %sign3A_643, %sign3A_646 : i32
    %ne3A_648 = arith.cmpi ne, %sign3A_640, %sign3A_647 : i32
    %rem3A_649 = arith.remsi %select_n3A_631, %jit3A_632 : i32
    %ne3A_650 = arith.constant 0 : i32
    %ne3A_651 = arith.cmpi ne, %rem3A_649, %ne3A_650 : i32
    %and3A_652 = arith.andi %ne3A_648, %ne3A_651 : i1
    %sub3A_653 = arith.constant 1 : i32
    %sub3A_654 = arith.subi %div3A_633, %sub3A_653 : i32
    %select_n3A_655 = arith.select %and3A_652, %sub3A_654, %div3A_633 : i32
    %jit3A_656 = arith.constant 128 : i32
    %eq3A_657 = arith.constant 0 : i32
    %eq3A_658 = arith.cmpi eq, %jit3A_656, %eq3A_657 : i32
    %jit3A_659 = arith.constant 1 : i32
    %select_n3A_660 = arith.select %eq3A_658, %jit3A_659, %jit3A_656 : i32
    %rem3A_661 = arith.remsi %add3A_590, %select_n3A_660 : i32
    %ne3A_662 = arith.constant 0 : i32
    %ne3A_663 = arith.cmpi ne, %rem3A_661, %ne3A_662 : i32
    %lt3A_664 = arith.constant 0 : i32
    %lt3A_665 = arith.cmpi slt, %rem3A_661, %lt3A_664 : i32
    %lt3A_666 = arith.constant 0 : i32
    %lt3A_667 = arith.cmpi slt, %select_n3A_660, %lt3A_666 : i32
    %ne3A_668 = arith.xori %lt3A_665, %lt3A_667 : i1
    %and3A_669 = arith.andi %ne3A_668, %ne3A_663 : i1
    %add3A_670 = arith.addi %rem3A_661, %select_n3A_660 : i32
    %select_n3A_671 = arith.select %and3A_669, %add3A_670, %rem3A_661 : i32
    %add3A_672 = arith.constant 4 : i32
    %add3A_673 = arith.addi %add3A_672, %select_n3A_655 : i32
    %dma_start3A_674 = arith.constant 0 : i32
    %dma_start3A_675 = arith.constant 0 : i32
    %dma_start3A_676 = tpu.memref_slice %arg6[%dma_start3A_674, %dma_start3A_675] : memref<128x512xf32, #tpu.memory_space<vmem>> -> memref<64x512xf32, #tpu.memory_space<vmem>>
    %dma_start3A_677 = tpu.memref_slice %arg5[%sub3A_615, %add3A_673, %select_n3A_671] : memref<2x8x128xi32, #tpu.memory_space<vmem>> -> memref<1x1x64xi32, #tpu.memory_space<vmem>>
    %dma_start3A_678 = tpu.memref_squeeze %dma_start3A_677 : memref<1x1x64xi32, #tpu.memory_space<vmem>> -> memref<64xi32, #tpu.memory_space<vmem>>
    %dma_start3A_679 = arith.constant 0 : i32
    %dma_start3A_680 = arith.constant 0 : i32
    %dma_start3A_681 = tpu.memref_slice %arg2[%dma_start3A_679, %dma_start3A_680] : memref<2048x512xf32, #tpu.memory_space<hbm>> -> memref<2048x512xf32, #tpu.memory_space<hbm>>
    tpu.enqueue_indirect_dma source(%dma_start3A_681 : memref<2048x512xf32, #tpu.memory_space<hbm>>) target(%dma_start3A_676 : memref<64x512xf32, #tpu.memory_space<vmem>>) offsets(%dma_start3A_678 : memref<64xi32, #tpu.memory_space<vmem>>) semaphore(%arg7 : memref<!tpu.dma_semaphore, #tpu.memory_space<semaphore_mem>>)
    %dma_wait3A_682 = arith.constant 0 : i32
    %dma_wait3A_683 = arith.constant 0 : i32
    %dma_wait3A_684 = tpu.memref_slice %arg6[%dma_wait3A_682, %dma_wait3A_683] : memref<128x512xf32, #tpu.memory_space<vmem>> -> memref<64x512xf32, #tpu.memory_space<vmem>>
    %dma_wait3A_685 = tpu.memref_slice %arg5[%sub3A_615, %add3A_673, %select_n3A_671] : memref<2x8x128xi32, #tpu.memory_space<vmem>> -> memref<1x1x64xi32, #tpu.memory_space<vmem>>
    %dma_wait3A_686 = tpu.memref_squeeze %dma_wait3A_685 : memref<1x1x64xi32, #tpu.memory_space<vmem>> -> memref<64xi32, #tpu.memory_space<vmem>>
    %dma_wait3A_687 = arith.constant 0 : i32
    %dma_wait3A_688 = arith.constant 0 : i32
    %dma_wait3A_689 = tpu.memref_slice %arg2[%dma_wait3A_687, %dma_wait3A_688] : memref<2048x512xf32, #tpu.memory_space<hbm>> -> memref<2048x512xf32, #tpu.memory_space<hbm>>
    tpu.wait_indirect_dma semaphore(%arg7 : memref<!tpu.dma_semaphore, #tpu.memory_space<semaphore_mem>>) src(%dma_wait3A_689 : memref<2048x512xf32, #tpu.memory_space<hbm>>) dst(%dma_wait3A_684 : memref<64x512xf32, #tpu.memory_space<vmem>>)
    "tpu.region"() ({
      %run_scoped3A_690 = tpu.sem_alloc : memref<!tpu.dma_semaphore, #tpu.memory_space<semaphore_mem>>
      %dma_start3A_691 = arith.constant 0 : i32
      %dma_start3A_692 = arith.constant 0 : i32
      %dma_start3A_693 = tpu.memref_slice %arg6[%dma_start3A_691, %dma_start3A_692] : memref<128x512xf32, #tpu.memory_space<vmem>> -> memref<64x512xf32, #tpu.memory_space<vmem>>
      %dma_start3A_694 = arith.constant 512 : i32
      %dma_start3A_695 = tpu.memref_slice %arg4[%add3A_590, %dma_start3A_694] : memref<6144x1024xf32, #tpu.memory_space<hbm>> -> memref<64x512xf32, #tpu.memory_space<hbm>>
      %dma_start3A_696 = arith.constant 512 : i32
      %dma_start3A_697 = tpu.memref_slice %arg4[%add3A_590, %dma_start3A_696] : memref<6144x1024xf32, #tpu.memory_space<hbm>> -> memref<64x512xf32, #tpu.memory_space<hbm>>
      %dma_start3A_698 = arith.constant 0 : i32
      %dma_start3A_699 = arith.constant 0 : i32
      %dma_start3A_700 = tpu.memref_slice %arg6[%dma_start3A_698, %dma_start3A_699] : memref<128x512xf32, #tpu.memory_space<vmem>> -> memref<64x512xf32, #tpu.memory_space<vmem>>
      tpu.enqueue_dma source(%dma_start3A_700 : memref<64x512xf32, #tpu.memory_space<vmem>>) target(%dma_start3A_697 : memref<64x512xf32, #tpu.memory_space<hbm>>) target_semaphore(%run_scoped3A_690 : memref<!tpu.dma_semaphore, #tpu.memory_space<semaphore_mem>>)
      %dma_wait3A_701 = arith.constant 0 : i32
      %dma_wait3A_702 = arith.constant 0 : i32
      %dma_wait3A_703 = tpu.memref_slice %arg6[%dma_wait3A_701, %dma_wait3A_702] : memref<128x512xf32, #tpu.memory_space<vmem>> -> memref<64x512xf32, #tpu.memory_space<vmem>>
      %dma_wait3A_704 = arith.constant 512 : i32
      %dma_wait3A_705 = tpu.memref_slice %arg4[%add3A_590, %dma_wait3A_704] : memref<6144x1024xf32, #tpu.memory_space<hbm>> -> memref<64x512xf32, #tpu.memory_space<hbm>>
      %dma_wait3A_706 = arith.constant 512 : i32
      %dma_wait3A_707 = tpu.memref_slice %arg4[%add3A_590, %dma_wait3A_706] : memref<6144x1024xf32, #tpu.memory_space<hbm>> -> memref<64x512xf32, #tpu.memory_space<hbm>>
      %dma_wait3A_708 = arith.constant 0 : i32
      %dma_wait3A_709 = arith.constant 0 : i32
      %dma_wait3A_710 = tpu.memref_slice %arg6[%dma_wait3A_708, %dma_wait3A_709] : memref<128x512xf32, #tpu.memory_space<vmem>> -> memref<64x512xf32, #tpu.memory_space<vmem>>
      tpu.wait_dma2 semaphore(%run_scoped3A_690 : memref<!tpu.dma_semaphore, #tpu.memory_space<semaphore_mem>>) src(%dma_wait3A_710 : memref<64x512xf32, #tpu.memory_space<vmem>>) dst(%dma_wait3A_707 : memref<64x512xf32, #tpu.memory_space<hbm>>)
      tpu.yield
    }) : () -> ()
    return
  }
}

#map = affine_map<(d0, d1) -> (0, 0)>
#map1 = affine_map<(d0, d1) -> (0, 0, 0)>
module attributes {stable_mosaic.version = 14 : i64} {
  func.func @k(%arg0: i32, %arg1: i32, %arg2: memref<2048x512xf32, #tpu.memory_space<hbm>>, %arg3: memref<4x8x128xi32, #tpu.memory_space<hbm>>, %arg4: memref<2048x1024xf32, #tpu.memory_space<hbm>>, %arg5: memref<2x8x128xi32, #tpu.memory_space<vmem>>, %arg6: memref<128x512xf32, #tpu.memory_space<vmem>>, %arg7: memref<!tpu.dma_semaphore, #tpu.memory_space<semaphore_mem>>) attributes {dimension_semantics = [#tpu.dimension_semantics<core_parallel>, #tpu.dimension_semantics<subcore_parallel>], iteration_bounds = array<i64: 2, 16>, scalar_prefetch = 0 : i64, scratch_operands = 3 : i64, tpu.core_type = #tpu.core_type<sc_vector_subcore>, window_params = [{transform_indices = #map}, {transform_indices = #map1}, {transform_indices = #map}]} {
    %mul3A = arith.constant 2 : i32
    %mul3A_0 = arith.muli %arg1, %mul3A : i32
    %add3A = arith.addi %mul3A_0, %arg0 : i32
    %mul3A_1 = arith.constant 64 : i32
    %mul3A_2 = arith.muli %add3A, %mul3A_1 : i32
    %jit3A = arith.constant 512 : i32
    %div3A = arith.divsi %mul3A_2, %jit3A : i32
    %sign3A = arith.constant 0 : i32
    %sign3A_3 = arith.cmpi sgt, %mul3A_2, %sign3A : i32
    %sign3A_4 = arith.extui %sign3A_3 : i1 to i32
    %sign3A_5 = arith.constant 0 : i32
    %sign3A_6 = arith.cmpi slt, %mul3A_2, %sign3A_5 : i32
    %sign3A_7 = arith.extui %sign3A_6 : i1 to i32
    %sign3A_8 = arith.subi %sign3A_4, %sign3A_7 : i32
    %sign3A_9 = arith.constant 0 : i32
    %sign3A_10 = arith.cmpi sgt, %jit3A, %sign3A_9 : i32
    %sign3A_11 = arith.extui %sign3A_10 : i1 to i32
    %sign3A_12 = arith.constant 0 : i32
    %sign3A_13 = arith.cmpi slt, %jit3A, %sign3A_12 : i32
    %sign3A_14 = arith.extui %sign3A_13 : i1 to i32
    %sign3A_15 = arith.subi %sign3A_11, %sign3A_14 : i32
    %ne3A = arith.cmpi ne, %sign3A_8, %sign3A_15 : i32
    %rem3A = arith.remsi %mul3A_2, %jit3A : i32
    %ne3A_16 = arith.constant 0 : i32
    %ne3A_17 = arith.cmpi ne, %rem3A, %ne3A_16 : i32
    %and3A = arith.andi %ne3A, %ne3A_17 : i1
    %sub3A = arith.constant 1 : i32
    %sub3A_18 = arith.subi %div3A, %sub3A : i32
    %select_n3A = arith.select %and3A, %sub3A_18, %div3A : i32
    %jit3A_19 = arith.constant 512 : i32
    %eq3A = arith.constant 0 : i32
    %eq3A_20 = arith.cmpi eq, %jit3A_19, %eq3A : i32
    %jit3A_21 = arith.constant 1 : i32
    %select_n3A_22 = arith.select %eq3A_20, %jit3A_21, %jit3A_19 : i32
    %rem3A_23 = arith.remsi %mul3A_2, %select_n3A_22 : i32
    %ne3A_24 = arith.constant 0 : i32
    %ne3A_25 = arith.cmpi ne, %rem3A_23, %ne3A_24 : i32
    %lt3A = arith.constant 0 : i32
    %lt3A_26 = arith.cmpi slt, %rem3A_23, %lt3A : i32
    %lt3A_27 = arith.constant 0 : i32
    %lt3A_28 = arith.cmpi slt, %select_n3A_22, %lt3A_27 : i32
    %ne3A_29 = arith.xori %lt3A_26, %lt3A_28 : i1
    %and3A_30 = arith.andi %ne3A_29, %ne3A_25 : i1
    %add3A_31 = arith.addi %rem3A_23, %select_n3A_22 : i32
    %select_n3A_32 = arith.select %and3A_30, %add3A_31, %rem3A_23 : i32
    %jit3A_33 = arith.constant 128 : i32
    %div3A_34 = arith.divsi %select_n3A_32, %jit3A_33 : i32
    %sign3A_35 = arith.constant 0 : i32
    %sign3A_36 = arith.cmpi sgt, %select_n3A_32, %sign3A_35 : i32
    %sign3A_37 = arith.extui %sign3A_36 : i1 to i32
    %sign3A_38 = arith.constant 0 : i32
    %sign3A_39 = arith.cmpi slt, %select_n3A_32, %sign3A_38 : i32
    %sign3A_40 = arith.extui %sign3A_39 : i1 to i32
    %sign3A_41 = arith.subi %sign3A_37, %sign3A_40 : i32
    %sign3A_42 = arith.constant 0 : i32
    %sign3A_43 = arith.cmpi sgt, %jit3A_33, %sign3A_42 : i32
    %sign3A_44 = arith.extui %sign3A_43 : i1 to i32
    %sign3A_45 = arith.constant 0 : i32
    %sign3A_46 = arith.cmpi slt, %jit3A_33, %sign3A_45 : i32
    %sign3A_47 = arith.extui %sign3A_46 : i1 to i32
    %sign3A_48 = arith.subi %sign3A_44, %sign3A_47 : i32
    %ne3A_49 = arith.cmpi ne, %sign3A_41, %sign3A_48 : i32
    %rem3A_50 = arith.remsi %select_n3A_32, %jit3A_33 : i32
    %ne3A_51 = arith.constant 0 : i32
    %ne3A_52 = arith.cmpi ne, %rem3A_50, %ne3A_51 : i32
    %and3A_53 = arith.andi %ne3A_49, %ne3A_52 : i1
    %sub3A_54 = arith.constant 1 : i32
    %sub3A_55 = arith.subi %div3A_34, %sub3A_54 : i32
    %select_n3A_56 = arith.select %and3A_53, %sub3A_55, %div3A_34 : i32
    %add3A_57 = arith.constant 64 : i32
    %add3A_58 = arith.addi %mul3A_2, %add3A_57 : i32
    %sub3A_59 = arith.constant 1 : i32
    %sub3A_60 = arith.subi %add3A_58, %sub3A_59 : i32
    %jit3A_61 = arith.constant 512 : i32
    %div3A_62 = arith.divsi %sub3A_60, %jit3A_61 : i32
    %sign3A_63 = arith.constant 0 : i32
    %sign3A_64 = arith.cmpi sgt, %sub3A_60, %sign3A_63 : i32
    %sign3A_65 = arith.extui %sign3A_64 : i1 to i32
    %sign3A_66 = arith.constant 0 : i32
    %sign3A_67 = arith.cmpi slt, %sub3A_60, %sign3A_66 : i32
    %sign3A_68 = arith.extui %sign3A_67 : i1 to i32
    %sign3A_69 = arith.subi %sign3A_65, %sign3A_68 : i32
    %sign3A_70 = arith.constant 0 : i32
    %sign3A_71 = arith.cmpi sgt, %jit3A_61, %sign3A_70 : i32
    %sign3A_72 = arith.extui %sign3A_71 : i1 to i32
    %sign3A_73 = arith.constant 0 : i32
    %sign3A_74 = arith.cmpi slt, %jit3A_61, %sign3A_73 : i32
    %sign3A_75 = arith.extui %sign3A_74 : i1 to i32
    %sign3A_76 = arith.subi %sign3A_72, %sign3A_75 : i32
    %ne3A_77 = arith.cmpi ne, %sign3A_69, %sign3A_76 : i32
    %rem3A_78 = arith.remsi %sub3A_60, %jit3A_61 : i32
    %ne3A_79 = arith.constant 0 : i32
    %ne3A_80 = arith.cmpi ne, %rem3A_78, %ne3A_79 : i32
    %and3A_81 = arith.andi %ne3A_77, %ne3A_80 : i1
    %sub3A_82 = arith.constant 1 : i32
    %sub3A_83 = arith.subi %div3A_62, %sub3A_82 : i32
    %select_n3A_84 = arith.select %and3A_81, %sub3A_83, %div3A_62 : i32
    %run_scoped3A = arith.constant 0 : i32
    "tpu.region"() ({
      %run_scoped3A_286 = tpu.sem_alloc : memref<!tpu.dma_semaphore, #tpu.memory_space<semaphore_mem>>
      %dma_start3A_287 = arith.constant 0 : i32
      %dma_start3A_288 = arith.constant 0 : i32
      %dma_start3A_289 = tpu.memref_slice %arg5[%run_scoped3A, %dma_start3A_287, %dma_start3A_288] : memref<2x8x128xi32, #tpu.memory_space<vmem>> -> memref<1x8x128xi32, #tpu.memory_space<vmem>>
      %dma_start3A_290 = tpu.memref_squeeze %dma_start3A_289 : memref<1x8x128xi32, #tpu.memory_space<vmem>> -> memref<8x128xi32, #tpu.memory_space<vmem>>
      %dma_start3A_291 = arith.constant 0 : i32
      %dma_start3A_292 = arith.constant 0 : i32
      %dma_start3A_293 = tpu.memref_slice %arg3[%select_n3A, %dma_start3A_291, %dma_start3A_292] : memref<4x8x128xi32, #tpu.memory_space<hbm>> -> memref<1x8x128xi32, #tpu.memory_space<hbm>>
      %dma_start3A_294 = tpu.memref_squeeze %dma_start3A_293 : memref<1x8x128xi32, #tpu.memory_space<hbm>> -> memref<8x128xi32, #tpu.memory_space<hbm>>
      %dma_start3A_295 = arith.constant 0 : i32
      %dma_start3A_296 = arith.constant 0 : i32
      %dma_start3A_297 = tpu.memref_slice %arg5[%run_scoped3A, %dma_start3A_295, %dma_start3A_296] : memref<2x8x128xi32, #tpu.memory_space<vmem>> -> memref<1x8x128xi32, #tpu.memory_space<vmem>>
      %dma_start3A_298 = tpu.memref_squeeze %dma_start3A_297 : memref<1x8x128xi32, #tpu.memory_space<vmem>> -> memref<8x128xi32, #tpu.memory_space<vmem>>
      %dma_start3A_299 = arith.constant 0 : i32
      %dma_start3A_300 = arith.constant 0 : i32
      %dma_start3A_301 = tpu.memref_slice %arg3[%select_n3A, %dma_start3A_299, %dma_start3A_300] : memref<4x8x128xi32, #tpu.memory_space<hbm>> -> memref<1x8x128xi32, #tpu.memory_space<hbm>>
      %dma_start3A_302 = tpu.memref_squeeze %dma_start3A_301 : memref<1x8x128xi32, #tpu.memory_space<hbm>> -> memref<8x128xi32, #tpu.memory_space<hbm>>
      tpu.enqueue_dma source(%dma_start3A_302 : memref<8x128xi32, #tpu.memory_space<hbm>>) target(%dma_start3A_298 : memref<8x128xi32, #tpu.memory_space<vmem>>) target_semaphore(%run_scoped3A_286 : memref<!tpu.dma_semaphore, #tpu.memory_space<semaphore_mem>>)
      %dma_wait3A_303 = arith.constant 0 : i32
      %dma_wait3A_304 = arith.constant 0 : i32
      %dma_wait3A_305 = tpu.memref_slice %arg5[%run_scoped3A, %dma_wait3A_303, %dma_wait3A_304] : memref<2x8x128xi32, #tpu.memory_space<vmem>> -> memref<1x8x128xi32, #tpu.memory_space<vmem>>
      %dma_wait3A_306 = tpu.memref_squeeze %dma_wait3A_305 : memref<1x8x128xi32, #tpu.memory_space<vmem>> -> memref<8x128xi32, #tpu.memory_space<vmem>>
      %dma_wait3A_307 = arith.constant 0 : i32
      %dma_wait3A_308 = arith.constant 0 : i32
      %dma_wait3A_309 = tpu.memref_slice %arg3[%select_n3A, %dma_wait3A_307, %dma_wait3A_308] : memref<4x8x128xi32, #tpu.memory_space<hbm>> -> memref<1x8x128xi32, #tpu.memory_space<hbm>>
      %dma_wait3A_310 = tpu.memref_squeeze %dma_wait3A_309 : memref<1x8x128xi32, #tpu.memory_space<hbm>> -> memref<8x128xi32, #tpu.memory_space<hbm>>
      %dma_wait3A_311 = arith.constant 0 : i32
      %dma_wait3A_312 = arith.constant 0 : i32
      %dma_wait3A_313 = tpu.memref_slice %arg5[%run_scoped3A, %dma_wait3A_311, %dma_wait3A_312] : memref<2x8x128xi32, #tpu.memory_space<vmem>> -> memref<1x8x128xi32, #tpu.memory_space<vmem>>
      %dma_wait3A_314 = tpu.memref_squeeze %dma_wait3A_313 : memref<1x8x128xi32, #tpu.memory_space<vmem>> -> memref<8x128xi32, #tpu.memory_space<vmem>>
      %dma_wait3A_315 = arith.constant 0 : i32
      %dma_wait3A_316 = arith.constant 0 : i32
      %dma_wait3A_317 = tpu.memref_slice %arg3[%select_n3A, %dma_wait3A_315, %dma_wait3A_316] : memref<4x8x128xi32, #tpu.memory_space<hbm>> -> memref<1x8x128xi32, #tpu.memory_space<hbm>>
      %dma_wait3A_318 = tpu.memref_squeeze %dma_wait3A_317 : memref<1x8x128xi32, #tpu.memory_space<hbm>> -> memref<8x128xi32, #tpu.memory_space<hbm>>
      tpu.wait_dma2 semaphore(%run_scoped3A_286 : memref<!tpu.dma_semaphore, #tpu.memory_space<semaphore_mem>>) src(%dma_wait3A_318 : memref<8x128xi32, #tpu.memory_space<hbm>>) dst(%dma_wait3A_314 : memref<8x128xi32, #tpu.memory_space<vmem>>)
      tpu.yield
    }) : () -> ()
    %run_scoped3A_85 = arith.constant 1 : i32
    "tpu.region"() ({
      %run_scoped3A_286 = tpu.sem_alloc : memref<!tpu.dma_semaphore, #tpu.memory_space<semaphore_mem>>
      %dma_start3A_287 = arith.constant 0 : i32
      %dma_start3A_288 = arith.constant 0 : i32
      %dma_start3A_289 = tpu.memref_slice %arg5[%run_scoped3A_85, %dma_start3A_287, %dma_start3A_288] : memref<2x8x128xi32, #tpu.memory_space<vmem>> -> memref<1x8x128xi32, #tpu.memory_space<vmem>>
      %dma_start3A_290 = tpu.memref_squeeze %dma_start3A_289 : memref<1x8x128xi32, #tpu.memory_space<vmem>> -> memref<8x128xi32, #tpu.memory_space<vmem>>
      %dma_start3A_291 = arith.constant 0 : i32
      %dma_start3A_292 = arith.constant 0 : i32
      %dma_start3A_293 = tpu.memref_slice %arg3[%select_n3A_84, %dma_start3A_291, %dma_start3A_292] : memref<4x8x128xi32, #tpu.memory_space<hbm>> -> memref<1x8x128xi32, #tpu.memory_space<hbm>>
      %dma_start3A_294 = tpu.memref_squeeze %dma_start3A_293 : memref<1x8x128xi32, #tpu.memory_space<hbm>> -> memref<8x128xi32, #tpu.memory_space<hbm>>
      %dma_start3A_295 = arith.constant 0 : i32
      %dma_start3A_296 = arith.constant 0 : i32
      %dma_start3A_297 = tpu.memref_slice %arg5[%run_scoped3A_85, %dma_start3A_295, %dma_start3A_296] : memref<2x8x128xi32, #tpu.memory_space<vmem>> -> memref<1x8x128xi32, #tpu.memory_space<vmem>>
      %dma_start3A_298 = tpu.memref_squeeze %dma_start3A_297 : memref<1x8x128xi32, #tpu.memory_space<vmem>> -> memref<8x128xi32, #tpu.memory_space<vmem>>
      %dma_start3A_299 = arith.constant 0 : i32
      %dma_start3A_300 = arith.constant 0 : i32
      %dma_start3A_301 = tpu.memref_slice %arg3[%select_n3A_84, %dma_start3A_299, %dma_start3A_300] : memref<4x8x128xi32, #tpu.memory_space<hbm>> -> memref<1x8x128xi32, #tpu.memory_space<hbm>>
      %dma_start3A_302 = tpu.memref_squeeze %dma_start3A_301 : memref<1x8x128xi32, #tpu.memory_space<hbm>> -> memref<8x128xi32, #tpu.memory_space<hbm>>
      tpu.enqueue_dma source(%dma_start3A_302 : memref<8x128xi32, #tpu.memory_space<hbm>>) target(%dma_start3A_298 : memref<8x128xi32, #tpu.memory_space<vmem>>) target_semaphore(%run_scoped3A_286 : memref<!tpu.dma_semaphore, #tpu.memory_space<semaphore_mem>>)
      %dma_wait3A_303 = arith.constant 0 : i32
      %dma_wait3A_304 = arith.constant 0 : i32
      %dma_wait3A_305 = tpu.memref_slice %arg5[%run_scoped3A_85, %dma_wait3A_303, %dma_wait3A_304] : memref<2x8x128xi32, #tpu.memory_space<vmem>> -> memref<1x8x128xi32, #tpu.memory_space<vmem>>
      %dma_wait3A_306 = tpu.memref_squeeze %dma_wait3A_305 : memref<1x8x128xi32, #tpu.memory_space<vmem>> -> memref<8x128xi32, #tpu.memory_space<vmem>>
      %dma_wait3A_307 = arith.constant 0 : i32
      %dma_wait3A_308 = arith.constant 0 : i32
      %dma_wait3A_309 = tpu.memref_slice %arg3[%select_n3A_84, %dma_wait3A_307, %dma_wait3A_308] : memref<4x8x128xi32, #tpu.memory_space<hbm>> -> memref<1x8x128xi32, #tpu.memory_space<hbm>>
      %dma_wait3A_310 = tpu.memref_squeeze %dma_wait3A_309 : memref<1x8x128xi32, #tpu.memory_space<hbm>> -> memref<8x128xi32, #tpu.memory_space<hbm>>
      %dma_wait3A_311 = arith.constant 0 : i32
      %dma_wait3A_312 = arith.constant 0 : i32
      %dma_wait3A_313 = tpu.memref_slice %arg5[%run_scoped3A_85, %dma_wait3A_311, %dma_wait3A_312] : memref<2x8x128xi32, #tpu.memory_space<vmem>> -> memref<1x8x128xi32, #tpu.memory_space<vmem>>
      %dma_wait3A_314 = tpu.memref_squeeze %dma_wait3A_313 : memref<1x8x128xi32, #tpu.memory_space<vmem>> -> memref<8x128xi32, #tpu.memory_space<vmem>>
      %dma_wait3A_315 = arith.constant 0 : i32
      %dma_wait3A_316 = arith.constant 0 : i32
      %dma_wait3A_317 = tpu.memref_slice %arg3[%select_n3A_84, %dma_wait3A_315, %dma_wait3A_316] : memref<4x8x128xi32, #tpu.memory_space<hbm>> -> memref<1x8x128xi32, #tpu.memory_space<hbm>>
      %dma_wait3A_318 = tpu.memref_squeeze %dma_wait3A_317 : memref<1x8x128xi32, #tpu.memory_space<hbm>> -> memref<8x128xi32, #tpu.memory_space<hbm>>
      tpu.wait_dma2 semaphore(%run_scoped3A_286 : memref<!tpu.dma_semaphore, #tpu.memory_space<semaphore_mem>>) src(%dma_wait3A_318 : memref<8x128xi32, #tpu.memory_space<hbm>>) dst(%dma_wait3A_314 : memref<8x128xi32, #tpu.memory_space<vmem>>)
      tpu.yield
    }) : () -> ()
    %add3A_86 = arith.constant 0 : i32
    %add3A_87 = arith.addi %mul3A_2, %add3A_86 : i32
    %jit3A_88 = arith.constant 512 : i32
    %div3A_89 = arith.divsi %add3A_87, %jit3A_88 : i32
    %sign3A_90 = arith.constant 0 : i32
    %sign3A_91 = arith.cmpi sgt, %add3A_87, %sign3A_90 : i32
    %sign3A_92 = arith.extui %sign3A_91 : i1 to i32
    %sign3A_93 = arith.constant 0 : i32
    %sign3A_94 = arith.cmpi slt, %add3A_87, %sign3A_93 : i32
    %sign3A_95 = arith.extui %sign3A_94 : i1 to i32
    %sign3A_96 = arith.subi %sign3A_92, %sign3A_95 : i32
    %sign3A_97 = arith.constant 0 : i32
    %sign3A_98 = arith.cmpi sgt, %jit3A_88, %sign3A_97 : i32
    %sign3A_99 = arith.extui %sign3A_98 : i1 to i32
    %sign3A_100 = arith.constant 0 : i32
    %sign3A_101 = arith.cmpi slt, %jit3A_88, %sign3A_100 : i32
    %sign3A_102 = arith.extui %sign3A_101 : i1 to i32
    %sign3A_103 = arith.subi %sign3A_99, %sign3A_102 : i32
    %ne3A_104 = arith.cmpi ne, %sign3A_96, %sign3A_103 : i32
    %rem3A_105 = arith.remsi %add3A_87, %jit3A_88 : i32
    %ne3A_106 = arith.constant 0 : i32
    %ne3A_107 = arith.cmpi ne, %rem3A_105, %ne3A_106 : i32
    %and3A_108 = arith.andi %ne3A_104, %ne3A_107 : i1
    %sub3A_109 = arith.constant 1 : i32
    %sub3A_110 = arith.subi %div3A_89, %sub3A_109 : i32
    %select_n3A_111 = arith.select %and3A_108, %sub3A_110, %div3A_89 : i32
    %sub3A_112 = arith.subi %select_n3A_111, %select_n3A : i32
    %jit3A_113 = arith.constant 512 : i32
    %eq3A_114 = arith.constant 0 : i32
    %eq3A_115 = arith.cmpi eq, %jit3A_113, %eq3A_114 : i32
    %jit3A_116 = arith.constant 1 : i32
    %select_n3A_117 = arith.select %eq3A_115, %jit3A_116, %jit3A_113 : i32
    %rem3A_118 = arith.remsi %add3A_87, %select_n3A_117 : i32
    %ne3A_119 = arith.constant 0 : i32
    %ne3A_120 = arith.cmpi ne, %rem3A_118, %ne3A_119 : i32
    %lt3A_121 = arith.constant 0 : i32
    %lt3A_122 = arith.cmpi slt, %rem3A_118, %lt3A_121 : i32
    %lt3A_123 = arith.constant 0 : i32
    %lt3A_124 = arith.cmpi slt, %select_n3A_117, %lt3A_123 : i32
    %ne3A_125 = arith.xori %lt3A_122, %lt3A_124 : i1
    %and3A_126 = arith.andi %ne3A_125, %ne3A_120 : i1
    %add3A_127 = arith.addi %rem3A_118, %select_n3A_117 : i32
    %select_n3A_128 = arith.select %and3A_126, %add3A_127, %rem3A_118 : i32
    %jit3A_129 = arith.constant 128 : i32
    %div3A_130 = arith.divsi %select_n3A_128, %jit3A_129 : i32
    %sign3A_131 = arith.constant 0 : i32
    %sign3A_132 = arith.cmpi sgt, %select_n3A_128, %sign3A_131 : i32
    %sign3A_133 = arith.extui %sign3A_132 : i1 to i32
    %sign3A_134 = arith.constant 0 : i32
    %sign3A_135 = arith.cmpi slt, %select_n3A_128, %sign3A_134 : i32
    %sign3A_136 = arith.extui %sign3A_135 : i1 to i32
    %sign3A_137 = arith.subi %sign3A_133, %sign3A_136 : i32
    %sign3A_138 = arith.constant 0 : i32
    %sign3A_139 = arith.cmpi sgt, %jit3A_129, %sign3A_138 : i32
    %sign3A_140 = arith.extui %sign3A_139 : i1 to i32
    %sign3A_141 = arith.constant 0 : i32
    %sign3A_142 = arith.cmpi slt, %jit3A_129, %sign3A_141 : i32
    %sign3A_143 = arith.extui %sign3A_142 : i1 to i32
    %sign3A_144 = arith.subi %sign3A_140, %sign3A_143 : i32
    %ne3A_145 = arith.cmpi ne, %sign3A_137, %sign3A_144 : i32
    %rem3A_146 = arith.remsi %select_n3A_128, %jit3A_129 : i32
    %ne3A_147 = arith.constant 0 : i32
    %ne3A_148 = arith.cmpi ne, %rem3A_146, %ne3A_147 : i32
    %and3A_149 = arith.andi %ne3A_145, %ne3A_148 : i1
    %sub3A_150 = arith.constant 1 : i32
    %sub3A_151 = arith.subi %div3A_130, %sub3A_150 : i32
    %select_n3A_152 = arith.select %and3A_149, %sub3A_151, %div3A_130 : i32
    %jit3A_153 = arith.constant 128 : i32
    %eq3A_154 = arith.constant 0 : i32
    %eq3A_155 = arith.cmpi eq, %jit3A_153, %eq3A_154 : i32
    %jit3A_156 = arith.constant 1 : i32
    %select_n3A_157 = arith.select %eq3A_155, %jit3A_156, %jit3A_153 : i32
    %rem3A_158 = arith.remsi %add3A_87, %select_n3A_157 : i32
    %ne3A_159 = arith.constant 0 : i32
    %ne3A_160 = arith.cmpi ne, %rem3A_158, %ne3A_159 : i32
    %lt3A_161 = arith.constant 0 : i32
    %lt3A_162 = arith.cmpi slt, %rem3A_158, %lt3A_161 : i32
    %lt3A_163 = arith.constant 0 : i32
    %lt3A_164 = arith.cmpi slt, %select_n3A_157, %lt3A_163 : i32
    %ne3A_165 = arith.xori %lt3A_162, %lt3A_164 : i1
    %and3A_166 = arith.andi %ne3A_165, %ne3A_160 : i1
    %add3A_167 = arith.addi %rem3A_158, %select_n3A_157 : i32
    %select_n3A_168 = arith.select %and3A_166, %add3A_167, %rem3A_158 : i32
    %add3A_169 = arith.constant 0 : i32
    %add3A_170 = arith.addi %add3A_169, %select_n3A_152 : i32
    %dma_start3A = arith.constant 0 : i32
    %dma_start3A_171 = arith.constant 0 : i32
    %dma_start3A_172 = tpu.memref_slice %arg6[%dma_start3A, %dma_start3A_171] : memref<128x512xf32, #tpu.memory_space<vmem>> -> memref<64x512xf32, #tpu.memory_space<vmem>>
    %dma_start3A_173 = tpu.memref_slice %arg5[%sub3A_112, %add3A_170, %select_n3A_168] : memref<2x8x128xi32, #tpu.memory_space<vmem>> -> memref<1x1x64xi32, #tpu.memory_space<vmem>>
    %dma_start3A_174 = tpu.memref_squeeze %dma_start3A_173 : memref<1x1x64xi32, #tpu.memory_space<vmem>> -> memref<64xi32, #tpu.memory_space<vmem>>
    %dma_start3A_175 = arith.constant 0 : i32
    %dma_start3A_176 = arith.constant 0 : i32
    %dma_start3A_177 = tpu.memref_slice %arg2[%dma_start3A_175, %dma_start3A_176] : memref<2048x512xf32, #tpu.memory_space<hbm>> -> memref<2048x512xf32, #tpu.memory_space<hbm>>
    tpu.enqueue_indirect_dma source(%dma_start3A_177 : memref<2048x512xf32, #tpu.memory_space<hbm>>) target(%dma_start3A_172 : memref<64x512xf32, #tpu.memory_space<vmem>>) offsets(%dma_start3A_174 : memref<64xi32, #tpu.memory_space<vmem>>) semaphore(%arg7 : memref<!tpu.dma_semaphore, #tpu.memory_space<semaphore_mem>>)
    %dma_wait3A = arith.constant 0 : i32
    %dma_wait3A_178 = arith.constant 0 : i32
    %dma_wait3A_179 = tpu.memref_slice %arg6[%dma_wait3A, %dma_wait3A_178] : memref<128x512xf32, #tpu.memory_space<vmem>> -> memref<64x512xf32, #tpu.memory_space<vmem>>
    %dma_wait3A_180 = tpu.memref_slice %arg5[%sub3A_112, %add3A_170, %select_n3A_168] : memref<2x8x128xi32, #tpu.memory_space<vmem>> -> memref<1x1x64xi32, #tpu.memory_space<vmem>>
    %dma_wait3A_181 = tpu.memref_squeeze %dma_wait3A_180 : memref<1x1x64xi32, #tpu.memory_space<vmem>> -> memref<64xi32, #tpu.memory_space<vmem>>
    %dma_wait3A_182 = arith.constant 0 : i32
    %dma_wait3A_183 = arith.constant 0 : i32
    %dma_wait3A_184 = tpu.memref_slice %arg2[%dma_wait3A_182, %dma_wait3A_183] : memref<2048x512xf32, #tpu.memory_space<hbm>> -> memref<2048x512xf32, #tpu.memory_space<hbm>>
    tpu.wait_indirect_dma semaphore(%arg7 : memref<!tpu.dma_semaphore, #tpu.memory_space<semaphore_mem>>) src(%dma_wait3A_184 : memref<2048x512xf32, #tpu.memory_space<hbm>>) dst(%dma_wait3A_179 : memref<64x512xf32, #tpu.memory_space<vmem>>)
    "tpu.region"() ({
      %run_scoped3A_286 = tpu.sem_alloc : memref<!tpu.dma_semaphore, #tpu.memory_space<semaphore_mem>>
      %dma_start3A_287 = arith.constant 0 : i32
      %dma_start3A_288 = arith.constant 0 : i32
      %dma_start3A_289 = tpu.memref_slice %arg6[%dma_start3A_287, %dma_start3A_288] : memref<128x512xf32, #tpu.memory_space<vmem>> -> memref<64x512xf32, #tpu.memory_space<vmem>>
      %dma_start3A_290 = arith.constant 0 : i32
      %dma_start3A_291 = tpu.memref_slice %arg4[%add3A_87, %dma_start3A_290] : memref<2048x1024xf32, #tpu.memory_space<hbm>> -> memref<64x512xf32, #tpu.memory_space<hbm>>
      %dma_start3A_292 = arith.constant 0 : i32
      %dma_start3A_293 = tpu.memref_slice %arg4[%add3A_87, %dma_start3A_292] : memref<2048x1024xf32, #tpu.memory_space<hbm>> -> memref<64x512xf32, #tpu.memory_space<hbm>>
      %dma_start3A_294 = arith.constant 0 : i32
      %dma_start3A_295 = arith.constant 0 : i32
      %dma_start3A_296 = tpu.memref_slice %arg6[%dma_start3A_294, %dma_start3A_295] : memref<128x512xf32, #tpu.memory_space<vmem>> -> memref<64x512xf32, #tpu.memory_space<vmem>>
      tpu.enqueue_dma source(%dma_start3A_296 : memref<64x512xf32, #tpu.memory_space<vmem>>) target(%dma_start3A_293 : memref<64x512xf32, #tpu.memory_space<hbm>>) target_semaphore(%run_scoped3A_286 : memref<!tpu.dma_semaphore, #tpu.memory_space<semaphore_mem>>)
      %dma_wait3A_297 = arith.constant 0 : i32
      %dma_wait3A_298 = arith.constant 0 : i32
      %dma_wait3A_299 = tpu.memref_slice %arg6[%dma_wait3A_297, %dma_wait3A_298] : memref<128x512xf32, #tpu.memory_space<vmem>> -> memref<64x512xf32, #tpu.memory_space<vmem>>
      %dma_wait3A_300 = arith.constant 0 : i32
      %dma_wait3A_301 = tpu.memref_slice %arg4[%add3A_87, %dma_wait3A_300] : memref<2048x1024xf32, #tpu.memory_space<hbm>> -> memref<64x512xf32, #tpu.memory_space<hbm>>
      %dma_wait3A_302 = arith.constant 0 : i32
      %dma_wait3A_303 = tpu.memref_slice %arg4[%add3A_87, %dma_wait3A_302] : memref<2048x1024xf32, #tpu.memory_space<hbm>> -> memref<64x512xf32, #tpu.memory_space<hbm>>
      %dma_wait3A_304 = arith.constant 0 : i32
      %dma_wait3A_305 = arith.constant 0 : i32
      %dma_wait3A_306 = tpu.memref_slice %arg6[%dma_wait3A_304, %dma_wait3A_305] : memref<128x512xf32, #tpu.memory_space<vmem>> -> memref<64x512xf32, #tpu.memory_space<vmem>>
      tpu.wait_dma2 semaphore(%run_scoped3A_286 : memref<!tpu.dma_semaphore, #tpu.memory_space<semaphore_mem>>) src(%dma_wait3A_306 : memref<64x512xf32, #tpu.memory_space<vmem>>) dst(%dma_wait3A_303 : memref<64x512xf32, #tpu.memory_space<hbm>>)
      tpu.yield
    }) : () -> ()
    %add3A_185 = arith.constant 0 : i32
    %add3A_186 = arith.addi %mul3A_2, %add3A_185 : i32
    %jit3A_187 = arith.constant 512 : i32
    %div3A_188 = arith.divsi %add3A_186, %jit3A_187 : i32
    %sign3A_189 = arith.constant 0 : i32
    %sign3A_190 = arith.cmpi sgt, %add3A_186, %sign3A_189 : i32
    %sign3A_191 = arith.extui %sign3A_190 : i1 to i32
    %sign3A_192 = arith.constant 0 : i32
    %sign3A_193 = arith.cmpi slt, %add3A_186, %sign3A_192 : i32
    %sign3A_194 = arith.extui %sign3A_193 : i1 to i32
    %sign3A_195 = arith.subi %sign3A_191, %sign3A_194 : i32
    %sign3A_196 = arith.constant 0 : i32
    %sign3A_197 = arith.cmpi sgt, %jit3A_187, %sign3A_196 : i32
    %sign3A_198 = arith.extui %sign3A_197 : i1 to i32
    %sign3A_199 = arith.constant 0 : i32
    %sign3A_200 = arith.cmpi slt, %jit3A_187, %sign3A_199 : i32
    %sign3A_201 = arith.extui %sign3A_200 : i1 to i32
    %sign3A_202 = arith.subi %sign3A_198, %sign3A_201 : i32
    %ne3A_203 = arith.cmpi ne, %sign3A_195, %sign3A_202 : i32
    %rem3A_204 = arith.remsi %add3A_186, %jit3A_187 : i32
    %ne3A_205 = arith.constant 0 : i32
    %ne3A_206 = arith.cmpi ne, %rem3A_204, %ne3A_205 : i32
    %and3A_207 = arith.andi %ne3A_203, %ne3A_206 : i1
    %sub3A_208 = arith.constant 1 : i32
    %sub3A_209 = arith.subi %div3A_188, %sub3A_208 : i32
    %select_n3A_210 = arith.select %and3A_207, %sub3A_209, %div3A_188 : i32
    %sub3A_211 = arith.subi %select_n3A_210, %select_n3A : i32
    %jit3A_212 = arith.constant 512 : i32
    %eq3A_213 = arith.constant 0 : i32
    %eq3A_214 = arith.cmpi eq, %jit3A_212, %eq3A_213 : i32
    %jit3A_215 = arith.constant 1 : i32
    %select_n3A_216 = arith.select %eq3A_214, %jit3A_215, %jit3A_212 : i32
    %rem3A_217 = arith.remsi %add3A_186, %select_n3A_216 : i32
    %ne3A_218 = arith.constant 0 : i32
    %ne3A_219 = arith.cmpi ne, %rem3A_217, %ne3A_218 : i32
    %lt3A_220 = arith.constant 0 : i32
    %lt3A_221 = arith.cmpi slt, %rem3A_217, %lt3A_220 : i32
    %lt3A_222 = arith.constant 0 : i32
    %lt3A_223 = arith.cmpi slt, %select_n3A_216, %lt3A_222 : i32
    %ne3A_224 = arith.xori %lt3A_221, %lt3A_223 : i1
    %and3A_225 = arith.andi %ne3A_224, %ne3A_219 : i1
    %add3A_226 = arith.addi %rem3A_217, %select_n3A_216 : i32
    %select_n3A_227 = arith.select %and3A_225, %add3A_226, %rem3A_217 : i32
    %jit3A_228 = arith.constant 128 : i32
    %div3A_229 = arith.divsi %select_n3A_227, %jit3A_228 : i32
    %sign3A_230 = arith.constant 0 : i32
    %sign3A_231 = arith.cmpi sgt, %select_n3A_227, %sign3A_230 : i32
    %sign3A_232 = arith.extui %sign3A_231 : i1 to i32
    %sign3A_233 = arith.constant 0 : i32
    %sign3A_234 = arith.cmpi slt, %select_n3A_227, %sign3A_233 : i32
    %sign3A_235 = arith.extui %sign3A_234 : i1 to i32
    %sign3A_236 = arith.subi %sign3A_232, %sign3A_235 : i32
    %sign3A_237 = arith.constant 0 : i32
    %sign3A_238 = arith.cmpi sgt, %jit3A_228, %sign3A_237 : i32
    %sign3A_239 = arith.extui %sign3A_238 : i1 to i32
    %sign3A_240 = arith.constant 0 : i32
    %sign3A_241 = arith.cmpi slt, %jit3A_228, %sign3A_240 : i32
    %sign3A_242 = arith.extui %sign3A_241 : i1 to i32
    %sign3A_243 = arith.subi %sign3A_239, %sign3A_242 : i32
    %ne3A_244 = arith.cmpi ne, %sign3A_236, %sign3A_243 : i32
    %rem3A_245 = arith.remsi %select_n3A_227, %jit3A_228 : i32
    %ne3A_246 = arith.constant 0 : i32
    %ne3A_247 = arith.cmpi ne, %rem3A_245, %ne3A_246 : i32
    %and3A_248 = arith.andi %ne3A_244, %ne3A_247 : i1
    %sub3A_249 = arith.constant 1 : i32
    %sub3A_250 = arith.subi %div3A_229, %sub3A_249 : i32
    %select_n3A_251 = arith.select %and3A_248, %sub3A_250, %div3A_229 : i32
    %jit3A_252 = arith.constant 128 : i32
    %eq3A_253 = arith.constant 0 : i32
    %eq3A_254 = arith.cmpi eq, %jit3A_252, %eq3A_253 : i32
    %jit3A_255 = arith.constant 1 : i32
    %select_n3A_256 = arith.select %eq3A_254, %jit3A_255, %jit3A_252 : i32
    %rem3A_257 = arith.remsi %add3A_186, %select_n3A_256 : i32
    %ne3A_258 = arith.constant 0 : i32
    %ne3A_259 = arith.cmpi ne, %rem3A_257, %ne3A_258 : i32
    %lt3A_260 = arith.constant 0 : i32
    %lt3A_261 = arith.cmpi slt, %rem3A_257, %lt3A_260 : i32
    %lt3A_262 = arith.constant 0 : i32
    %lt3A_263 = arith.cmpi slt, %select_n3A_256, %lt3A_262 : i32
    %ne3A_264 = arith.xori %lt3A_261, %lt3A_263 : i1
    %and3A_265 = arith.andi %ne3A_264, %ne3A_259 : i1
    %add3A_266 = arith.addi %rem3A_257, %select_n3A_256 : i32
    %select_n3A_267 = arith.select %and3A_265, %add3A_266, %rem3A_257 : i32
    %add3A_268 = arith.constant 4 : i32
    %add3A_269 = arith.addi %add3A_268, %select_n3A_251 : i32
    %dma_start3A_270 = arith.constant 0 : i32
    %dma_start3A_271 = arith.constant 0 : i32
    %dma_start3A_272 = tpu.memref_slice %arg6[%dma_start3A_270, %dma_start3A_271] : memref<128x512xf32, #tpu.memory_space<vmem>> -> memref<64x512xf32, #tpu.memory_space<vmem>>
    %dma_start3A_273 = tpu.memref_slice %arg5[%sub3A_211, %add3A_269, %select_n3A_267] : memref<2x8x128xi32, #tpu.memory_space<vmem>> -> memref<1x1x64xi32, #tpu.memory_space<vmem>>
    %dma_start3A_274 = tpu.memref_squeeze %dma_start3A_273 : memref<1x1x64xi32, #tpu.memory_space<vmem>> -> memref<64xi32, #tpu.memory_space<vmem>>
    %dma_start3A_275 = arith.constant 0 : i32
    %dma_start3A_276 = arith.constant 0 : i32
    %dma_start3A_277 = tpu.memref_slice %arg2[%dma_start3A_275, %dma_start3A_276] : memref<2048x512xf32, #tpu.memory_space<hbm>> -> memref<2048x512xf32, #tpu.memory_space<hbm>>
    tpu.enqueue_indirect_dma source(%dma_start3A_277 : memref<2048x512xf32, #tpu.memory_space<hbm>>) target(%dma_start3A_272 : memref<64x512xf32, #tpu.memory_space<vmem>>) offsets(%dma_start3A_274 : memref<64xi32, #tpu.memory_space<vmem>>) semaphore(%arg7 : memref<!tpu.dma_semaphore, #tpu.memory_space<semaphore_mem>>)
    %dma_wait3A_278 = arith.constant 0 : i32
    %dma_wait3A_279 = arith.constant 0 : i32
    %dma_wait3A_280 = tpu.memref_slice %arg6[%dma_wait3A_278, %dma_wait3A_279] : memref<128x512xf32, #tpu.memory_space<vmem>> -> memref<64x512xf32, #tpu.memory_space<vmem>>
    %dma_wait3A_281 = tpu.memref_slice %arg5[%sub3A_211, %add3A_269, %select_n3A_267] : memref<2x8x128xi32, #tpu.memory_space<vmem>> -> memref<1x1x64xi32, #tpu.memory_space<vmem>>
    %dma_wait3A_282 = tpu.memref_squeeze %dma_wait3A_281 : memref<1x1x64xi32, #tpu.memory_space<vmem>> -> memref<64xi32, #tpu.memory_space<vmem>>
    %dma_wait3A_283 = arith.constant 0 : i32
    %dma_wait3A_284 = arith.constant 0 : i32
    %dma_wait3A_285 = tpu.memref_slice %arg2[%dma_wait3A_283, %dma_wait3A_284] : memref<2048x512xf32, #tpu.memory_space<hbm>> -> memref<2048x512xf32, #tpu.memory_space<hbm>>
    tpu.wait_indirect_dma semaphore(%arg7 : memref<!tpu.dma_semaphore, #tpu.memory_space<semaphore_mem>>) src(%dma_wait3A_285 : memref<2048x512xf32, #tpu.memory_space<hbm>>) dst(%dma_wait3A_280 : memref<64x512xf32, #tpu.memory_space<vmem>>)
    "tpu.region"() ({
      %run_scoped3A_286 = tpu.sem_alloc : memref<!tpu.dma_semaphore, #tpu.memory_space<semaphore_mem>>
      %dma_start3A_287 = arith.constant 0 : i32
      %dma_start3A_288 = arith.constant 0 : i32
      %dma_start3A_289 = tpu.memref_slice %arg6[%dma_start3A_287, %dma_start3A_288] : memref<128x512xf32, #tpu.memory_space<vmem>> -> memref<64x512xf32, #tpu.memory_space<vmem>>
      %dma_start3A_290 = arith.constant 512 : i32
      %dma_start3A_291 = tpu.memref_slice %arg4[%add3A_186, %dma_start3A_290] : memref<2048x1024xf32, #tpu.memory_space<hbm>> -> memref<64x512xf32, #tpu.memory_space<hbm>>
      %dma_start3A_292 = arith.constant 512 : i32
      %dma_start3A_293 = tpu.memref_slice %arg4[%add3A_186, %dma_start3A_292] : memref<2048x1024xf32, #tpu.memory_space<hbm>> -> memref<64x512xf32, #tpu.memory_space<hbm>>
      %dma_start3A_294 = arith.constant 0 : i32
      %dma_start3A_295 = arith.constant 0 : i32
      %dma_start3A_296 = tpu.memref_slice %arg6[%dma_start3A_294, %dma_start3A_295] : memref<128x512xf32, #tpu.memory_space<vmem>> -> memref<64x512xf32, #tpu.memory_space<vmem>>
      tpu.enqueue_dma source(%dma_start3A_296 : memref<64x512xf32, #tpu.memory_space<vmem>>) target(%dma_start3A_293 : memref<64x512xf32, #tpu.memory_space<hbm>>) target_semaphore(%run_scoped3A_286 : memref<!tpu.dma_semaphore, #tpu.memory_space<semaphore_mem>>)
      %dma_wait3A_297 = arith.constant 0 : i32
      %dma_wait3A_298 = arith.constant 0 : i32
      %dma_wait3A_299 = tpu.memref_slice %arg6[%dma_wait3A_297, %dma_wait3A_298] : memref<128x512xf32, #tpu.memory_space<vmem>> -> memref<64x512xf32, #tpu.memory_space<vmem>>
      %dma_wait3A_300 = arith.constant 512 : i32
      %dma_wait3A_301 = tpu.memref_slice %arg4[%add3A_186, %dma_wait3A_300] : memref<2048x1024xf32, #tpu.memory_space<hbm>> -> memref<64x512xf32, #tpu.memory_space<hbm>>
      %dma_wait3A_302 = arith.constant 512 : i32
      %dma_wait3A_303 = tpu.memref_slice %arg4[%add3A_186, %dma_wait3A_302] : memref<2048x1024xf32, #tpu.memory_space<hbm>> -> memref<64x512xf32, #tpu.memory_space<hbm>>
      %dma_wait3A_304 = arith.constant 0 : i32
      %dma_wait3A_305 = arith.constant 0 : i32
      %dma_wait3A_306 = tpu.memref_slice %arg6[%dma_wait3A_304, %dma_wait3A_305] : memref<128x512xf32, #tpu.memory_space<vmem>> -> memref<64x512xf32, #tpu.memory_space<vmem>>
      tpu.wait_dma2 semaphore(%run_scoped3A_286 : memref<!tpu.dma_semaphore, #tpu.memory_space<semaphore_mem>>) src(%dma_wait3A_306 : memref<64x512xf32, #tpu.memory_space<vmem>>) dst(%dma_wait3A_303 : memref<64x512xf32, #tpu.memory_space<hbm>>)
      tpu.yield
    }) : () -> ()
    return
  }
}

module attributes {stable_mosaic.version = 14 : i64} {
  func.func @_stage3_body(%arg0: i32, %arg1: memref<2048x1024xf32, #tpu.memory_space<vmem>>, %arg2: memref<1024x512xf32, #tpu.memory_space<vmem>>, %arg3: memref<1x512xf32, #tpu.memory_space<vmem>>, %arg4: memref<2048x512xf32, #tpu.memory_space<vmem>>) attributes {dimension_semantics = [#tpu.dimension_semantics<arbitrary>], iteration_bounds = array<i64: 3>, scalar_prefetch = 0 : i64, scratch_operands = 0 : i64, tpu.core_type = #tpu.core_type<tc>, window_params = [{transform_indices = @transform_0, window_bounds = array<i64: 2048, 1024>}, {pipeline_mode = #tpu.pipeline_mode<synchronous>, transform_indices = @transform_1, window_bounds = array<i64: 1024, 512>}, {pipeline_mode = #tpu.pipeline_mode<synchronous>, transform_indices = @transform_2, window_bounds = array<i64: 1, 512>}, {transform_indices = @transform_3, window_bounds = array<i64: 2048, 512>}]} {
    %get3A = arith.constant 0 : index
    %get3A_0 = arith.constant 0 : index
    %get3A_1 = vector.load %arg1[%get3A, %get3A_0] : memref<2048x1024xf32, #tpu.memory_space<vmem>>, vector<2048x1024xf32>
    %get3A_2 = arith.constant 0 : index
    %get3A_3 = arith.constant 0 : index
    %get3A_4 = vector.load %arg2[%get3A_2, %get3A_3] : memref<1024x512xf32, #tpu.memory_space<vmem>>, vector<1024x512xf32>
    %dot_general3A = arith.constant dense<0.000000e+00> : vector<2048x512xf32>
    %dot_general3A_5 = tpu.matmul %get3A_1, %get3A_4, %dot_general3A {dimension_numbers = #tpu.dot_dimension_numbers<[1], [0], [0], [1], [0, 0, 1, 1], [], []>, transpose_lhs_hint = false} : vector<2048x1024xf32>, vector<1024x512xf32>, vector<2048x512xf32> -> vector<2048x512xf32>
    %get3A_6 = arith.constant 0 : index
    %get3A_7 = arith.constant 0 : index
    %get3A_8 = vector.load %arg3[%get3A_6, %get3A_7] : memref<1x512xf32, #tpu.memory_space<vmem>>, vector<1x512xf32>
    %add3A = vector.broadcast %get3A_8 : vector<1x512xf32> to vector<2048x512xf32>
    %add3A_9 = arith.addf %dot_general3A_5, %add3A : vector<2048x512xf32>
    %max3A = arith.constant 0.000000e+00 : f32
    %max3A_10 = vector.broadcast %max3A : f32 to vector<2048x512xf32>
    %max3A_11 = arith.maximumf %add3A_9, %max3A_10 : vector<2048x512xf32>
    %swap3A = arith.constant 0 : index
    %swap3A_12 = arith.constant 0 : index
    %swap3A_13 = vector.load %arg4[%swap3A, %swap3A_12] : memref<2048x512xf32, #tpu.memory_space<vmem>>, vector<2048x512xf32>
    tpu.vector_store %arg4[%swap3A, %swap3A_12], %max3A_11 {strides = array<i32>} : memref<2048x512xf32, #tpu.memory_space<vmem>>, vector<2048x512xf32>,
    return
  }
  func.func @transform_0(%arg0: i32) -> (i32, i32) {
    %c0_i32 = arith.constant 0 : i32
    %c0_i32_0 = arith.constant 0 : i32
    return %arg0, %c0_i32 : i32, i32
  }
  func.func @transform_1(%arg0: i32) -> (i32, i32) {
    %c0_i32 = arith.constant 0 : i32
    %c0_i32_0 = arith.constant 0 : i32
    %c0_i32_1 = arith.constant 0 : i32
    return %c0_i32, %c0_i32_0 : i32, i32
  }
  func.func @transform_2(%arg0: i32) -> (i32, i32) {
    %c0_i32 = arith.constant 0 : i32
    %c0_i32_0 = arith.constant 0 : i32
    %c0_i32_1 = arith.constant 0 : i32
    return %c0_i32, %c0_i32_0 : i32, i32
  }
  func.func @transform_3(%arg0: i32) -> (i32, i32) {
    %add3A = arith.constant 0 : i32
    %add3A_0 = arith.addi %arg0, %add3A : i32
    %c0_i32 = arith.constant 0 : i32
    %c0_i32_1 = arith.constant 0 : i32
    return %add3A_0, %c0_i32 : i32, i32
  }
}

module attributes {stable_mosaic.version = 14 : i64} {
  func.func @_stage3_body(%arg0: i32, %arg1: memref<2048x1024xf32, #tpu.memory_space<vmem>>, %arg2: memref<1024x512xf32, #tpu.memory_space<vmem>>, %arg3: memref<1x512xf32, #tpu.memory_space<vmem>>, %arg4: memref<8192x512xf32, #tpu.memory_space<any>>, %arg5: memref<2048x512xf32, #tpu.memory_space<vmem>>) attributes {dimension_semantics = [#tpu.dimension_semantics<arbitrary>], iteration_bounds = array<i64: 1>, scalar_prefetch = 0 : i64, scratch_operands = 0 : i64, tpu.core_type = #tpu.core_type<tc>, window_params = [{transform_indices = @transform_0, window_bounds = array<i64: 2048, 1024>}, {pipeline_mode = #tpu.pipeline_mode<synchronous>, transform_indices = @transform_1, window_bounds = array<i64: 1024, 512>}, {pipeline_mode = #tpu.pipeline_mode<synchronous>, transform_indices = @transform_2, window_bounds = array<i64: 1, 512>}, {}, {transform_indices = @transform_4, window_bounds = array<i64: 2048, 512>}]} {
    %get3A = arith.constant 0 : index
    %get3A_0 = arith.constant 0 : index
    %get3A_1 = vector.load %arg1[%get3A, %get3A_0] : memref<2048x1024xf32, #tpu.memory_space<vmem>>, vector<2048x1024xf32>
    %get3A_2 = arith.constant 0 : index
    %get3A_3 = arith.constant 0 : index
    %get3A_4 = vector.load %arg2[%get3A_2, %get3A_3] : memref<1024x512xf32, #tpu.memory_space<vmem>>, vector<1024x512xf32>
    %dot_general3A = arith.constant dense<0.000000e+00> : vector<2048x512xf32>
    %dot_general3A_5 = tpu.matmul %get3A_1, %get3A_4, %dot_general3A {dimension_numbers = #tpu.dot_dimension_numbers<[1], [0], [0], [1], [0, 0, 1, 1], [], []>, transpose_lhs_hint = false} : vector<2048x1024xf32>, vector<1024x512xf32>, vector<2048x512xf32> -> vector<2048x512xf32>
    %get3A_6 = arith.constant 0 : index
    %get3A_7 = arith.constant 0 : index
    %get3A_8 = vector.load %arg3[%get3A_6, %get3A_7] : memref<1x512xf32, #tpu.memory_space<vmem>>, vector<1x512xf32>
    %add3A = vector.broadcast %get3A_8 : vector<1x512xf32> to vector<2048x512xf32>
    %add3A_9 = arith.addf %dot_general3A_5, %add3A : vector<2048x512xf32>
    %max3A = arith.constant 0.000000e+00 : f32
    %max3A_10 = vector.broadcast %max3A : f32 to vector<2048x512xf32>
    %max3A_11 = arith.maximumf %add3A_9, %max3A_10 : vector<2048x512xf32>
    %swap3A = arith.constant 0 : index
    %swap3A_12 = arith.constant 0 : index
    %swap3A_13 = vector.load %arg5[%swap3A, %swap3A_12] : memref<2048x512xf32, #tpu.memory_space<vmem>>, vector<2048x512xf32>
    tpu.vector_store %arg5[%swap3A, %swap3A_12], %max3A_11 {strides = array<i32>} : memref<2048x512xf32, #tpu.memory_space<vmem>>, vector<2048x512xf32>,
    return
  }
  func.func @transform_0(%arg0: i32) -> (i32, i32) {
    %c0_i32 = arith.constant 0 : i32
    %c0_i32_0 = arith.constant 0 : i32
    return %arg0, %c0_i32 : i32, i32
  }
  func.func @transform_1(%arg0: i32) -> (i32, i32) {
    %c0_i32 = arith.constant 0 : i32
    %c0_i32_0 = arith.constant 0 : i32
    %c0_i32_1 = arith.constant 0 : i32
    return %c0_i32, %c0_i32_0 : i32, i32
  }
  func.func @transform_2(%arg0: i32) -> (i32, i32) {
    %c0_i32 = arith.constant 0 : i32
    %c0_i32_0 = arith.constant 0 : i32
    %c0_i32_1 = arith.constant 0 : i32
    return %c0_i32, %c0_i32_0 : i32, i32
  }
  func.func @transform_4(%arg0: i32) -> (i32, i32) {
    %add3A = arith.constant 3 : i32
    %add3A_0 = arith.addi %arg0, %add3A : i32
    %c0_i32 = arith.constant 0 : i32
    %c0_i32_1 = arith.constant 0 : i32
    return %add3A_0, %c0_i32 : i32, i32
  }
}

module attributes {stable_mosaic.version = 14 : i64} {
  func.func @_stage1_body(%arg0: i32, %arg1: memref<512x512xf32, #tpu.memory_space<vmem>>, %arg2: memref<512x2x1024xf32, #tpu.memory_space<vmem>>, %arg3: memref<512x2048xf32, #tpu.memory_space<vmem>>, %arg4: memref<1x2048xf32, #tpu.memory_space<vmem>>, %arg5: memref<8192x2x1024xf32, #tpu.memory_space<any>>, %arg6: memref<512x2x1024xf32, #tpu.memory_space<vmem>>, %arg7: memref<1x8x128xi32, #tpu.memory_space<vmem>>, %arg8: memref<512x2048xf32, #tpu.memory_space<vmem>>, %arg9: memref<1x2048xf32, #tpu.memory_space<vmem>>) attributes {dimension_semantics = [#tpu.dimension_semantics<arbitrary>], iteration_bounds = array<i64: 4>, scalar_prefetch = 0 : i64, scratch_operands = 2 : i64, tpu.core_type = #tpu.core_type<tc>, window_params = [{transform_indices = @transform_0, window_bounds = array<i64: 512, 512>}, {transform_indices = @transform_1, window_bounds = array<i64: 512, 2, 1024>}, {pipeline_mode = #tpu.pipeline_mode<synchronous>, transform_indices = @transform_2, window_bounds = array<i64: 512, 2048>}, {pipeline_mode = #tpu.pipeline_mode<synchronous>, transform_indices = @transform_3, window_bounds = array<i64: 1, 2048>}, {}, {transform_indices = @transform_5, window_bounds = array<i64: 512, 2, 1024>}, {transform_indices = @transform_6, window_bounds = array<i64: 1, 8, 128>}]} {
    %eq3A = arith.constant 0 : i32
    %eq3A_0 = arith.cmpi eq, %arg0, %eq3A : i32
    %convert_element_type3A = arith.extui %eq3A_0 : i1 to i32
    %cond3A = arith.constant 0 : i32
    %cond3A_1 = arith.cmpi ne, %convert_element_type3A, %cond3A : i32
    scf.if %cond3A_1 {
      %iota3A_96 = tpu.iota {dimensions = array<i32: 0>} : vector<256x128xi32>
      %iota3A_97 = tpu.iota {dimensions = array<i32: 1>} : vector<256x128xi32>
      %mul3A_98 = arith.constant 2 : i32
      %mul3A_99 = vector.broadcast %mul3A_98 : i32 to vector<256x128xi32>
      %mul3A_100 = arith.muli %mul3A_99, %iota3A_97 : vector<256x128xi32>
      %add3A_101 = arith.constant 0 : i32
      %add3A_102 = vector.broadcast %add3A_101 : i32 to vector<256x128xi32>
      %add3A_103 = arith.addi %mul3A_100, %add3A_102 : vector<256x128xi32>
      %eq3A_104 = arith.cmpi eq, %iota3A_96, %add3A_103 : vector<256x128xi32>
      %convert_element_type3A_105 = arith.extui %eq3A_104 : vector<256x128xi1> to vector<256x128xi32>
      %convert_element_type3A_106 = arith.sitofp %convert_element_type3A_105 : vector<256x128xi32> to vector<256x128xf32>
      %get3A_107 = arith.constant 0 : index
      %get3A_108 = arith.constant 0 : index
      %get3A_109 = vector.load %arg3[%get3A_107, %get3A_108] : memref<512x2048xf32, #tpu.memory_space<vmem>>, vector<512x256xf32>
      %dot_general3A_110 = arith.constant dense<0.000000e+00> : vector<512x128xf32>
      %dot_general3A_111 = tpu.matmul %get3A_109, %convert_element_type3A_106, %dot_general3A_110 {dimension_numbers = #tpu.dot_dimension_numbers<[1], [0], [0], [1], [0, 0, 1, 1], [], []>, transpose_lhs_hint = false} : vector<512x256xf32>, vector<256x128xf32>, vector<512x128xf32> -> vector<512x128xf32>
      %swap3A_112 = arith.constant 0 : index
      %swap3A_113 = arith.constant 0 : index
      %swap3A_114 = vector.load %arg8[%swap3A_112, %swap3A_113] : memref<512x2048xf32, #tpu.memory_space<vmem>>, vector<512x128xf32>
      tpu.vector_store %arg8[%swap3A_112, %swap3A_113], %dot_general3A_111 {strides = array<i32>} : memref<512x2048xf32, #tpu.memory_space<vmem>>, vector<512x128xf32>,
      %get3A_115 = arith.constant 0 : index
      %get3A_116 = arith.constant 0 : index
      %get3A_117 = vector.load %arg4[%get3A_115, %get3A_116] : memref<1x2048xf32, #tpu.memory_space<vmem>>, vector<1x256xf32>
      %dot_general3A_118 = arith.constant dense<0.000000e+00> : vector<1x128xf32>
      %dot_general3A_119 = tpu.matmul %get3A_117, %convert_element_type3A_106, %dot_general3A_118 {dimension_numbers = #tpu.dot_dimension_numbers<[1], [0], [0], [1], [0, 0, 1, 1], [], []>, transpose_lhs_hint = false} : vector<1x256xf32>, vector<256x128xf32>, vector<1x128xf32> -> vector<1x128xf32>
      %swap3A_120 = arith.constant 0 : index
      %swap3A_121 = arith.constant 0 : index
      %swap3A_122 = vector.load %arg9[%swap3A_120, %swap3A_121] : memref<1x2048xf32, #tpu.memory_space<vmem>>, vector<1x128xf32>
      tpu.vector_store %arg9[%swap3A_120, %swap3A_121], %dot_general3A_119 {strides = array<i32>} : memref<1x2048xf32, #tpu.memory_space<vmem>>, vector<1x128xf32>,
      %get3A_123 = arith.constant 0 : index
      %get3A_124 = arith.constant 256 : index
      %get3A_125 = vector.load %arg3[%get3A_123, %get3A_124] : memref<512x2048xf32, #tpu.memory_space<vmem>>, vector<512x256xf32>
      %dot_general3A_126 = arith.constant dense<0.000000e+00> : vector<512x128xf32>
      %dot_general3A_127 = tpu.matmul %get3A_125, %convert_element_type3A_106, %dot_general3A_126 {dimension_numbers = #tpu.dot_dimension_numbers<[1], [0], [0], [1], [0, 0, 1, 1], [], []>, transpose_lhs_hint = false} : vector<512x256xf32>, vector<256x128xf32>, vector<512x128xf32> -> vector<512x128xf32>
      %swap3A_128 = arith.constant 0 : index
      %swap3A_129 = arith.constant 128 : index
      %swap3A_130 = vector.load %arg8[%swap3A_128, %swap3A_129] : memref<512x2048xf32, #tpu.memory_space<vmem>>, vector<512x128xf32>
      tpu.vector_store %arg8[%swap3A_128, %swap3A_129], %dot_general3A_127 {strides = array<i32>} : memref<512x2048xf32, #tpu.memory_space<vmem>>, vector<512x128xf32>,
      %get3A_131 = arith.constant 0 : index
      %get3A_132 = arith.constant 256 : index
      %get3A_133 = vector.load %arg4[%get3A_131, %get3A_132] : memref<1x2048xf32, #tpu.memory_space<vmem>>, vector<1x256xf32>
      %dot_general3A_134 = arith.constant dense<0.000000e+00> : vector<1x128xf32>
      %dot_general3A_135 = tpu.matmul %get3A_133, %convert_element_type3A_106, %dot_general3A_134 {dimension_numbers = #tpu.dot_dimension_numbers<[1], [0], [0], [1], [0, 0, 1, 1], [], []>, transpose_lhs_hint = false} : vector<1x256xf32>, vector<256x128xf32>, vector<1x128xf32> -> vector<1x128xf32>
      %swap3A_136 = arith.constant 0 : index
      %swap3A_137 = arith.constant 128 : index
      %swap3A_138 = vector.load %arg9[%swap3A_136, %swap3A_137] : memref<1x2048xf32, #tpu.memory_space<vmem>>, vector<1x128xf32>
      tpu.vector_store %arg9[%swap3A_136, %swap3A_137], %dot_general3A_135 {strides = array<i32>} : memref<1x2048xf32, #tpu.memory_space<vmem>>, vector<1x128xf32>,
      %get3A_139 = arith.constant 0 : index
      %get3A_140 = arith.constant 512 : index
      %get3A_141 = vector.load %arg3[%get3A_139, %get3A_140] : memref<512x2048xf32, #tpu.memory_space<vmem>>, vector<512x256xf32>
      %dot_general3A_142 = arith.constant dense<0.000000e+00> : vector<512x128xf32>
      %dot_general3A_143 = tpu.matmul %get3A_141, %convert_element_type3A_106, %dot_general3A_142 {dimension_numbers = #tpu.dot_dimension_numbers<[1], [0], [0], [1], [0, 0, 1, 1], [], []>, transpose_lhs_hint = false} : vector<512x256xf32>, vector<256x128xf32>, vector<512x128xf32> -> vector<512x128xf32>
      %swap3A_144 = arith.constant 0 : index
      %swap3A_145 = arith.constant 256 : index
      %swap3A_146 = vector.load %arg8[%swap3A_144, %swap3A_145] : memref<512x2048xf32, #tpu.memory_space<vmem>>, vector<512x128xf32>
      tpu.vector_store %arg8[%swap3A_144, %swap3A_145], %dot_general3A_143 {strides = array<i32>} : memref<512x2048xf32, #tpu.memory_space<vmem>>, vector<512x128xf32>,
      %get3A_147 = arith.constant 0 : index
      %get3A_148 = arith.constant 512 : index
      %get3A_149 = vector.load %arg4[%get3A_147, %get3A_148] : memref<1x2048xf32, #tpu.memory_space<vmem>>, vector<1x256xf32>
      %dot_general3A_150 = arith.constant dense<0.000000e+00> : vector<1x128xf32>
      %dot_general3A_151 = tpu.matmul %get3A_149, %convert_element_type3A_106, %dot_general3A_150 {dimension_numbers = #tpu.dot_dimension_numbers<[1], [0], [0], [1], [0, 0, 1, 1], [], []>, transpose_lhs_hint = false} : vector<1x256xf32>, vector<256x128xf32>, vector<1x128xf32> -> vector<1x128xf32>
      %swap3A_152 = arith.constant 0 : index
      %swap3A_153 = arith.constant 256 : index
      %swap3A_154 = vector.load %arg9[%swap3A_152, %swap3A_153] : memref<1x2048xf32, #tpu.memory_space<vmem>>, vector<1x128xf32>
      tpu.vector_store %arg9[%swap3A_152, %swap3A_153], %dot_general3A_151 {strides = array<i32>} : memref<1x2048xf32, #tpu.memory_space<vmem>>, vector<1x128xf32>,
      %get3A_155 = arith.constant 0 : index
      %get3A_156 = arith.constant 768 : index
      %get3A_157 = vector.load %arg3[%get3A_155, %get3A_156] : memref<512x2048xf32, #tpu.memory_space<vmem>>, vector<512x256xf32>
      %dot_general3A_158 = arith.constant dense<0.000000e+00> : vector<512x128xf32>
      %dot_general3A_159 = tpu.matmul %get3A_157, %convert_element_type3A_106, %dot_general3A_158 {dimension_numbers = #tpu.dot_dimension_numbers<[1], [0], [0], [1], [0, 0, 1, 1], [], []>, transpose_lhs_hint = false} : vector<512x256xf32>, vector<256x128xf32>, vector<512x128xf32> -> vector<512x128xf32>
      %swap3A_160 = arith.constant 0 : index
      %swap3A_161 = arith.constant 384 : index
      %swap3A_162 = vector.load %arg8[%swap3A_160, %swap3A_161] : memref<512x2048xf32, #tpu.memory_space<vmem>>, vector<512x128xf32>
      tpu.vector_store %arg8[%swap3A_160, %swap3A_161], %dot_general3A_159 {strides = array<i32>} : memref<512x2048xf32, #tpu.memory_space<vmem>>, vector<512x128xf32>,
      %get3A_163 = arith.constant 0 : index
      %get3A_164 = arith.constant 768 : index
      %get3A_165 = vector.load %arg4[%get3A_163, %get3A_164] : memref<1x2048xf32, #tpu.memory_space<vmem>>, vector<1x256xf32>
      %dot_general3A_166 = arith.constant dense<0.000000e+00> : vector<1x128xf32>
      %dot_general3A_167 = tpu.matmul %get3A_165, %convert_element_type3A_106, %dot_general3A_166 {dimension_numbers = #tpu.dot_dimension_numbers<[1], [0], [0], [1], [0, 0, 1, 1], [], []>, transpose_lhs_hint = false} : vector<1x256xf32>, vector<256x128xf32>, vector<1x128xf32> -> vector<1x128xf32>
      %swap3A_168 = arith.constant 0 : index
      %swap3A_169 = arith.constant 384 : index
      %swap3A_170 = vector.load %arg9[%swap3A_168, %swap3A_169] : memref<1x2048xf32, #tpu.memory_space<vmem>>, vector<1x128xf32>
      tpu.vector_store %arg9[%swap3A_168, %swap3A_169], %dot_general3A_167 {strides = array<i32>} : memref<1x2048xf32, #tpu.memory_space<vmem>>, vector<1x128xf32>,
      %get3A_171 = arith.constant 0 : index
      %get3A_172 = arith.constant 1024 : index
      %get3A_173 = vector.load %arg3[%get3A_171, %get3A_172] : memref<512x2048xf32, #tpu.memory_space<vmem>>, vector<512x256xf32>
      %dot_general3A_174 = arith.constant dense<0.000000e+00> : vector<512x128xf32>
      %dot_general3A_175 = tpu.matmul %get3A_173, %convert_element_type3A_106, %dot_general3A_174 {dimension_numbers = #tpu.dot_dimension_numbers<[1], [0], [0], [1], [0, 0, 1, 1], [], []>, transpose_lhs_hint = false} : vector<512x256xf32>, vector<256x128xf32>, vector<512x128xf32> -> vector<512x128xf32>
      %swap3A_176 = arith.constant 0 : index
      %swap3A_177 = arith.constant 512 : index
      %swap3A_178 = vector.load %arg8[%swap3A_176, %swap3A_177] : memref<512x2048xf32, #tpu.memory_space<vmem>>, vector<512x128xf32>
      tpu.vector_store %arg8[%swap3A_176, %swap3A_177], %dot_general3A_175 {strides = array<i32>} : memref<512x2048xf32, #tpu.memory_space<vmem>>, vector<512x128xf32>,
      %get3A_179 = arith.constant 0 : index
      %get3A_180 = arith.constant 1024 : index
      %get3A_181 = vector.load %arg4[%get3A_179, %get3A_180] : memref<1x2048xf32, #tpu.memory_space<vmem>>, vector<1x256xf32>
      %dot_general3A_182 = arith.constant dense<0.000000e+00> : vector<1x128xf32>
      %dot_general3A_183 = tpu.matmul %get3A_181, %convert_element_type3A_106, %dot_general3A_182 {dimension_numbers = #tpu.dot_dimension_numbers<[1], [0], [0], [1], [0, 0, 1, 1], [], []>, transpose_lhs_hint = false} : vector<1x256xf32>, vector<256x128xf32>, vector<1x128xf32> -> vector<1x128xf32>
      %swap3A_184 = arith.constant 0 : index
      %swap3A_185 = arith.constant 512 : index
      %swap3A_186 = vector.load %arg9[%swap3A_184, %swap3A_185] : memref<1x2048xf32, #tpu.memory_space<vmem>>, vector<1x128xf32>
      tpu.vector_store %arg9[%swap3A_184, %swap3A_185], %dot_general3A_183 {strides = array<i32>} : memref<1x2048xf32, #tpu.memory_space<vmem>>, vector<1x128xf32>,
      %get3A_187 = arith.constant 0 : index
      %get3A_188 = arith.constant 1280 : index
      %get3A_189 = vector.load %arg3[%get3A_187, %get3A_188] : memref<512x2048xf32, #tpu.memory_space<vmem>>, vector<512x256xf32>
      %dot_general3A_190 = arith.constant dense<0.000000e+00> : vector<512x128xf32>
      %dot_general3A_191 = tpu.matmul %get3A_189, %convert_element_type3A_106, %dot_general3A_190 {dimension_numbers = #tpu.dot_dimension_numbers<[1], [0], [0], [1], [0, 0, 1, 1], [], []>, transpose_lhs_hint = false} : vector<512x256xf32>, vector<256x128xf32>, vector<512x128xf32> -> vector<512x128xf32>
      %swap3A_192 = arith.constant 0 : index
      %swap3A_193 = arith.constant 640 : index
      %swap3A_194 = vector.load %arg8[%swap3A_192, %swap3A_193] : memref<512x2048xf32, #tpu.memory_space<vmem>>, vector<512x128xf32>
      tpu.vector_store %arg8[%swap3A_192, %swap3A_193], %dot_general3A_191 {strides = array<i32>} : memref<512x2048xf32, #tpu.memory_space<vmem>>, vector<512x128xf32>,
      %get3A_195 = arith.constant 0 : index
      %get3A_196 = arith.constant 1280 : index
      %get3A_197 = vector.load %arg4[%get3A_195, %get3A_196] : memref<1x2048xf32, #tpu.memory_space<vmem>>, vector<1x256xf32>
      %dot_general3A_198 = arith.constant dense<0.000000e+00> : vector<1x128xf32>
      %dot_general3A_199 = tpu.matmul %get3A_197, %convert_element_type3A_106, %dot_general3A_198 {dimension_numbers = #tpu.dot_dimension_numbers<[1], [0], [0], [1], [0, 0, 1, 1], [], []>, transpose_lhs_hint = false} : vector<1x256xf32>, vector<256x128xf32>, vector<1x128xf32> -> vector<1x128xf32>
      %swap3A_200 = arith.constant 0 : index
      %swap3A_201 = arith.constant 640 : index
      %swap3A_202 = vector.load %arg9[%swap3A_200, %swap3A_201] : memref<1x2048xf32, #tpu.memory_space<vmem>>, vector<1x128xf32>
      tpu.vector_store %arg9[%swap3A_200, %swap3A_201], %dot_general3A_199 {strides = array<i32>} : memref<1x2048xf32, #tpu.memory_space<vmem>>, vector<1x128xf32>,
      %get3A_203 = arith.constant 0 : index
      %get3A_204 = arith.constant 1536 : index
      %get3A_205 = vector.load %arg3[%get3A_203, %get3A_204] : memref<512x2048xf32, #tpu.memory_space<vmem>>, vector<512x256xf32>
      %dot_general3A_206 = arith.constant dense<0.000000e+00> : vector<512x128xf32>
      %dot_general3A_207 = tpu.matmul %get3A_205, %convert_element_type3A_106, %dot_general3A_206 {dimension_numbers = #tpu.dot_dimension_numbers<[1], [0], [0], [1], [0, 0, 1, 1], [], []>, transpose_lhs_hint = false} : vector<512x256xf32>, vector<256x128xf32>, vector<512x128xf32> -> vector<512x128xf32>
      %swap3A_208 = arith.constant 0 : index
      %swap3A_209 = arith.constant 768 : index
      %swap3A_210 = vector.load %arg8[%swap3A_208, %swap3A_209] : memref<512x2048xf32, #tpu.memory_space<vmem>>, vector<512x128xf32>
      tpu.vector_store %arg8[%swap3A_208, %swap3A_209], %dot_general3A_207 {strides = array<i32>} : memref<512x2048xf32, #tpu.memory_space<vmem>>, vector<512x128xf32>,
      %get3A_211 = arith.constant 0 : index
      %get3A_212 = arith.constant 1536 : index
      %get3A_213 = vector.load %arg4[%get3A_211, %get3A_212] : memref<1x2048xf32, #tpu.memory_space<vmem>>, vector<1x256xf32>
      %dot_general3A_214 = arith.constant dense<0.000000e+00> : vector<1x128xf32>
      %dot_general3A_215 = tpu.matmul %get3A_213, %convert_element_type3A_106, %dot_general3A_214 {dimension_numbers = #tpu.dot_dimension_numbers<[1], [0], [0], [1], [0, 0, 1, 1], [], []>, transpose_lhs_hint = false} : vector<1x256xf32>, vector<256x128xf32>, vector<1x128xf32> -> vector<1x128xf32>
      %swap3A_216 = arith.constant 0 : index
      %swap3A_217 = arith.constant 768 : index
      %swap3A_218 = vector.load %arg9[%swap3A_216, %swap3A_217] : memref<1x2048xf32, #tpu.memory_space<vmem>>, vector<1x128xf32>
      tpu.vector_store %arg9[%swap3A_216, %swap3A_217], %dot_general3A_215 {strides = array<i32>} : memref<1x2048xf32, #tpu.memory_space<vmem>>, vector<1x128xf32>,
      %get3A_219 = arith.constant 0 : index
      %get3A_220 = arith.constant 1792 : index
      %get3A_221 = vector.load %arg3[%get3A_219, %get3A_220] : memref<512x2048xf32, #tpu.memory_space<vmem>>, vector<512x256xf32>
      %dot_general3A_222 = arith.constant dense<0.000000e+00> : vector<512x128xf32>
      %dot_general3A_223 = tpu.matmul %get3A_221, %convert_element_type3A_106, %dot_general3A_222 {dimension_numbers = #tpu.dot_dimension_numbers<[1], [0], [0], [1], [0, 0, 1, 1], [], []>, transpose_lhs_hint = false} : vector<512x256xf32>, vector<256x128xf32>, vector<512x128xf32> -> vector<512x128xf32>
      %swap3A_224 = arith.constant 0 : index
      %swap3A_225 = arith.constant 896 : index
      %swap3A_226 = vector.load %arg8[%swap3A_224, %swap3A_225] : memref<512x2048xf32, #tpu.memory_space<vmem>>, vector<512x128xf32>
      tpu.vector_store %arg8[%swap3A_224, %swap3A_225], %dot_general3A_223 {strides = array<i32>} : memref<512x2048xf32, #tpu.memory_space<vmem>>, vector<512x128xf32>,
      %get3A_227 = arith.constant 0 : index
      %get3A_228 = arith.constant 1792 : index
      %get3A_229 = vector.load %arg4[%get3A_227, %get3A_228] : memref<1x2048xf32, #tpu.memory_space<vmem>>, vector<1x256xf32>
      %dot_general3A_230 = arith.constant dense<0.000000e+00> : vector<1x128xf32>
      %dot_general3A_231 = tpu.matmul %get3A_229, %convert_element_type3A_106, %dot_general3A_230 {dimension_numbers = #tpu.dot_dimension_numbers<[1], [0], [0], [1], [0, 0, 1, 1], [], []>, transpose_lhs_hint = false} : vector<1x256xf32>, vector<256x128xf32>, vector<1x128xf32> -> vector<1x128xf32>
      %swap3A_232 = arith.constant 0 : index
      %swap3A_233 = arith.constant 896 : index
      %swap3A_234 = vector.load %arg9[%swap3A_232, %swap3A_233] : memref<1x2048xf32, #tpu.memory_space<vmem>>, vector<1x128xf32>
      tpu.vector_store %arg9[%swap3A_232, %swap3A_233], %dot_general3A_231 {strides = array<i32>} : memref<1x2048xf32, #tpu.memory_space<vmem>>, vector<1x128xf32>,
      %mul3A_235 = arith.constant 2 : i32
      %mul3A_236 = vector.broadcast %mul3A_235 : i32 to vector<256x128xi32>
      %mul3A_237 = arith.muli %mul3A_236, %iota3A_97 : vector<256x128xi32>
      %add3A_238 = arith.constant 1 : i32
      %add3A_239 = vector.broadcast %add3A_238 : i32 to vector<256x128xi32>
      %add3A_240 = arith.addi %mul3A_237, %add3A_239 : vector<256x128xi32>
      %eq3A_241 = arith.cmpi eq, %iota3A_96, %add3A_240 : vector<256x128xi32>
      %convert_element_type3A_242 = arith.extui %eq3A_241 : vector<256x128xi1> to vector<256x128xi32>
      %convert_element_type3A_243 = arith.sitofp %convert_element_type3A_242 : vector<256x128xi32> to vector<256x128xf32>
      %get3A_244 = arith.constant 0 : index
      %get3A_245 = arith.constant 0 : index
      %get3A_246 = vector.load %arg3[%get3A_244, %get3A_245] : memref<512x2048xf32, #tpu.memory_space<vmem>>, vector<512x256xf32>
      %dot_general3A_247 = arith.constant dense<0.000000e+00> : vector<512x128xf32>
      %dot_general3A_248 = tpu.matmul %get3A_246, %convert_element_type3A_243, %dot_general3A_247 {dimension_numbers = #tpu.dot_dimension_numbers<[1], [0], [0], [1], [0, 0, 1, 1], [], []>, transpose_lhs_hint = false} : vector<512x256xf32>, vector<256x128xf32>, vector<512x128xf32> -> vector<512x128xf32>
      %swap3A_249 = arith.constant 0 : index
      %swap3A_250 = arith.constant 1024 : index
      %swap3A_251 = vector.load %arg8[%swap3A_249, %swap3A_250] : memref<512x2048xf32, #tpu.memory_space<vmem>>, vector<512x128xf32>
      tpu.vector_store %arg8[%swap3A_249, %swap3A_250], %dot_general3A_248 {strides = array<i32>} : memref<512x2048xf32, #tpu.memory_space<vmem>>, vector<512x128xf32>,
      %get3A_252 = arith.constant 0 : index
      %get3A_253 = arith.constant 0 : index
      %get3A_254 = vector.load %arg4[%get3A_252, %get3A_253] : memref<1x2048xf32, #tpu.memory_space<vmem>>, vector<1x256xf32>
      %dot_general3A_255 = arith.constant dense<0.000000e+00> : vector<1x128xf32>
      %dot_general3A_256 = tpu.matmul %get3A_254, %convert_element_type3A_243, %dot_general3A_255 {dimension_numbers = #tpu.dot_dimension_numbers<[1], [0], [0], [1], [0, 0, 1, 1], [], []>, transpose_lhs_hint = false} : vector<1x256xf32>, vector<256x128xf32>, vector<1x128xf32> -> vector<1x128xf32>
      %swap3A_257 = arith.constant 0 : index
      %swap3A_258 = arith.constant 1024 : index
      %swap3A_259 = vector.load %arg9[%swap3A_257, %swap3A_258] : memref<1x2048xf32, #tpu.memory_space<vmem>>, vector<1x128xf32>
      tpu.vector_store %arg9[%swap3A_257, %swap3A_258], %dot_general3A_256 {strides = array<i32>} : memref<1x2048xf32, #tpu.memory_space<vmem>>, vector<1x128xf32>,
      %get3A_260 = arith.constant 0 : index
      %get3A_261 = arith.constant 256 : index
      %get3A_262 = vector.load %arg3[%get3A_260, %get3A_261] : memref<512x2048xf32, #tpu.memory_space<vmem>>, vector<512x256xf32>
      %dot_general3A_263 = arith.constant dense<0.000000e+00> : vector<512x128xf32>
      %dot_general3A_264 = tpu.matmul %get3A_262, %convert_element_type3A_243, %dot_general3A_263 {dimension_numbers = #tpu.dot_dimension_numbers<[1], [0], [0], [1], [0, 0, 1, 1], [], []>, transpose_lhs_hint = false} : vector<512x256xf32>, vector<256x128xf32>, vector<512x128xf32> -> vector<512x128xf32>
      %swap3A_265 = arith.constant 0 : index
      %swap3A_266 = arith.constant 1152 : index
      %swap3A_267 = vector.load %arg8[%swap3A_265, %swap3A_266] : memref<512x2048xf32, #tpu.memory_space<vmem>>, vector<512x128xf32>
      tpu.vector_store %arg8[%swap3A_265, %swap3A_266], %dot_general3A_264 {strides = array<i32>} : memref<512x2048xf32, #tpu.memory_space<vmem>>, vector<512x128xf32>,
      %get3A_268 = arith.constant 0 : index
      %get3A_269 = arith.constant 256 : index
      %get3A_270 = vector.load %arg4[%get3A_268, %get3A_269] : memref<1x2048xf32, #tpu.memory_space<vmem>>, vector<1x256xf32>
      %dot_general3A_271 = arith.constant dense<0.000000e+00> : vector<1x128xf32>
      %dot_general3A_272 = tpu.matmul %get3A_270, %convert_element_type3A_243, %dot_general3A_271 {dimension_numbers = #tpu.dot_dimension_numbers<[1], [0], [0], [1], [0, 0, 1, 1], [], []>, transpose_lhs_hint = false} : vector<1x256xf32>, vector<256x128xf32>, vector<1x128xf32> -> vector<1x128xf32>
      %swap3A_273 = arith.constant 0 : index
      %swap3A_274 = arith.constant 1152 : index
      %swap3A_275 = vector.load %arg9[%swap3A_273, %swap3A_274] : memref<1x2048xf32, #tpu.memory_space<vmem>>, vector<1x128xf32>
      tpu.vector_store %arg9[%swap3A_273, %swap3A_274], %dot_general3A_272 {strides = array<i32>} : memref<1x2048xf32, #tpu.memory_space<vmem>>, vector<1x128xf32>,
      %get3A_276 = arith.constant 0 : index
      %get3A_277 = arith.constant 512 : index
      %get3A_278 = vector.load %arg3[%get3A_276, %get3A_277] : memref<512x2048xf32, #tpu.memory_space<vmem>>, vector<512x256xf32>
      %dot_general3A_279 = arith.constant dense<0.000000e+00> : vector<512x128xf32>
      %dot_general3A_280 = tpu.matmul %get3A_278, %convert_element_type3A_243, %dot_general3A_279 {dimension_numbers = #tpu.dot_dimension_numbers<[1], [0], [0], [1], [0, 0, 1, 1], [], []>, transpose_lhs_hint = false} : vector<512x256xf32>, vector<256x128xf32>, vector<512x128xf32> -> vector<512x128xf32>
      %swap3A_281 = arith.constant 0 : index
      %swap3A_282 = arith.constant 1280 : index
      %swap3A_283 = vector.load %arg8[%swap3A_281, %swap3A_282] : memref<512x2048xf32, #tpu.memory_space<vmem>>, vector<512x128xf32>
      tpu.vector_store %arg8[%swap3A_281, %swap3A_282], %dot_general3A_280 {strides = array<i32>} : memref<512x2048xf32, #tpu.memory_space<vmem>>, vector<512x128xf32>,
      %get3A_284 = arith.constant 0 : index
      %get3A_285 = arith.constant 512 : index
      %get3A_286 = vector.load %arg4[%get3A_284, %get3A_285] : memref<1x2048xf32, #tpu.memory_space<vmem>>, vector<1x256xf32>
      %dot_general3A_287 = arith.constant dense<0.000000e+00> : vector<1x128xf32>
      %dot_general3A_288 = tpu.matmul %get3A_286, %convert_element_type3A_243, %dot_general3A_287 {dimension_numbers = #tpu.dot_dimension_numbers<[1], [0], [0], [1], [0, 0, 1, 1], [], []>, transpose_lhs_hint = false} : vector<1x256xf32>, vector<256x128xf32>, vector<1x128xf32> -> vector<1x128xf32>
      %swap3A_289 = arith.constant 0 : index
      %swap3A_290 = arith.constant 1280 : index
      %swap3A_291 = vector.load %arg9[%swap3A_289, %swap3A_290] : memref<1x2048xf32, #tpu.memory_space<vmem>>, vector<1x128xf32>
      tpu.vector_store %arg9[%swap3A_289, %swap3A_290], %dot_general3A_288 {strides = array<i32>} : memref<1x2048xf32, #tpu.memory_space<vmem>>, vector<1x128xf32>,
      %get3A_292 = arith.constant 0 : index
      %get3A_293 = arith.constant 768 : index
      %get3A_294 = vector.load %arg3[%get3A_292, %get3A_293] : memref<512x2048xf32, #tpu.memory_space<vmem>>, vector<512x256xf32>
      %dot_general3A_295 = arith.constant dense<0.000000e+00> : vector<512x128xf32>
      %dot_general3A_296 = tpu.matmul %get3A_294, %convert_element_type3A_243, %dot_general3A_295 {dimension_numbers = #tpu.dot_dimension_numbers<[1], [0], [0], [1], [0, 0, 1, 1], [], []>, transpose_lhs_hint = false} : vector<512x256xf32>, vector<256x128xf32>, vector<512x128xf32> -> vector<512x128xf32>
      %swap3A_297 = arith.constant 0 : index
      %swap3A_298 = arith.constant 1408 : index
      %swap3A_299 = vector.load %arg8[%swap3A_297, %swap3A_298] : memref<512x2048xf32, #tpu.memory_space<vmem>>, vector<512x128xf32>
      tpu.vector_store %arg8[%swap3A_297, %swap3A_298], %dot_general3A_296 {strides = array<i32>} : memref<512x2048xf32, #tpu.memory_space<vmem>>, vector<512x128xf32>,
      %get3A_300 = arith.constant 0 : index
      %get3A_301 = arith.constant 768 : index
      %get3A_302 = vector.load %arg4[%get3A_300, %get3A_301] : memref<1x2048xf32, #tpu.memory_space<vmem>>, vector<1x256xf32>
      %dot_general3A_303 = arith.constant dense<0.000000e+00> : vector<1x128xf32>
      %dot_general3A_304 = tpu.matmul %get3A_302, %convert_element_type3A_243, %dot_general3A_303 {dimension_numbers = #tpu.dot_dimension_numbers<[1], [0], [0], [1], [0, 0, 1, 1], [], []>, transpose_lhs_hint = false} : vector<1x256xf32>, vector<256x128xf32>, vector<1x128xf32> -> vector<1x128xf32>
      %swap3A_305 = arith.constant 0 : index
      %swap3A_306 = arith.constant 1408 : index
      %swap3A_307 = vector.load %arg9[%swap3A_305, %swap3A_306] : memref<1x2048xf32, #tpu.memory_space<vmem>>, vector<1x128xf32>
      tpu.vector_store %arg9[%swap3A_305, %swap3A_306], %dot_general3A_304 {strides = array<i32>} : memref<1x2048xf32, #tpu.memory_space<vmem>>, vector<1x128xf32>,
      %get3A_308 = arith.constant 0 : index
      %get3A_309 = arith.constant 1024 : index
      %get3A_310 = vector.load %arg3[%get3A_308, %get3A_309] : memref<512x2048xf32, #tpu.memory_space<vmem>>, vector<512x256xf32>
      %dot_general3A_311 = arith.constant dense<0.000000e+00> : vector<512x128xf32>
      %dot_general3A_312 = tpu.matmul %get3A_310, %convert_element_type3A_243, %dot_general3A_311 {dimension_numbers = #tpu.dot_dimension_numbers<[1], [0], [0], [1], [0, 0, 1, 1], [], []>, transpose_lhs_hint = false} : vector<512x256xf32>, vector<256x128xf32>, vector<512x128xf32> -> vector<512x128xf32>
      %swap3A_313 = arith.constant 0 : index
      %swap3A_314 = arith.constant 1536 : index
      %swap3A_315 = vector.load %arg8[%swap3A_313, %swap3A_314] : memref<512x2048xf32, #tpu.memory_space<vmem>>, vector<512x128xf32>
      tpu.vector_store %arg8[%swap3A_313, %swap3A_314], %dot_general3A_312 {strides = array<i32>} : memref<512x2048xf32, #tpu.memory_space<vmem>>, vector<512x128xf32>,
      %get3A_316 = arith.constant 0 : index
      %get3A_317 = arith.constant 1024 : index
      %get3A_318 = vector.load %arg4[%get3A_316, %get3A_317] : memref<1x2048xf32, #tpu.memory_space<vmem>>, vector<1x256xf32>
      %dot_general3A_319 = arith.constant dense<0.000000e+00> : vector<1x128xf32>
      %dot_general3A_320 = tpu.matmul %get3A_318, %convert_element_type3A_243, %dot_general3A_319 {dimension_numbers = #tpu.dot_dimension_numbers<[1], [0], [0], [1], [0, 0, 1, 1], [], []>, transpose_lhs_hint = false} : vector<1x256xf32>, vector<256x128xf32>, vector<1x128xf32> -> vector<1x128xf32>
      %swap3A_321 = arith.constant 0 : index
      %swap3A_322 = arith.constant 1536 : index
      %swap3A_323 = vector.load %arg9[%swap3A_321, %swap3A_322] : memref<1x2048xf32, #tpu.memory_space<vmem>>, vector<1x128xf32>
      tpu.vector_store %arg9[%swap3A_321, %swap3A_322], %dot_general3A_320 {strides = array<i32>} : memref<1x2048xf32, #tpu.memory_space<vmem>>, vector<1x128xf32>,
      %get3A_324 = arith.constant 0 : index
      %get3A_325 = arith.constant 1280 : index
      %get3A_326 = vector.load %arg3[%get3A_324, %get3A_325] : memref<512x2048xf32, #tpu.memory_space<vmem>>, vector<512x256xf32>
      %dot_general3A_327 = arith.constant dense<0.000000e+00> : vector<512x128xf32>
      %dot_general3A_328 = tpu.matmul %get3A_326, %convert_element_type3A_243, %dot_general3A_327 {dimension_numbers = #tpu.dot_dimension_numbers<[1], [0], [0], [1], [0, 0, 1, 1], [], []>, transpose_lhs_hint = false} : vector<512x256xf32>, vector<256x128xf32>, vector<512x128xf32> -> vector<512x128xf32>
      %swap3A_329 = arith.constant 0 : index
      %swap3A_330 = arith.constant 1664 : index
      %swap3A_331 = vector.load %arg8[%swap3A_329, %swap3A_330] : memref<512x2048xf32, #tpu.memory_space<vmem>>, vector<512x128xf32>
      tpu.vector_store %arg8[%swap3A_329, %swap3A_330], %dot_general3A_328 {strides = array<i32>} : memref<512x2048xf32, #tpu.memory_space<vmem>>, vector<512x128xf32>,
      %get3A_332 = arith.constant 0 : index
      %get3A_333 = arith.constant 1280 : index
      %get3A_334 = vector.load %arg4[%get3A_332, %get3A_333] : memref<1x2048xf32, #tpu.memory_space<vmem>>, vector<1x256xf32>
      %dot_general3A_335 = arith.constant dense<0.000000e+00> : vector<1x128xf32>
      %dot_general3A_336 = tpu.matmul %get3A_334, %convert_element_type3A_243, %dot_general3A_335 {dimension_numbers = #tpu.dot_dimension_numbers<[1], [0], [0], [1], [0, 0, 1, 1], [], []>, transpose_lhs_hint = false} : vector<1x256xf32>, vector<256x128xf32>, vector<1x128xf32> -> vector<1x128xf32>
      %swap3A_337 = arith.constant 0 : index
      %swap3A_338 = arith.constant 1664 : index
      %swap3A_339 = vector.load %arg9[%swap3A_337, %swap3A_338] : memref<1x2048xf32, #tpu.memory_space<vmem>>, vector<1x128xf32>
      tpu.vector_store %arg9[%swap3A_337, %swap3A_338], %dot_general3A_336 {strides = array<i32>} : memref<1x2048xf32, #tpu.memory_space<vmem>>, vector<1x128xf32>,
      %get3A_340 = arith.constant 0 : index
      %get3A_341 = arith.constant 1536 : index
      %get3A_342 = vector.load %arg3[%get3A_340, %get3A_341] : memref<512x2048xf32, #tpu.memory_space<vmem>>, vector<512x256xf32>
      %dot_general3A_343 = arith.constant dense<0.000000e+00> : vector<512x128xf32>
      %dot_general3A_344 = tpu.matmul %get3A_342, %convert_element_type3A_243, %dot_general3A_343 {dimension_numbers = #tpu.dot_dimension_numbers<[1], [0], [0], [1], [0, 0, 1, 1], [], []>, transpose_lhs_hint = false} : vector<512x256xf32>, vector<256x128xf32>, vector<512x128xf32> -> vector<512x128xf32>
      %swap3A_345 = arith.constant 0 : index
      %swap3A_346 = arith.constant 1792 : index
      %swap3A_347 = vector.load %arg8[%swap3A_345, %swap3A_346] : memref<512x2048xf32, #tpu.memory_space<vmem>>, vector<512x128xf32>
      tpu.vector_store %arg8[%swap3A_345, %swap3A_346], %dot_general3A_344 {strides = array<i32>} : memref<512x2048xf32, #tpu.memory_space<vmem>>, vector<512x128xf32>,
      %get3A_348 = arith.constant 0 : index
      %get3A_349 = arith.constant 1536 : index
      %get3A_350 = vector.load %arg4[%get3A_348, %get3A_349] : memref<1x2048xf32, #tpu.memory_space<vmem>>, vector<1x256xf32>
      %dot_general3A_351 = arith.constant dense<0.000000e+00> : vector<1x128xf32>
      %dot_general3A_352 = tpu.matmul %get3A_350, %convert_element_type3A_243, %dot_general3A_351 {dimension_numbers = #tpu.dot_dimension_numbers<[1], [0], [0], [1], [0, 0, 1, 1], [], []>, transpose_lhs_hint = false} : vector<1x256xf32>, vector<256x128xf32>, vector<1x128xf32> -> vector<1x128xf32>
      %swap3A_353 = arith.constant 0 : index
      %swap3A_354 = arith.constant 1792 : index
      %swap3A_355 = vector.load %arg9[%swap3A_353, %swap3A_354] : memref<1x2048xf32, #tpu.memory_space<vmem>>, vector<1x128xf32>
      tpu.vector_store %arg9[%swap3A_353, %swap3A_354], %dot_general3A_352 {strides = array<i32>} : memref<1x2048xf32, #tpu.memory_space<vmem>>, vector<1x128xf32>,
      %get3A_356 = arith.constant 0 : index
      %get3A_357 = arith.constant 1792 : index
      %get3A_358 = vector.load %arg3[%get3A_356, %get3A_357] : memref<512x2048xf32, #tpu.memory_space<vmem>>, vector<512x256xf32>
      %dot_general3A_359 = arith.constant dense<0.000000e+00> : vector<512x128xf32>
      %dot_general3A_360 = tpu.matmul %get3A_358, %convert_element_type3A_243, %dot_general3A_359 {dimension_numbers = #tpu.dot_dimension_numbers<[1], [0], [0], [1], [0, 0, 1, 1], [], []>, transpose_lhs_hint = false} : vector<512x256xf32>, vector<256x128xf32>, vector<512x128xf32> -> vector<512x128xf32>
      %swap3A_361 = arith.constant 0 : index
      %swap3A_362 = arith.constant 1920 : index
      %swap3A_363 = vector.load %arg8[%swap3A_361, %swap3A_362] : memref<512x2048xf32, #tpu.memory_space<vmem>>, vector<512x128xf32>
      tpu.vector_store %arg8[%swap3A_361, %swap3A_362], %dot_general3A_360 {strides = array<i32>} : memref<512x2048xf32, #tpu.memory_space<vmem>>, vector<512x128xf32>,
      %get3A_364 = arith.constant 0 : index
      %get3A_365 = arith.constant 1792 : index
      %get3A_366 = vector.load %arg4[%get3A_364, %get3A_365] : memref<1x2048xf32, #tpu.memory_space<vmem>>, vector<1x256xf32>
      %dot_general3A_367 = arith.constant dense<0.000000e+00> : vector<1x128xf32>
      %dot_general3A_368 = tpu.matmul %get3A_366, %convert_element_type3A_243, %dot_general3A_367 {dimension_numbers = #tpu.dot_dimension_numbers<[1], [0], [0], [1], [0, 0, 1, 1], [], []>, transpose_lhs_hint = false} : vector<1x256xf32>, vector<256x128xf32>, vector<1x128xf32> -> vector<1x128xf32>
      %swap3A_369 = arith.constant 0 : index
      %swap3A_370 = arith.constant 1920 : index
      %swap3A_371 = vector.load %arg9[%swap3A_369, %swap3A_370] : memref<1x2048xf32, #tpu.memory_space<vmem>>, vector<1x128xf32>
      tpu.vector_store %arg9[%swap3A_369, %swap3A_370], %dot_general3A_368 {strides = array<i32>} : memref<1x2048xf32, #tpu.memory_space<vmem>>, vector<1x128xf32>,
    } else {
    }
    %get3A = arith.constant 0 : index
    %get3A_2 = arith.constant 0 : index
    %get3A_3 = vector.load %arg1[%get3A, %get3A_2] : memref<512x512xf32, #tpu.memory_space<vmem>>, vector<512x512xf32>
    %get3A_4 = arith.constant 0 : index
    %get3A_5 = arith.constant 0 : index
    %get3A_6 = vector.load %arg8[%get3A_4, %get3A_5] : memref<512x2048xf32, #tpu.memory_space<vmem>>, vector<512x2048xf32>
    %dot_general3A = arith.constant dense<0.000000e+00> : vector<512x2048xf32>
    %dot_general3A_7 = tpu.matmul %get3A_3, %get3A_6, %dot_general3A {dimension_numbers = #tpu.dot_dimension_numbers<[1], [0], [0], [1], [0, 0, 1, 1], [], []>, transpose_lhs_hint = false} : vector<512x512xf32>, vector<512x2048xf32>, vector<512x2048xf32> -> vector<512x2048xf32>
    %get3A_8 = arith.constant 0 : index
    %get3A_9 = arith.constant 0 : index
    %get3A_10 = vector.load %arg9[%get3A_8, %get3A_9] : memref<1x2048xf32, #tpu.memory_space<vmem>>, vector<1x2048xf32>
    %add3A = vector.broadcast %get3A_10 : vector<1x2048xf32> to vector<512x2048xf32>
    %add3A_11 = arith.addf %dot_general3A_7, %add3A : vector<512x2048xf32>
    %max3A = arith.constant 0.000000e+00 : f32
    %max3A_12 = vector.broadcast %max3A : f32 to vector<512x2048xf32>
    %max3A_13 = arith.maximumf %add3A_11, %max3A_12 : vector<512x2048xf32>
    %get3A_14 = arith.constant 0 : index
    %get3A_15 = arith.constant 0 : index
    %get3A_16 = arith.constant 0 : index
    %get3A_17 = vector.load %arg2[%get3A_14, %get3A_15, %get3A_16] : memref<512x2x1024xf32, #tpu.memory_space<vmem>>, vector<512x1x1024xf32>
    %get3A_18 = vector.shape_cast %get3A_17 : vector<512x1x1024xf32> to vector<512x1024xf32>
    %log3A = math.log %get3A_18 : vector<512x1024xf32>
    %neg3A = arith.constant 0.000000e+00 : f32
    %neg3A_19 = vector.broadcast %neg3A : f32 to vector<512x1024xf32>
    %neg3A_20 = arith.subf %neg3A_19, %log3A : vector<512x1024xf32>
    %log3A_21 = math.log %neg3A_20 : vector<512x1024xf32>
    %neg3A_22 = arith.constant 0.000000e+00 : f32
    %neg3A_23 = vector.broadcast %neg3A_22 : f32 to vector<512x1024xf32>
    %neg3A_24 = arith.subf %neg3A_23, %log3A_21 : vector<512x1024xf32>
    %slice3A = vector.extract_strided_slice %max3A_13 {offsets = [0, 0], sizes = [512, 1024], strides = [1, 1]} : vector<512x2048xf32> to vector<512x1024xf32>
    %add3A_25 = arith.addf %neg3A_24, %slice3A : vector<512x1024xf32>
    %exp3A = math.exp %add3A_25 : vector<512x1024xf32>
    %reduce_sum3A = arith.constant dense<0.000000e+00> : vector<512xf32>
    %reduce_sum3A_26 = vector.multi_reduction <add>, %exp3A, %reduce_sum3A [1] : vector<512x1024xf32> to vector<512xf32>
    %broadcast_in_dim3A = vector.shape_cast %reduce_sum3A_26 : vector<512xf32> to vector<512x1xf32>
    %div3A = vector.broadcast %broadcast_in_dim3A : vector<512x1xf32> to vector<512x1024xf32>
    %div3A_27 = arith.divf %exp3A, %div3A : vector<512x1024xf32>
    %mul3A = arith.constant 2.000000e+00 : f32
    %mul3A_28 = vector.broadcast %mul3A : f32 to vector<512x1024xf32>
    %mul3A_29 = arith.mulf %div3A_27, %mul3A_28 : vector<512x1024xf32>
    %swap3A = arith.constant 0 : index
    %swap3A_30 = arith.constant 0 : index
    %swap3A_31 = arith.constant 0 : index
    %swap3A_32 = vector.load %arg6[%swap3A, %swap3A_30, %swap3A_31] : memref<512x2x1024xf32, #tpu.memory_space<vmem>>, vector<512x1x1024xf32>
    %swap3A_33 = vector.shape_cast %swap3A_32 : vector<512x1x1024xf32> to vector<512x1024xf32>
    %swap3A_34 = vector.shape_cast %mul3A_29 : vector<512x1024xf32> to vector<512x1x1024xf32>
    tpu.vector_store %arg6[%swap3A, %swap3A_30, %swap3A_31], %swap3A_34 {strides = array<i32>} : memref<512x2x1024xf32, #tpu.memory_space<vmem>>, vector<512x1x1024xf32>,
    %reduce_max3A = arith.constant dense<0xFF800000> : vector<512xf32>
    %reduce_max3A_35 = vector.multi_reduction <maximumf>, %add3A_25, %reduce_max3A [1] : vector<512x1024xf32> to vector<512xf32>
    %broadcast_in_dim3A_36 = vector.shape_cast %reduce_max3A_35 : vector<512xf32> to vector<512x1xf32>
    %iota3A = tpu.iota {dimensions = array<i32: 1>} : vector<512x1024xi32>
    %ge3A = vector.broadcast %broadcast_in_dim3A_36 : vector<512x1xf32> to vector<512x1024xf32>
    %ge3A_37 = arith.cmpf oge, %add3A_25, %ge3A : vector<512x1024xf32>
    %jit3A = arith.constant 1024 : i32
    %broadcast_in_dim3A_38 = vector.broadcast %jit3A : i32 to vector<512x1024xi32>
    %select_n3A = arith.select %ge3A_37, %iota3A, %broadcast_in_dim3A_38 : vector<512x1024xi1>, vector<512x1024xi32>
    %reduce_min3A = arith.constant dense<2147483647> : vector<512xi32>
    %reduce_min3A_39 = vector.multi_reduction <minsi>, %select_n3A, %reduce_min3A [1] : vector<512x1024xi32> to vector<512xi32>
    %broadcast_in_dim3A_40 = vector.shape_cast %reduce_min3A_39 : vector<512xi32> to vector<512x1xi32>
    %add3A_41 = arith.constant 0 : i32
    %add3A_42 = vector.broadcast %add3A_41 : i32 to vector<512x1xi32>
    %add3A_43 = arith.addi %broadcast_in_dim3A_40, %add3A_42 : vector<512x1xi32>
    %reshape3A = vector.shape_cast %add3A_43 : vector<512x1xi32> to vector<4x128xi32>
    %get3A_44 = arith.constant 0 : index
    %get3A_45 = arith.constant 1 : index
    %get3A_46 = arith.constant 0 : index
    %get3A_47 = vector.load %arg2[%get3A_44, %get3A_45, %get3A_46] : memref<512x2x1024xf32, #tpu.memory_space<vmem>>, vector<512x1x1024xf32>
    %get3A_48 = vector.shape_cast %get3A_47 : vector<512x1x1024xf32> to vector<512x1024xf32>
    %log3A_49 = math.log %get3A_48 : vector<512x1024xf32>
    %neg3A_50 = arith.constant 0.000000e+00 : f32
    %neg3A_51 = vector.broadcast %neg3A_50 : f32 to vector<512x1024xf32>
    %neg3A_52 = arith.subf %neg3A_51, %log3A_49 : vector<512x1024xf32>
    %log3A_53 = math.log %neg3A_52 : vector<512x1024xf32>
    %neg3A_54 = arith.constant 0.000000e+00 : f32
    %neg3A_55 = vector.broadcast %neg3A_54 : f32 to vector<512x1024xf32>
    %neg3A_56 = arith.subf %neg3A_55, %log3A_53 : vector<512x1024xf32>
    %slice3A_57 = vector.extract_strided_slice %max3A_13 {offsets = [0, 1024], sizes = [512, 1024], strides = [1, 1]} : vector<512x2048xf32> to vector<512x1024xf32>
    %add3A_58 = arith.addf %neg3A_56, %slice3A_57 : vector<512x1024xf32>
    %exp3A_59 = math.exp %add3A_58 : vector<512x1024xf32>
    %reduce_sum3A_60 = arith.constant dense<0.000000e+00> : vector<512xf32>
    %reduce_sum3A_61 = vector.multi_reduction <add>, %exp3A_59, %reduce_sum3A_60 [1] : vector<512x1024xf32> to vector<512xf32>
    %broadcast_in_dim3A_62 = vector.shape_cast %reduce_sum3A_61 : vector<512xf32> to vector<512x1xf32>
    %div3A_63 = vector.broadcast %broadcast_in_dim3A_62 : vector<512x1xf32> to vector<512x1024xf32>
    %div3A_64 = arith.divf %exp3A_59, %div3A_63 : vector<512x1024xf32>
    %mul3A_65 = arith.constant 2.000000e+00 : f32
    %mul3A_66 = vector.broadcast %mul3A_65 : f32 to vector<512x1024xf32>
    %mul3A_67 = arith.mulf %div3A_64, %mul3A_66 : vector<512x1024xf32>
    %swap3A_68 = arith.constant 0 : index
    %swap3A_69 = arith.constant 1 : index
    %swap3A_70 = arith.constant 0 : index
    %swap3A_71 = vector.load %arg6[%swap3A_68, %swap3A_69, %swap3A_70] : memref<512x2x1024xf32, #tpu.memory_space<vmem>>, vector<512x1x1024xf32>
    %swap3A_72 = vector.shape_cast %swap3A_71 : vector<512x1x1024xf32> to vector<512x1024xf32>
    %swap3A_73 = vector.shape_cast %mul3A_67 : vector<512x1024xf32> to vector<512x1x1024xf32>
    tpu.vector_store %arg6[%swap3A_68, %swap3A_69, %swap3A_70], %swap3A_73 {strides = array<i32>} : memref<512x2x1024xf32, #tpu.memory_space<vmem>>, vector<512x1x1024xf32>,
    %reduce_max3A_74 = arith.constant dense<0xFF800000> : vector<512xf32>
    %reduce_max3A_75 = vector.multi_reduction <maximumf>, %add3A_58, %reduce_max3A_74 [1] : vector<512x1024xf32> to vector<512xf32>
    %broadcast_in_dim3A_76 = vector.shape_cast %reduce_max3A_75 : vector<512xf32> to vector<512x1xf32>
    %iota3A_77 = tpu.iota {dimensions = array<i32: 1>} : vector<512x1024xi32>
    %ge3A_78 = vector.broadcast %broadcast_in_dim3A_76 : vector<512x1xf32> to vector<512x1024xf32>
    %ge3A_79 = arith.cmpf oge, %add3A_58, %ge3A_78 : vector<512x1024xf32>
    %jit3A_80 = arith.constant 1024 : i32
    %broadcast_in_dim3A_81 = vector.broadcast %jit3A_80 : i32 to vector<512x1024xi32>
    %select_n3A_82 = arith.select %ge3A_79, %iota3A_77, %broadcast_in_dim3A_81 : vector<512x1024xi1>, vector<512x1024xi32>
    %reduce_min3A_83 = arith.constant dense<2147483647> : vector<512xi32>
    %reduce_min3A_84 = vector.multi_reduction <minsi>, %select_n3A_82, %reduce_min3A_83 [1] : vector<512x1024xi32> to vector<512xi32>
    %broadcast_in_dim3A_85 = vector.shape_cast %reduce_min3A_84 : vector<512xi32> to vector<512x1xi32>
    %add3A_86 = arith.constant 1024 : i32
    %add3A_87 = vector.broadcast %add3A_86 : i32 to vector<512x1xi32>
    %add3A_88 = arith.addi %broadcast_in_dim3A_85, %add3A_87 : vector<512x1xi32>
    %reshape3A_89 = vector.shape_cast %add3A_88 : vector<512x1xi32> to vector<4x128xi32>
    %concatenate3A = tpu.concatenate %reshape3A, %reshape3A_89 in 0 : vector<4x128xi32>, vector<4x128xi32> -> vector<8x128xi32>
    %swap3A_90 = arith.constant 0 : index
    %swap3A_91 = arith.constant 0 : index
    %swap3A_92 = arith.constant 0 : index
    %swap3A_93 = vector.load %arg7[%swap3A_90, %swap3A_91, %swap3A_92] : memref<1x8x128xi32, #tpu.memory_space<vmem>>, vector<1x8x128xi32>
    %swap3A_94 = vector.shape_cast %swap3A_93 : vector<1x8x128xi32> to vector<8x128xi32>
    %swap3A_95 = vector.shape_cast %concatenate3A : vector<8x128xi32> to vector<1x8x128xi32>
    tpu.vector_store %arg7[%swap3A_90, %swap3A_91, %swap3A_92], %swap3A_95 {strides = array<i32>} : memref<1x8x128xi32, #tpu.memory_space<vmem>>, vector<1x8x128xi32>,
    return
  }
  func.func @transform_0(%arg0: i32) -> (i32, i32) {
    %add3A = arith.constant 12 : i32
    %add3A_0 = arith.addi %arg0, %add3A : i32
    %c0_i32 = arith.constant 0 : i32
    %c0_i32_1 = arith.constant 0 : i32
    return %add3A_0, %c0_i32 : i32, i32
  }
  func.func @transform_1(%arg0: i32) -> (i32, i32, i32) {
    %add3A = arith.constant 12 : i32
    %add3A_0 = arith.addi %arg0, %add3A : i32
    %c0_i32 = arith.constant 0 : i32
    %c0_i32_1 = arith.constant 0 : i32
    %c0_i32_2 = arith.constant 0 : i32
    return %add3A_0, %c0_i32, %c0_i32_1 : i32, i32, i32
  }
  func.func @transform_2(%arg0: i32) -> (i32, i32) {
    %c0_i32 = arith.constant 0 : i32
    %c0_i32_0 = arith.constant 0 : i32
    %c0_i32_1 = arith.constant 0 : i32
    return %c0_i32, %c0_i32_0 : i32, i32
  }
  func.func @transform_3(%arg0: i32) -> (i32, i32) {
    %c0_i32 = arith.constant 0 : i32
    %c0_i32_0 = arith.constant 0 : i32
    %c0_i32_1 = arith.constant 0 : i32
    return %c0_i32, %c0_i32_0 : i32, i32
  }
  func.func @transform_5(%arg0: i32) -> (i32, i32, i32) {
    %add3A = arith.constant 12 : i32
    %add3A_0 = arith.addi %arg0, %add3A : i32
    %c0_i32 = arith.constant 0 : i32
    %c0_i32_1 = arith.constant 0 : i32
    %c0_i32_2 = arith.constant 0 : i32
    return %add3A_0, %c0_i32, %c0_i32_1 : i32, i32, i32
  }
  func.func @transform_6(%arg0: i32) -> (i32, i32, i32) {
    %c0_i32 = arith.constant 0 : i32
    %c0_i32_0 = arith.constant 0 : i32
    %c0_i32_1 = arith.constant 0 : i32
    return %arg0, %c0_i32, %c0_i32_0 : i32, i32, i32
  }
}

module attributes {stable_mosaic.version = 14 : i64} {
  func.func @_stage1_body(%arg0: i32, %arg1: memref<512x512xf32, #tpu.memory_space<vmem>>, %arg2: memref<512x2x1024xf32, #tpu.memory_space<vmem>>, %arg3: memref<512x2048xf32, #tpu.memory_space<vmem>>, %arg4: memref<1x2048xf32, #tpu.memory_space<vmem>>, %arg5: memref<512x2x1024xf32, #tpu.memory_space<vmem>>, %arg6: memref<1x8x128xi32, #tpu.memory_space<vmem>>, %arg7: memref<512x2048xf32, #tpu.memory_space<vmem>>, %arg8: memref<1x2048xf32, #tpu.memory_space<vmem>>) attributes {dimension_semantics = [#tpu.dimension_semantics<arbitrary>], iteration_bounds = array<i64: 12>, scalar_prefetch = 0 : i64, scratch_operands = 2 : i64, tpu.core_type = #tpu.core_type<tc>, window_params = [{transform_indices = @transform_0, window_bounds = array<i64: 512, 512>}, {transform_indices = @transform_1, window_bounds = array<i64: 512, 2, 1024>}, {pipeline_mode = #tpu.pipeline_mode<synchronous>, transform_indices = @transform_2, window_bounds = array<i64: 512, 2048>}, {pipeline_mode = #tpu.pipeline_mode<synchronous>, transform_indices = @transform_3, window_bounds = array<i64: 1, 2048>}, {transform_indices = @transform_4, window_bounds = array<i64: 512, 2, 1024>}, {transform_indices = @transform_5, window_bounds = array<i64: 1, 8, 128>}]} {
    %eq3A = arith.constant 0 : i32
    %eq3A_0 = arith.cmpi eq, %arg0, %eq3A : i32
    %convert_element_type3A = arith.extui %eq3A_0 : i1 to i32
    %cond3A = arith.constant 0 : i32
    %cond3A_1 = arith.cmpi ne, %convert_element_type3A, %cond3A : i32
    scf.if %cond3A_1 {
      %iota3A_96 = tpu.iota {dimensions = array<i32: 0>} : vector<256x128xi32>
      %iota3A_97 = tpu.iota {dimensions = array<i32: 1>} : vector<256x128xi32>
      %mul3A_98 = arith.constant 2 : i32
      %mul3A_99 = vector.broadcast %mul3A_98 : i32 to vector<256x128xi32>
      %mul3A_100 = arith.muli %mul3A_99, %iota3A_97 : vector<256x128xi32>
      %add3A_101 = arith.constant 0 : i32
      %add3A_102 = vector.broadcast %add3A_101 : i32 to vector<256x128xi32>
      %add3A_103 = arith.addi %mul3A_100, %add3A_102 : vector<256x128xi32>
      %eq3A_104 = arith.cmpi eq, %iota3A_96, %add3A_103 : vector<256x128xi32>
      %convert_element_type3A_105 = arith.extui %eq3A_104 : vector<256x128xi1> to vector<256x128xi32>
      %convert_element_type3A_106 = arith.sitofp %convert_element_type3A_105 : vector<256x128xi32> to vector<256x128xf32>
      %get3A_107 = arith.constant 0 : index
      %get3A_108 = arith.constant 0 : index
      %get3A_109 = vector.load %arg3[%get3A_107, %get3A_108] : memref<512x2048xf32, #tpu.memory_space<vmem>>, vector<512x256xf32>
      %dot_general3A_110 = arith.constant dense<0.000000e+00> : vector<512x128xf32>
      %dot_general3A_111 = tpu.matmul %get3A_109, %convert_element_type3A_106, %dot_general3A_110 {dimension_numbers = #tpu.dot_dimension_numbers<[1], [0], [0], [1], [0, 0, 1, 1], [], []>, transpose_lhs_hint = false} : vector<512x256xf32>, vector<256x128xf32>, vector<512x128xf32> -> vector<512x128xf32>
      %swap3A_112 = arith.constant 0 : index
      %swap3A_113 = arith.constant 0 : index
      %swap3A_114 = vector.load %arg7[%swap3A_112, %swap3A_113] : memref<512x2048xf32, #tpu.memory_space<vmem>>, vector<512x128xf32>
      tpu.vector_store %arg7[%swap3A_112, %swap3A_113], %dot_general3A_111 {strides = array<i32>} : memref<512x2048xf32, #tpu.memory_space<vmem>>, vector<512x128xf32>,
      %get3A_115 = arith.constant 0 : index
      %get3A_116 = arith.constant 0 : index
      %get3A_117 = vector.load %arg4[%get3A_115, %get3A_116] : memref<1x2048xf32, #tpu.memory_space<vmem>>, vector<1x256xf32>
      %dot_general3A_118 = arith.constant dense<0.000000e+00> : vector<1x128xf32>
      %dot_general3A_119 = tpu.matmul %get3A_117, %convert_element_type3A_106, %dot_general3A_118 {dimension_numbers = #tpu.dot_dimension_numbers<[1], [0], [0], [1], [0, 0, 1, 1], [], []>, transpose_lhs_hint = false} : vector<1x256xf32>, vector<256x128xf32>, vector<1x128xf32> -> vector<1x128xf32>
      %swap3A_120 = arith.constant 0 : index
      %swap3A_121 = arith.constant 0 : index
      %swap3A_122 = vector.load %arg8[%swap3A_120, %swap3A_121] : memref<1x2048xf32, #tpu.memory_space<vmem>>, vector<1x128xf32>
      tpu.vector_store %arg8[%swap3A_120, %swap3A_121], %dot_general3A_119 {strides = array<i32>} : memref<1x2048xf32, #tpu.memory_space<vmem>>, vector<1x128xf32>,
      %get3A_123 = arith.constant 0 : index
      %get3A_124 = arith.constant 256 : index
      %get3A_125 = vector.load %arg3[%get3A_123, %get3A_124] : memref<512x2048xf32, #tpu.memory_space<vmem>>, vector<512x256xf32>
      %dot_general3A_126 = arith.constant dense<0.000000e+00> : vector<512x128xf32>
      %dot_general3A_127 = tpu.matmul %get3A_125, %convert_element_type3A_106, %dot_general3A_126 {dimension_numbers = #tpu.dot_dimension_numbers<[1], [0], [0], [1], [0, 0, 1, 1], [], []>, transpose_lhs_hint = false} : vector<512x256xf32>, vector<256x128xf32>, vector<512x128xf32> -> vector<512x128xf32>
      %swap3A_128 = arith.constant 0 : index
      %swap3A_129 = arith.constant 128 : index
      %swap3A_130 = vector.load %arg7[%swap3A_128, %swap3A_129] : memref<512x2048xf32, #tpu.memory_space<vmem>>, vector<512x128xf32>
      tpu.vector_store %arg7[%swap3A_128, %swap3A_129], %dot_general3A_127 {strides = array<i32>} : memref<512x2048xf32, #tpu.memory_space<vmem>>, vector<512x128xf32>,
      %get3A_131 = arith.constant 0 : index
      %get3A_132 = arith.constant 256 : index
      %get3A_133 = vector.load %arg4[%get3A_131, %get3A_132] : memref<1x2048xf32, #tpu.memory_space<vmem>>, vector<1x256xf32>
      %dot_general3A_134 = arith.constant dense<0.000000e+00> : vector<1x128xf32>
      %dot_general3A_135 = tpu.matmul %get3A_133, %convert_element_type3A_106, %dot_general3A_134 {dimension_numbers = #tpu.dot_dimension_numbers<[1], [0], [0], [1], [0, 0, 1, 1], [], []>, transpose_lhs_hint = false} : vector<1x256xf32>, vector<256x128xf32>, vector<1x128xf32> -> vector<1x128xf32>
      %swap3A_136 = arith.constant 0 : index
      %swap3A_137 = arith.constant 128 : index
      %swap3A_138 = vector.load %arg8[%swap3A_136, %swap3A_137] : memref<1x2048xf32, #tpu.memory_space<vmem>>, vector<1x128xf32>
      tpu.vector_store %arg8[%swap3A_136, %swap3A_137], %dot_general3A_135 {strides = array<i32>} : memref<1x2048xf32, #tpu.memory_space<vmem>>, vector<1x128xf32>,
      %get3A_139 = arith.constant 0 : index
      %get3A_140 = arith.constant 512 : index
      %get3A_141 = vector.load %arg3[%get3A_139, %get3A_140] : memref<512x2048xf32, #tpu.memory_space<vmem>>, vector<512x256xf32>
      %dot_general3A_142 = arith.constant dense<0.000000e+00> : vector<512x128xf32>
      %dot_general3A_143 = tpu.matmul %get3A_141, %convert_element_type3A_106, %dot_general3A_142 {dimension_numbers = #tpu.dot_dimension_numbers<[1], [0], [0], [1], [0, 0, 1, 1], [], []>, transpose_lhs_hint = false} : vector<512x256xf32>, vector<256x128xf32>, vector<512x128xf32> -> vector<512x128xf32>
      %swap3A_144 = arith.constant 0 : index
      %swap3A_145 = arith.constant 256 : index
      %swap3A_146 = vector.load %arg7[%swap3A_144, %swap3A_145] : memref<512x2048xf32, #tpu.memory_space<vmem>>, vector<512x128xf32>
      tpu.vector_store %arg7[%swap3A_144, %swap3A_145], %dot_general3A_143 {strides = array<i32>} : memref<512x2048xf32, #tpu.memory_space<vmem>>, vector<512x128xf32>,
      %get3A_147 = arith.constant 0 : index
      %get3A_148 = arith.constant 512 : index
      %get3A_149 = vector.load %arg4[%get3A_147, %get3A_148] : memref<1x2048xf32, #tpu.memory_space<vmem>>, vector<1x256xf32>
      %dot_general3A_150 = arith.constant dense<0.000000e+00> : vector<1x128xf32>
      %dot_general3A_151 = tpu.matmul %get3A_149, %convert_element_type3A_106, %dot_general3A_150 {dimension_numbers = #tpu.dot_dimension_numbers<[1], [0], [0], [1], [0, 0, 1, 1], [], []>, transpose_lhs_hint = false} : vector<1x256xf32>, vector<256x128xf32>, vector<1x128xf32> -> vector<1x128xf32>
      %swap3A_152 = arith.constant 0 : index
      %swap3A_153 = arith.constant 256 : index
      %swap3A_154 = vector.load %arg8[%swap3A_152, %swap3A_153] : memref<1x2048xf32, #tpu.memory_space<vmem>>, vector<1x128xf32>
      tpu.vector_store %arg8[%swap3A_152, %swap3A_153], %dot_general3A_151 {strides = array<i32>} : memref<1x2048xf32, #tpu.memory_space<vmem>>, vector<1x128xf32>,
      %get3A_155 = arith.constant 0 : index
      %get3A_156 = arith.constant 768 : index
      %get3A_157 = vector.load %arg3[%get3A_155, %get3A_156] : memref<512x2048xf32, #tpu.memory_space<vmem>>, vector<512x256xf32>
      %dot_general3A_158 = arith.constant dense<0.000000e+00> : vector<512x128xf32>
      %dot_general3A_159 = tpu.matmul %get3A_157, %convert_element_type3A_106, %dot_general3A_158 {dimension_numbers = #tpu.dot_dimension_numbers<[1], [0], [0], [1], [0, 0, 1, 1], [], []>, transpose_lhs_hint = false} : vector<512x256xf32>, vector<256x128xf32>, vector<512x128xf32> -> vector<512x128xf32>
      %swap3A_160 = arith.constant 0 : index
      %swap3A_161 = arith.constant 384 : index
      %swap3A_162 = vector.load %arg7[%swap3A_160, %swap3A_161] : memref<512x2048xf32, #tpu.memory_space<vmem>>, vector<512x128xf32>
      tpu.vector_store %arg7[%swap3A_160, %swap3A_161], %dot_general3A_159 {strides = array<i32>} : memref<512x2048xf32, #tpu.memory_space<vmem>>, vector<512x128xf32>,
      %get3A_163 = arith.constant 0 : index
      %get3A_164 = arith.constant 768 : index
      %get3A_165 = vector.load %arg4[%get3A_163, %get3A_164] : memref<1x2048xf32, #tpu.memory_space<vmem>>, vector<1x256xf32>
      %dot_general3A_166 = arith.constant dense<0.000000e+00> : vector<1x128xf32>
      %dot_general3A_167 = tpu.matmul %get3A_165, %convert_element_type3A_106, %dot_general3A_166 {dimension_numbers = #tpu.dot_dimension_numbers<[1], [0], [0], [1], [0, 0, 1, 1], [], []>, transpose_lhs_hint = false} : vector<1x256xf32>, vector<256x128xf32>, vector<1x128xf32> -> vector<1x128xf32>
      %swap3A_168 = arith.constant 0 : index
      %swap3A_169 = arith.constant 384 : index
      %swap3A_170 = vector.load %arg8[%swap3A_168, %swap3A_169] : memref<1x2048xf32, #tpu.memory_space<vmem>>, vector<1x128xf32>
      tpu.vector_store %arg8[%swap3A_168, %swap3A_169], %dot_general3A_167 {strides = array<i32>} : memref<1x2048xf32, #tpu.memory_space<vmem>>, vector<1x128xf32>,
      %get3A_171 = arith.constant 0 : index
      %get3A_172 = arith.constant 1024 : index
      %get3A_173 = vector.load %arg3[%get3A_171, %get3A_172] : memref<512x2048xf32, #tpu.memory_space<vmem>>, vector<512x256xf32>
      %dot_general3A_174 = arith.constant dense<0.000000e+00> : vector<512x128xf32>
      %dot_general3A_175 = tpu.matmul %get3A_173, %convert_element_type3A_106, %dot_general3A_174 {dimension_numbers = #tpu.dot_dimension_numbers<[1], [0], [0], [1], [0, 0, 1, 1], [], []>, transpose_lhs_hint = false} : vector<512x256xf32>, vector<256x128xf32>, vector<512x128xf32> -> vector<512x128xf32>
      %swap3A_176 = arith.constant 0 : index
      %swap3A_177 = arith.constant 512 : index
      %swap3A_178 = vector.load %arg7[%swap3A_176, %swap3A_177] : memref<512x2048xf32, #tpu.memory_space<vmem>>, vector<512x128xf32>
      tpu.vector_store %arg7[%swap3A_176, %swap3A_177], %dot_general3A_175 {strides = array<i32>} : memref<512x2048xf32, #tpu.memory_space<vmem>>, vector<512x128xf32>,
      %get3A_179 = arith.constant 0 : index
      %get3A_180 = arith.constant 1024 : index
      %get3A_181 = vector.load %arg4[%get3A_179, %get3A_180] : memref<1x2048xf32, #tpu.memory_space<vmem>>, vector<1x256xf32>
      %dot_general3A_182 = arith.constant dense<0.000000e+00> : vector<1x128xf32>
      %dot_general3A_183 = tpu.matmul %get3A_181, %convert_element_type3A_106, %dot_general3A_182 {dimension_numbers = #tpu.dot_dimension_numbers<[1], [0], [0], [1], [0, 0, 1, 1], [], []>, transpose_lhs_hint = false} : vector<1x256xf32>, vector<256x128xf32>, vector<1x128xf32> -> vector<1x128xf32>
      %swap3A_184 = arith.constant 0 : index
      %swap3A_185 = arith.constant 512 : index
      %swap3A_186 = vector.load %arg8[%swap3A_184, %swap3A_185] : memref<1x2048xf32, #tpu.memory_space<vmem>>, vector<1x128xf32>
      tpu.vector_store %arg8[%swap3A_184, %swap3A_185], %dot_general3A_183 {strides = array<i32>} : memref<1x2048xf32, #tpu.memory_space<vmem>>, vector<1x128xf32>,
      %get3A_187 = arith.constant 0 : index
      %get3A_188 = arith.constant 1280 : index
      %get3A_189 = vector.load %arg3[%get3A_187, %get3A_188] : memref<512x2048xf32, #tpu.memory_space<vmem>>, vector<512x256xf32>
      %dot_general3A_190 = arith.constant dense<0.000000e+00> : vector<512x128xf32>
      %dot_general3A_191 = tpu.matmul %get3A_189, %convert_element_type3A_106, %dot_general3A_190 {dimension_numbers = #tpu.dot_dimension_numbers<[1], [0], [0], [1], [0, 0, 1, 1], [], []>, transpose_lhs_hint = false} : vector<512x256xf32>, vector<256x128xf32>, vector<512x128xf32> -> vector<512x128xf32>
      %swap3A_192 = arith.constant 0 : index
      %swap3A_193 = arith.constant 640 : index
      %swap3A_194 = vector.load %arg7[%swap3A_192, %swap3A_193] : memref<512x2048xf32, #tpu.memory_space<vmem>>, vector<512x128xf32>
      tpu.vector_store %arg7[%swap3A_192, %swap3A_193], %dot_general3A_191 {strides = array<i32>} : memref<512x2048xf32, #tpu.memory_space<vmem>>, vector<512x128xf32>,
      %get3A_195 = arith.constant 0 : index
      %get3A_196 = arith.constant 1280 : index
      %get3A_197 = vector.load %arg4[%get3A_195, %get3A_196] : memref<1x2048xf32, #tpu.memory_space<vmem>>, vector<1x256xf32>
      %dot_general3A_198 = arith.constant dense<0.000000e+00> : vector<1x128xf32>
      %dot_general3A_199 = tpu.matmul %get3A_197, %convert_element_type3A_106, %dot_general3A_198 {dimension_numbers = #tpu.dot_dimension_numbers<[1], [0], [0], [1], [0, 0, 1, 1], [], []>, transpose_lhs_hint = false} : vector<1x256xf32>, vector<256x128xf32>, vector<1x128xf32> -> vector<1x128xf32>
      %swap3A_200 = arith.constant 0 : index
      %swap3A_201 = arith.constant 640 : index
      %swap3A_202 = vector.load %arg8[%swap3A_200, %swap3A_201] : memref<1x2048xf32, #tpu.memory_space<vmem>>, vector<1x128xf32>
      tpu.vector_store %arg8[%swap3A_200, %swap3A_201], %dot_general3A_199 {strides = array<i32>} : memref<1x2048xf32, #tpu.memory_space<vmem>>, vector<1x128xf32>,
      %get3A_203 = arith.constant 0 : index
      %get3A_204 = arith.constant 1536 : index
      %get3A_205 = vector.load %arg3[%get3A_203, %get3A_204] : memref<512x2048xf32, #tpu.memory_space<vmem>>, vector<512x256xf32>
      %dot_general3A_206 = arith.constant dense<0.000000e+00> : vector<512x128xf32>
      %dot_general3A_207 = tpu.matmul %get3A_205, %convert_element_type3A_106, %dot_general3A_206 {dimension_numbers = #tpu.dot_dimension_numbers<[1], [0], [0], [1], [0, 0, 1, 1], [], []>, transpose_lhs_hint = false} : vector<512x256xf32>, vector<256x128xf32>, vector<512x128xf32> -> vector<512x128xf32>
      %swap3A_208 = arith.constant 0 : index
      %swap3A_209 = arith.constant 768 : index
      %swap3A_210 = vector.load %arg7[%swap3A_208, %swap3A_209] : memref<512x2048xf32, #tpu.memory_space<vmem>>, vector<512x128xf32>
      tpu.vector_store %arg7[%swap3A_208, %swap3A_209], %dot_general3A_207 {strides = array<i32>} : memref<512x2048xf32, #tpu.memory_space<vmem>>, vector<512x128xf32>,
      %get3A_211 = arith.constant 0 : index
      %get3A_212 = arith.constant 1536 : index
      %get3A_213 = vector.load %arg4[%get3A_211, %get3A_212] : memref<1x2048xf32, #tpu.memory_space<vmem>>, vector<1x256xf32>
      %dot_general3A_214 = arith.constant dense<0.000000e+00> : vector<1x128xf32>
      %dot_general3A_215 = tpu.matmul %get3A_213, %convert_element_type3A_106, %dot_general3A_214 {dimension_numbers = #tpu.dot_dimension_numbers<[1], [0], [0], [1], [0, 0, 1, 1], [], []>, transpose_lhs_hint = false} : vector<1x256xf32>, vector<256x128xf32>, vector<1x128xf32> -> vector<1x128xf32>
      %swap3A_216 = arith.constant 0 : index
      %swap3A_217 = arith.constant 768 : index
      %swap3A_218 = vector.load %arg8[%swap3A_216, %swap3A_217] : memref<1x2048xf32, #tpu.memory_space<vmem>>, vector<1x128xf32>
      tpu.vector_store %arg8[%swap3A_216, %swap3A_217], %dot_general3A_215 {strides = array<i32>} : memref<1x2048xf32, #tpu.memory_space<vmem>>, vector<1x128xf32>,
      %get3A_219 = arith.constant 0 : index
      %get3A_220 = arith.constant 1792 : index
      %get3A_221 = vector.load %arg3[%get3A_219, %get3A_220] : memref<512x2048xf32, #tpu.memory_space<vmem>>, vector<512x256xf32>
      %dot_general3A_222 = arith.constant dense<0.000000e+00> : vector<512x128xf32>
      %dot_general3A_223 = tpu.matmul %get3A_221, %convert_element_type3A_106, %dot_general3A_222 {dimension_numbers = #tpu.dot_dimension_numbers<[1], [0], [0], [1], [0, 0, 1, 1], [], []>, transpose_lhs_hint = false} : vector<512x256xf32>, vector<256x128xf32>, vector<512x128xf32> -> vector<512x128xf32>
      %swap3A_224 = arith.constant 0 : index
      %swap3A_225 = arith.constant 896 : index
      %swap3A_226 = vector.load %arg7[%swap3A_224, %swap3A_225] : memref<512x2048xf32, #tpu.memory_space<vmem>>, vector<512x128xf32>
      tpu.vector_store %arg7[%swap3A_224, %swap3A_225], %dot_general3A_223 {strides = array<i32>} : memref<512x2048xf32, #tpu.memory_space<vmem>>, vector<512x128xf32>,
      %get3A_227 = arith.constant 0 : index
      %get3A_228 = arith.constant 1792 : index
      %get3A_229 = vector.load %arg4[%get3A_227, %get3A_228] : memref<1x2048xf32, #tpu.memory_space<vmem>>, vector<1x256xf32>
      %dot_general3A_230 = arith.constant dense<0.000000e+00> : vector<1x128xf32>
      %dot_general3A_231 = tpu.matmul %get3A_229, %convert_element_type3A_106, %dot_general3A_230 {dimension_numbers = #tpu.dot_dimension_numbers<[1], [0], [0], [1], [0, 0, 1, 1], [], []>, transpose_lhs_hint = false} : vector<1x256xf32>, vector<256x128xf32>, vector<1x128xf32> -> vector<1x128xf32>
      %swap3A_232 = arith.constant 0 : index
      %swap3A_233 = arith.constant 896 : index
      %swap3A_234 = vector.load %arg8[%swap3A_232, %swap3A_233] : memref<1x2048xf32, #tpu.memory_space<vmem>>, vector<1x128xf32>
      tpu.vector_store %arg8[%swap3A_232, %swap3A_233], %dot_general3A_231 {strides = array<i32>} : memref<1x2048xf32, #tpu.memory_space<vmem>>, vector<1x128xf32>,
      %mul3A_235 = arith.constant 2 : i32
      %mul3A_236 = vector.broadcast %mul3A_235 : i32 to vector<256x128xi32>
      %mul3A_237 = arith.muli %mul3A_236, %iota3A_97 : vector<256x128xi32>
      %add3A_238 = arith.constant 1 : i32
      %add3A_239 = vector.broadcast %add3A_238 : i32 to vector<256x128xi32>
      %add3A_240 = arith.addi %mul3A_237, %add3A_239 : vector<256x128xi32>
      %eq3A_241 = arith.cmpi eq, %iota3A_96, %add3A_240 : vector<256x128xi32>
      %convert_element_type3A_242 = arith.extui %eq3A_241 : vector<256x128xi1> to vector<256x128xi32>
      %convert_element_type3A_243 = arith.sitofp %convert_element_type3A_242 : vector<256x128xi32> to vector<256x128xf32>
      %get3A_244 = arith.constant 0 : index
      %get3A_245 = arith.constant 0 : index
      %get3A_246 = vector.load %arg3[%get3A_244, %get3A_245] : memref<512x2048xf32, #tpu.memory_space<vmem>>, vector<512x256xf32>
      %dot_general3A_247 = arith.constant dense<0.000000e+00> : vector<512x128xf32>
      %dot_general3A_248 = tpu.matmul %get3A_246, %convert_element_type3A_243, %dot_general3A_247 {dimension_numbers = #tpu.dot_dimension_numbers<[1], [0], [0], [1], [0, 0, 1, 1], [], []>, transpose_lhs_hint = false} : vector<512x256xf32>, vector<256x128xf32>, vector<512x128xf32> -> vector<512x128xf32>
      %swap3A_249 = arith.constant 0 : index
      %swap3A_250 = arith.constant 1024 : index
      %swap3A_251 = vector.load %arg7[%swap3A_249, %swap3A_250] : memref<512x2048xf32, #tpu.memory_space<vmem>>, vector<512x128xf32>
      tpu.vector_store %arg7[%swap3A_249, %swap3A_250], %dot_general3A_248 {strides = array<i32>} : memref<512x2048xf32, #tpu.memory_space<vmem>>, vector<512x128xf32>,
      %get3A_252 = arith.constant 0 : index
      %get3A_253 = arith.constant 0 : index
      %get3A_254 = vector.load %arg4[%get3A_252, %get3A_253] : memref<1x2048xf32, #tpu.memory_space<vmem>>, vector<1x256xf32>
      %dot_general3A_255 = arith.constant dense<0.000000e+00> : vector<1x128xf32>
      %dot_general3A_256 = tpu.matmul %get3A_254, %convert_element_type3A_243, %dot_general3A_255 {dimension_numbers = #tpu.dot_dimension_numbers<[1], [0], [0], [1], [0, 0, 1, 1], [], []>, transpose_lhs_hint = false} : vector<1x256xf32>, vector<256x128xf32>, vector<1x128xf32> -> vector<1x128xf32>
      %swap3A_257 = arith.constant 0 : index
      %swap3A_258 = arith.constant 1024 : index
      %swap3A_259 = vector.load %arg8[%swap3A_257, %swap3A_258] : memref<1x2048xf32, #tpu.memory_space<vmem>>, vector<1x128xf32>
      tpu.vector_store %arg8[%swap3A_257, %swap3A_258], %dot_general3A_256 {strides = array<i32>} : memref<1x2048xf32, #tpu.memory_space<vmem>>, vector<1x128xf32>,
      %get3A_260 = arith.constant 0 : index
      %get3A_261 = arith.constant 256 : index
      %get3A_262 = vector.load %arg3[%get3A_260, %get3A_261] : memref<512x2048xf32, #tpu.memory_space<vmem>>, vector<512x256xf32>
      %dot_general3A_263 = arith.constant dense<0.000000e+00> : vector<512x128xf32>
      %dot_general3A_264 = tpu.matmul %get3A_262, %convert_element_type3A_243, %dot_general3A_263 {dimension_numbers = #tpu.dot_dimension_numbers<[1], [0], [0], [1], [0, 0, 1, 1], [], []>, transpose_lhs_hint = false} : vector<512x256xf32>, vector<256x128xf32>, vector<512x128xf32> -> vector<512x128xf32>
      %swap3A_265 = arith.constant 0 : index
      %swap3A_266 = arith.constant 1152 : index
      %swap3A_267 = vector.load %arg7[%swap3A_265, %swap3A_266] : memref<512x2048xf32, #tpu.memory_space<vmem>>, vector<512x128xf32>
      tpu.vector_store %arg7[%swap3A_265, %swap3A_266], %dot_general3A_264 {strides = array<i32>} : memref<512x2048xf32, #tpu.memory_space<vmem>>, vector<512x128xf32>,
      %get3A_268 = arith.constant 0 : index
      %get3A_269 = arith.constant 256 : index
      %get3A_270 = vector.load %arg4[%get3A_268, %get3A_269] : memref<1x2048xf32, #tpu.memory_space<vmem>>, vector<1x256xf32>
      %dot_general3A_271 = arith.constant dense<0.000000e+00> : vector<1x128xf32>
      %dot_general3A_272 = tpu.matmul %get3A_270, %convert_element_type3A_243, %dot_general3A_271 {dimension_numbers = #tpu.dot_dimension_numbers<[1], [0], [0], [1], [0, 0, 1, 1], [], []>, transpose_lhs_hint = false} : vector<1x256xf32>, vector<256x128xf32>, vector<1x128xf32> -> vector<1x128xf32>
      %swap3A_273 = arith.constant 0 : index
      %swap3A_274 = arith.constant 1152 : index
      %swap3A_275 = vector.load %arg8[%swap3A_273, %swap3A_274] : memref<1x2048xf32, #tpu.memory_space<vmem>>, vector<1x128xf32>
      tpu.vector_store %arg8[%swap3A_273, %swap3A_274], %dot_general3A_272 {strides = array<i32>} : memref<1x2048xf32, #tpu.memory_space<vmem>>, vector<1x128xf32>,
      %get3A_276 = arith.constant 0 : index
      %get3A_277 = arith.constant 512 : index
      %get3A_278 = vector.load %arg3[%get3A_276, %get3A_277] : memref<512x2048xf32, #tpu.memory_space<vmem>>, vector<512x256xf32>
      %dot_general3A_279 = arith.constant dense<0.000000e+00> : vector<512x128xf32>
      %dot_general3A_280 = tpu.matmul %get3A_278, %convert_element_type3A_243, %dot_general3A_279 {dimension_numbers = #tpu.dot_dimension_numbers<[1], [0], [0], [1], [0, 0, 1, 1], [], []>, transpose_lhs_hint = false} : vector<512x256xf32>, vector<256x128xf32>, vector<512x128xf32> -> vector<512x128xf32>
      %swap3A_281 = arith.constant 0 : index
      %swap3A_282 = arith.constant 1280 : index
      %swap3A_283 = vector.load %arg7[%swap3A_281, %swap3A_282] : memref<512x2048xf32, #tpu.memory_space<vmem>>, vector<512x128xf32>
      tpu.vector_store %arg7[%swap3A_281, %swap3A_282], %dot_general3A_280 {strides = array<i32>} : memref<512x2048xf32, #tpu.memory_space<vmem>>, vector<512x128xf32>,
      %get3A_284 = arith.constant 0 : index
      %get3A_285 = arith.constant 512 : index
      %get3A_286 = vector.load %arg4[%get3A_284, %get3A_285] : memref<1x2048xf32, #tpu.memory_space<vmem>>, vector<1x256xf32>
      %dot_general3A_287 = arith.constant dense<0.000000e+00> : vector<1x128xf32>
      %dot_general3A_288 = tpu.matmul %get3A_286, %convert_element_type3A_243, %dot_general3A_287 {dimension_numbers = #tpu.dot_dimension_numbers<[1], [0], [0], [1], [0, 0, 1, 1], [], []>, transpose_lhs_hint = false} : vector<1x256xf32>, vector<256x128xf32>, vector<1x128xf32> -> vector<1x128xf32>
      %swap3A_289 = arith.constant 0 : index
      %swap3A_290 = arith.constant 1280 : index
      %swap3A_291 = vector.load %arg8[%swap3A_289, %swap3A_290] : memref<1x2048xf32, #tpu.memory_space<vmem>>, vector<1x128xf32>
      tpu.vector_store %arg8[%swap3A_289, %swap3A_290], %dot_general3A_288 {strides = array<i32>} : memref<1x2048xf32, #tpu.memory_space<vmem>>, vector<1x128xf32>,
      %get3A_292 = arith.constant 0 : index
      %get3A_293 = arith.constant 768 : index
      %get3A_294 = vector.load %arg3[%get3A_292, %get3A_293] : memref<512x2048xf32, #tpu.memory_space<vmem>>, vector<512x256xf32>
      %dot_general3A_295 = arith.constant dense<0.000000e+00> : vector<512x128xf32>
      %dot_general3A_296 = tpu.matmul %get3A_294, %convert_element_type3A_243, %dot_general3A_295 {dimension_numbers = #tpu.dot_dimension_numbers<[1], [0], [0], [1], [0, 0, 1, 1], [], []>, transpose_lhs_hint = false} : vector<512x256xf32>, vector<256x128xf32>, vector<512x128xf32> -> vector<512x128xf32>
      %swap3A_297 = arith.constant 0 : index
      %swap3A_298 = arith.constant 1408 : index
      %swap3A_299 = vector.load %arg7[%swap3A_297, %swap3A_298] : memref<512x2048xf32, #tpu.memory_space<vmem>>, vector<512x128xf32>
      tpu.vector_store %arg7[%swap3A_297, %swap3A_298], %dot_general3A_296 {strides = array<i32>} : memref<512x2048xf32, #tpu.memory_space<vmem>>, vector<512x128xf32>,
      %get3A_300 = arith.constant 0 : index
      %get3A_301 = arith.constant 768 : index
      %get3A_302 = vector.load %arg4[%get3A_300, %get3A_301] : memref<1x2048xf32, #tpu.memory_space<vmem>>, vector<1x256xf32>
      %dot_general3A_303 = arith.constant dense<0.000000e+00> : vector<1x128xf32>
      %dot_general3A_304 = tpu.matmul %get3A_302, %convert_element_type3A_243, %dot_general3A_303 {dimension_numbers = #tpu.dot_dimension_numbers<[1], [0], [0], [1], [0, 0, 1, 1], [], []>, transpose_lhs_hint = false} : vector<1x256xf32>, vector<256x128xf32>, vector<1x128xf32> -> vector<1x128xf32>
      %swap3A_305 = arith.constant 0 : index
      %swap3A_306 = arith.constant 1408 : index
      %swap3A_307 = vector.load %arg8[%swap3A_305, %swap3A_306] : memref<1x2048xf32, #tpu.memory_space<vmem>>, vector<1x128xf32>
      tpu.vector_store %arg8[%swap3A_305, %swap3A_306], %dot_general3A_304 {strides = array<i32>} : memref<1x2048xf32, #tpu.memory_space<vmem>>, vector<1x128xf32>,
      %get3A_308 = arith.constant 0 : index
      %get3A_309 = arith.constant 1024 : index
      %get3A_310 = vector.load %arg3[%get3A_308, %get3A_309] : memref<512x2048xf32, #tpu.memory_space<vmem>>, vector<512x256xf32>
      %dot_general3A_311 = arith.constant dense<0.000000e+00> : vector<512x128xf32>
      %dot_general3A_312 = tpu.matmul %get3A_310, %convert_element_type3A_243, %dot_general3A_311 {dimension_numbers = #tpu.dot_dimension_numbers<[1], [0], [0], [1], [0, 0, 1, 1], [], []>, transpose_lhs_hint = false} : vector<512x256xf32>, vector<256x128xf32>, vector<512x128xf32> -> vector<512x128xf32>
      %swap3A_313 = arith.constant 0 : index
      %swap3A_314 = arith.constant 1536 : index
      %swap3A_315 = vector.load %arg7[%swap3A_313, %swap3A_314] : memref<512x2048xf32, #tpu.memory_space<vmem>>, vector<512x128xf32>
      tpu.vector_store %arg7[%swap3A_313, %swap3A_314], %dot_general3A_312 {strides = array<i32>} : memref<512x2048xf32, #tpu.memory_space<vmem>>, vector<512x128xf32>,
      %get3A_316 = arith.constant 0 : index
      %get3A_317 = arith.constant 1024 : index
      %get3A_318 = vector.load %arg4[%get3A_316, %get3A_317] : memref<1x2048xf32, #tpu.memory_space<vmem>>, vector<1x256xf32>
      %dot_general3A_319 = arith.constant dense<0.000000e+00> : vector<1x128xf32>
      %dot_general3A_320 = tpu.matmul %get3A_318, %convert_element_type3A_243, %dot_general3A_319 {dimension_numbers = #tpu.dot_dimension_numbers<[1], [0], [0], [1], [0, 0, 1, 1], [], []>, transpose_lhs_hint = false} : vector<1x256xf32>, vector<256x128xf32>, vector<1x128xf32> -> vector<1x128xf32>
      %swap3A_321 = arith.constant 0 : index
      %swap3A_322 = arith.constant 1536 : index
      %swap3A_323 = vector.load %arg8[%swap3A_321, %swap3A_322] : memref<1x2048xf32, #tpu.memory_space<vmem>>, vector<1x128xf32>
      tpu.vector_store %arg8[%swap3A_321, %swap3A_322], %dot_general3A_320 {strides = array<i32>} : memref<1x2048xf32, #tpu.memory_space<vmem>>, vector<1x128xf32>,
      %get3A_324 = arith.constant 0 : index
      %get3A_325 = arith.constant 1280 : index
      %get3A_326 = vector.load %arg3[%get3A_324, %get3A_325] : memref<512x2048xf32, #tpu.memory_space<vmem>>, vector<512x256xf32>
      %dot_general3A_327 = arith.constant dense<0.000000e+00> : vector<512x128xf32>
      %dot_general3A_328 = tpu.matmul %get3A_326, %convert_element_type3A_243, %dot_general3A_327 {dimension_numbers = #tpu.dot_dimension_numbers<[1], [0], [0], [1], [0, 0, 1, 1], [], []>, transpose_lhs_hint = false} : vector<512x256xf32>, vector<256x128xf32>, vector<512x128xf32> -> vector<512x128xf32>
      %swap3A_329 = arith.constant 0 : index
      %swap3A_330 = arith.constant 1664 : index
      %swap3A_331 = vector.load %arg7[%swap3A_329, %swap3A_330] : memref<512x2048xf32, #tpu.memory_space<vmem>>, vector<512x128xf32>
      tpu.vector_store %arg7[%swap3A_329, %swap3A_330], %dot_general3A_328 {strides = array<i32>} : memref<512x2048xf32, #tpu.memory_space<vmem>>, vector<512x128xf32>,
      %get3A_332 = arith.constant 0 : index
      %get3A_333 = arith.constant 1280 : index
      %get3A_334 = vector.load %arg4[%get3A_332, %get3A_333] : memref<1x2048xf32, #tpu.memory_space<vmem>>, vector<1x256xf32>
      %dot_general3A_335 = arith.constant dense<0.000000e+00> : vector<1x128xf32>
      %dot_general3A_336 = tpu.matmul %get3A_334, %convert_element_type3A_243, %dot_general3A_335 {dimension_numbers = #tpu.dot_dimension_numbers<[1], [0], [0], [1], [0, 0, 1, 1], [], []>, transpose_lhs_hint = false} : vector<1x256xf32>, vector<256x128xf32>, vector<1x128xf32> -> vector<1x128xf32>
      %swap3A_337 = arith.constant 0 : index
      %swap3A_338 = arith.constant 1664 : index
      %swap3A_339 = vector.load %arg8[%swap3A_337, %swap3A_338] : memref<1x2048xf32, #tpu.memory_space<vmem>>, vector<1x128xf32>
      tpu.vector_store %arg8[%swap3A_337, %swap3A_338], %dot_general3A_336 {strides = array<i32>} : memref<1x2048xf32, #tpu.memory_space<vmem>>, vector<1x128xf32>,
      %get3A_340 = arith.constant 0 : index
      %get3A_341 = arith.constant 1536 : index
      %get3A_342 = vector.load %arg3[%get3A_340, %get3A_341] : memref<512x2048xf32, #tpu.memory_space<vmem>>, vector<512x256xf32>
      %dot_general3A_343 = arith.constant dense<0.000000e+00> : vector<512x128xf32>
      %dot_general3A_344 = tpu.matmul %get3A_342, %convert_element_type3A_243, %dot_general3A_343 {dimension_numbers = #tpu.dot_dimension_numbers<[1], [0], [0], [1], [0, 0, 1, 1], [], []>, transpose_lhs_hint = false} : vector<512x256xf32>, vector<256x128xf32>, vector<512x128xf32> -> vector<512x128xf32>
      %swap3A_345 = arith.constant 0 : index
      %swap3A_346 = arith.constant 1792 : index
      %swap3A_347 = vector.load %arg7[%swap3A_345, %swap3A_346] : memref<512x2048xf32, #tpu.memory_space<vmem>>, vector<512x128xf32>
      tpu.vector_store %arg7[%swap3A_345, %swap3A_346], %dot_general3A_344 {strides = array<i32>} : memref<512x2048xf32, #tpu.memory_space<vmem>>, vector<512x128xf32>,
      %get3A_348 = arith.constant 0 : index
      %get3A_349 = arith.constant 1536 : index
      %get3A_350 = vector.load %arg4[%get3A_348, %get3A_349] : memref<1x2048xf32, #tpu.memory_space<vmem>>, vector<1x256xf32>
      %dot_general3A_351 = arith.constant dense<0.000000e+00> : vector<1x128xf32>
      %dot_general3A_352 = tpu.matmul %get3A_350, %convert_element_type3A_243, %dot_general3A_351 {dimension_numbers = #tpu.dot_dimension_numbers<[1], [0], [0], [1], [0, 0, 1, 1], [], []>, transpose_lhs_hint = false} : vector<1x256xf32>, vector<256x128xf32>, vector<1x128xf32> -> vector<1x128xf32>
      %swap3A_353 = arith.constant 0 : index
      %swap3A_354 = arith.constant 1792 : index
      %swap3A_355 = vector.load %arg8[%swap3A_353, %swap3A_354] : memref<1x2048xf32, #tpu.memory_space<vmem>>, vector<1x128xf32>
      tpu.vector_store %arg8[%swap3A_353, %swap3A_354], %dot_general3A_352 {strides = array<i32>} : memref<1x2048xf32, #tpu.memory_space<vmem>>, vector<1x128xf32>,
      %get3A_356 = arith.constant 0 : index
      %get3A_357 = arith.constant 1792 : index
      %get3A_358 = vector.load %arg3[%get3A_356, %get3A_357] : memref<512x2048xf32, #tpu.memory_space<vmem>>, vector<512x256xf32>
      %dot_general3A_359 = arith.constant dense<0.000000e+00> : vector<512x128xf32>
      %dot_general3A_360 = tpu.matmul %get3A_358, %convert_element_type3A_243, %dot_general3A_359 {dimension_numbers = #tpu.dot_dimension_numbers<[1], [0], [0], [1], [0, 0, 1, 1], [], []>, transpose_lhs_hint = false} : vector<512x256xf32>, vector<256x128xf32>, vector<512x128xf32> -> vector<512x128xf32>
      %swap3A_361 = arith.constant 0 : index
      %swap3A_362 = arith.constant 1920 : index
      %swap3A_363 = vector.load %arg7[%swap3A_361, %swap3A_362] : memref<512x2048xf32, #tpu.memory_space<vmem>>, vector<512x128xf32>
      tpu.vector_store %arg7[%swap3A_361, %swap3A_362], %dot_general3A_360 {strides = array<i32>} : memref<512x2048xf32, #tpu.memory_space<vmem>>, vector<512x128xf32>,
      %get3A_364 = arith.constant 0 : index
      %get3A_365 = arith.constant 1792 : index
      %get3A_366 = vector.load %arg4[%get3A_364, %get3A_365] : memref<1x2048xf32, #tpu.memory_space<vmem>>, vector<1x256xf32>
      %dot_general3A_367 = arith.constant dense<0.000000e+00> : vector<1x128xf32>
      %dot_general3A_368 = tpu.matmul %get3A_366, %convert_element_type3A_243, %dot_general3A_367 {dimension_numbers = #tpu.dot_dimension_numbers<[1], [0], [0], [1], [0, 0, 1, 1], [], []>, transpose_lhs_hint = false} : vector<1x256xf32>, vector<256x128xf32>, vector<1x128xf32> -> vector<1x128xf32>
      %swap3A_369 = arith.constant 0 : index
      %swap3A_370 = arith.constant 1920 : index
      %swap3A_371 = vector.load %arg8[%swap3A_369, %swap3A_370] : memref<1x2048xf32, #tpu.memory_space<vmem>>, vector<1x128xf32>
      tpu.vector_store %arg8[%swap3A_369, %swap3A_370], %dot_general3A_368 {strides = array<i32>} : memref<1x2048xf32, #tpu.memory_space<vmem>>, vector<1x128xf32>,
    } else {
    }
    %get3A = arith.constant 0 : index
    %get3A_2 = arith.constant 0 : index
    %get3A_3 = vector.load %arg1[%get3A, %get3A_2] : memref<512x512xf32, #tpu.memory_space<vmem>>, vector<512x512xf32>
    %get3A_4 = arith.constant 0 : index
    %get3A_5 = arith.constant 0 : index
    %get3A_6 = vector.load %arg7[%get3A_4, %get3A_5] : memref<512x2048xf32, #tpu.memory_space<vmem>>, vector<512x2048xf32>
    %dot_general3A = arith.constant dense<0.000000e+00> : vector<512x2048xf32>
    %dot_general3A_7 = tpu.matmul %get3A_3, %get3A_6, %dot_general3A {dimension_numbers = #tpu.dot_dimension_numbers<[1], [0], [0], [1], [0, 0, 1, 1], [], []>, transpose_lhs_hint = false} : vector<512x512xf32>, vector<512x2048xf32>, vector<512x2048xf32> -> vector<512x2048xf32>
    %get3A_8 = arith.constant 0 : index
    %get3A_9 = arith.constant 0 : index
    %get3A_10 = vector.load %arg8[%get3A_8, %get3A_9] : memref<1x2048xf32, #tpu.memory_space<vmem>>, vector<1x2048xf32>
    %add3A = vector.broadcast %get3A_10 : vector<1x2048xf32> to vector<512x2048xf32>
    %add3A_11 = arith.addf %dot_general3A_7, %add3A : vector<512x2048xf32>
    %max3A = arith.constant 0.000000e+00 : f32
    %max3A_12 = vector.broadcast %max3A : f32 to vector<512x2048xf32>
    %max3A_13 = arith.maximumf %add3A_11, %max3A_12 : vector<512x2048xf32>
    %get3A_14 = arith.constant 0 : index
    %get3A_15 = arith.constant 0 : index
    %get3A_16 = arith.constant 0 : index
    %get3A_17 = vector.load %arg2[%get3A_14, %get3A_15, %get3A_16] : memref<512x2x1024xf32, #tpu.memory_space<vmem>>, vector<512x1x1024xf32>
    %get3A_18 = vector.shape_cast %get3A_17 : vector<512x1x1024xf32> to vector<512x1024xf32>
    %log3A = math.log %get3A_18 : vector<512x1024xf32>
    %neg3A = arith.constant 0.000000e+00 : f32
    %neg3A_19 = vector.broadcast %neg3A : f32 to vector<512x1024xf32>
    %neg3A_20 = arith.subf %neg3A_19, %log3A : vector<512x1024xf32>
    %log3A_21 = math.log %neg3A_20 : vector<512x1024xf32>
    %neg3A_22 = arith.constant 0.000000e+00 : f32
    %neg3A_23 = vector.broadcast %neg3A_22 : f32 to vector<512x1024xf32>
    %neg3A_24 = arith.subf %neg3A_23, %log3A_21 : vector<512x1024xf32>
    %slice3A = vector.extract_strided_slice %max3A_13 {offsets = [0, 0], sizes = [512, 1024], strides = [1, 1]} : vector<512x2048xf32> to vector<512x1024xf32>
    %add3A_25 = arith.addf %neg3A_24, %slice3A : vector<512x1024xf32>
    %exp3A = math.exp %add3A_25 : vector<512x1024xf32>
    %reduce_sum3A = arith.constant dense<0.000000e+00> : vector<512xf32>
    %reduce_sum3A_26 = vector.multi_reduction <add>, %exp3A, %reduce_sum3A [1] : vector<512x1024xf32> to vector<512xf32>
    %broadcast_in_dim3A = vector.shape_cast %reduce_sum3A_26 : vector<512xf32> to vector<512x1xf32>
    %div3A = vector.broadcast %broadcast_in_dim3A : vector<512x1xf32> to vector<512x1024xf32>
    %div3A_27 = arith.divf %exp3A, %div3A : vector<512x1024xf32>
    %mul3A = arith.constant 2.000000e+00 : f32
    %mul3A_28 = vector.broadcast %mul3A : f32 to vector<512x1024xf32>
    %mul3A_29 = arith.mulf %div3A_27, %mul3A_28 : vector<512x1024xf32>
    %swap3A = arith.constant 0 : index
    %swap3A_30 = arith.constant 0 : index
    %swap3A_31 = arith.constant 0 : index
    %swap3A_32 = vector.load %arg5[%swap3A, %swap3A_30, %swap3A_31] : memref<512x2x1024xf32, #tpu.memory_space<vmem>>, vector<512x1x1024xf32>
    %swap3A_33 = vector.shape_cast %swap3A_32 : vector<512x1x1024xf32> to vector<512x1024xf32>
    %swap3A_34 = vector.shape_cast %mul3A_29 : vector<512x1024xf32> to vector<512x1x1024xf32>
    tpu.vector_store %arg5[%swap3A, %swap3A_30, %swap3A_31], %swap3A_34 {strides = array<i32>} : memref<512x2x1024xf32, #tpu.memory_space<vmem>>, vector<512x1x1024xf32>,
    %reduce_max3A = arith.constant dense<0xFF800000> : vector<512xf32>
    %reduce_max3A_35 = vector.multi_reduction <maximumf>, %add3A_25, %reduce_max3A [1] : vector<512x1024xf32> to vector<512xf32>
    %broadcast_in_dim3A_36 = vector.shape_cast %reduce_max3A_35 : vector<512xf32> to vector<512x1xf32>
    %iota3A = tpu.iota {dimensions = array<i32: 1>} : vector<512x1024xi32>
    %ge3A = vector.broadcast %broadcast_in_dim3A_36 : vector<512x1xf32> to vector<512x1024xf32>
    %ge3A_37 = arith.cmpf oge, %add3A_25, %ge3A : vector<512x1024xf32>
    %jit3A = arith.constant 1024 : i32
    %broadcast_in_dim3A_38 = vector.broadcast %jit3A : i32 to vector<512x1024xi32>
    %select_n3A = arith.select %ge3A_37, %iota3A, %broadcast_in_dim3A_38 : vector<512x1024xi1>, vector<512x1024xi32>
    %reduce_min3A = arith.constant dense<2147483647> : vector<512xi32>
    %reduce_min3A_39 = vector.multi_reduction <minsi>, %select_n3A, %reduce_min3A [1] : vector<512x1024xi32> to vector<512xi32>
    %broadcast_in_dim3A_40 = vector.shape_cast %reduce_min3A_39 : vector<512xi32> to vector<512x1xi32>
    %add3A_41 = arith.constant 0 : i32
    %add3A_42 = vector.broadcast %add3A_41 : i32 to vector<512x1xi32>
    %add3A_43 = arith.addi %broadcast_in_dim3A_40, %add3A_42 : vector<512x1xi32>
    %reshape3A = vector.shape_cast %add3A_43 : vector<512x1xi32> to vector<4x128xi32>
    %get3A_44 = arith.constant 0 : index
    %get3A_45 = arith.constant 1 : index
    %get3A_46 = arith.constant 0 : index
    %get3A_47 = vector.load %arg2[%get3A_44, %get3A_45, %get3A_46] : memref<512x2x1024xf32, #tpu.memory_space<vmem>>, vector<512x1x1024xf32>
    %get3A_48 = vector.shape_cast %get3A_47 : vector<512x1x1024xf32> to vector<512x1024xf32>
    %log3A_49 = math.log %get3A_48 : vector<512x1024xf32>
    %neg3A_50 = arith.constant 0.000000e+00 : f32
    %neg3A_51 = vector.broadcast %neg3A_50 : f32 to vector<512x1024xf32>
    %neg3A_52 = arith.subf %neg3A_51, %log3A_49 : vector<512x1024xf32>
    %log3A_53 = math.log %neg3A_52 : vector<512x1024xf32>
    %neg3A_54 = arith.constant 0.000000e+00 : f32
    %neg3A_55 = vector.broadcast %neg3A_54 : f32 to vector<512x1024xf32>
    %neg3A_56 = arith.subf %neg3A_55, %log3A_53 : vector<512x1024xf32>
    %slice3A_57 = vector.extract_strided_slice %max3A_13 {offsets = [0, 1024], sizes = [512, 1024], strides = [1, 1]} : vector<512x2048xf32> to vector<512x1024xf32>
    %add3A_58 = arith.addf %neg3A_56, %slice3A_57 : vector<512x1024xf32>
    %exp3A_59 = math.exp %add3A_58 : vector<512x1024xf32>
    %reduce_sum3A_60 = arith.constant dense<0.000000e+00> : vector<512xf32>
    %reduce_sum3A_61 = vector.multi_reduction <add>, %exp3A_59, %reduce_sum3A_60 [1] : vector<512x1024xf32> to vector<512xf32>
    %broadcast_in_dim3A_62 = vector.shape_cast %reduce_sum3A_61 : vector<512xf32> to vector<512x1xf32>
    %div3A_63 = vector.broadcast %broadcast_in_dim3A_62 : vector<512x1xf32> to vector<512x1024xf32>
    %div3A_64 = arith.divf %exp3A_59, %div3A_63 : vector<512x1024xf32>
    %mul3A_65 = arith.constant 2.000000e+00 : f32
    %mul3A_66 = vector.broadcast %mul3A_65 : f32 to vector<512x1024xf32>
    %mul3A_67 = arith.mulf %div3A_64, %mul3A_66 : vector<512x1024xf32>
    %swap3A_68 = arith.constant 0 : index
    %swap3A_69 = arith.constant 1 : index
    %swap3A_70 = arith.constant 0 : index
    %swap3A_71 = vector.load %arg5[%swap3A_68, %swap3A_69, %swap3A_70] : memref<512x2x1024xf32, #tpu.memory_space<vmem>>, vector<512x1x1024xf32>
    %swap3A_72 = vector.shape_cast %swap3A_71 : vector<512x1x1024xf32> to vector<512x1024xf32>
    %swap3A_73 = vector.shape_cast %mul3A_67 : vector<512x1024xf32> to vector<512x1x1024xf32>
    tpu.vector_store %arg5[%swap3A_68, %swap3A_69, %swap3A_70], %swap3A_73 {strides = array<i32>} : memref<512x2x1024xf32, #tpu.memory_space<vmem>>, vector<512x1x1024xf32>,
    %reduce_max3A_74 = arith.constant dense<0xFF800000> : vector<512xf32>
    %reduce_max3A_75 = vector.multi_reduction <maximumf>, %add3A_58, %reduce_max3A_74 [1] : vector<512x1024xf32> to vector<512xf32>
    %broadcast_in_dim3A_76 = vector.shape_cast %reduce_max3A_75 : vector<512xf32> to vector<512x1xf32>
    %iota3A_77 = tpu.iota {dimensions = array<i32: 1>} : vector<512x1024xi32>
    %ge3A_78 = vector.broadcast %broadcast_in_dim3A_76 : vector<512x1xf32> to vector<512x1024xf32>
    %ge3A_79 = arith.cmpf oge, %add3A_58, %ge3A_78 : vector<512x1024xf32>
    %jit3A_80 = arith.constant 1024 : i32
    %broadcast_in_dim3A_81 = vector.broadcast %jit3A_80 : i32 to vector<512x1024xi32>
    %select_n3A_82 = arith.select %ge3A_79, %iota3A_77, %broadcast_in_dim3A_81 : vector<512x1024xi1>, vector<512x1024xi32>
    %reduce_min3A_83 = arith.constant dense<2147483647> : vector<512xi32>
    %reduce_min3A_84 = vector.multi_reduction <minsi>, %select_n3A_82, %reduce_min3A_83 [1] : vector<512x1024xi32> to vector<512xi32>
    %broadcast_in_dim3A_85 = vector.shape_cast %reduce_min3A_84 : vector<512xi32> to vector<512x1xi32>
    %add3A_86 = arith.constant 1024 : i32
    %add3A_87 = vector.broadcast %add3A_86 : i32 to vector<512x1xi32>
    %add3A_88 = arith.addi %broadcast_in_dim3A_85, %add3A_87 : vector<512x1xi32>
    %reshape3A_89 = vector.shape_cast %add3A_88 : vector<512x1xi32> to vector<4x128xi32>
    %concatenate3A = tpu.concatenate %reshape3A, %reshape3A_89 in 0 : vector<4x128xi32>, vector<4x128xi32> -> vector<8x128xi32>
    %swap3A_90 = arith.constant 0 : index
    %swap3A_91 = arith.constant 0 : index
    %swap3A_92 = arith.constant 0 : index
    %swap3A_93 = vector.load %arg6[%swap3A_90, %swap3A_91, %swap3A_92] : memref<1x8x128xi32, #tpu.memory_space<vmem>>, vector<1x8x128xi32>
    %swap3A_94 = vector.shape_cast %swap3A_93 : vector<1x8x128xi32> to vector<8x128xi32>
    %swap3A_95 = vector.shape_cast %concatenate3A : vector<8x128xi32> to vector<1x8x128xi32>
    tpu.vector_store %arg6[%swap3A_90, %swap3A_91, %swap3A_92], %swap3A_95 {strides = array<i32>} : memref<1x8x128xi32, #tpu.memory_space<vmem>>, vector<1x8x128xi32>,
    return
  }
  func.func @transform_0(%arg0: i32) -> (i32, i32) {
    %add3A = arith.constant 0 : i32
    %add3A_0 = arith.addi %arg0, %add3A : i32
    %c0_i32 = arith.constant 0 : i32
    %c0_i32_1 = arith.constant 0 : i32
    return %add3A_0, %c0_i32 : i32, i32
  }
  func.func @transform_1(%arg0: i32) -> (i32, i32, i32) {
    %add3A = arith.constant 0 : i32
    %add3A_0 = arith.addi %arg0, %add3A : i32
    %c0_i32 = arith.constant 0 : i32
    %c0_i32_1 = arith.constant 0 : i32
    %c0_i32_2 = arith.constant 0 : i32
    return %add3A_0, %c0_i32, %c0_i32_1 : i32, i32, i32
  }
  func.func @transform_2(%arg0: i32) -> (i32, i32) {
    %c0_i32 = arith.constant 0 : i32
    %c0_i32_0 = arith.constant 0 : i32
    %c0_i32_1 = arith.constant 0 : i32
    return %c0_i32, %c0_i32_0 : i32, i32
  }
  func.func @transform_3(%arg0: i32) -> (i32, i32) {
    %c0_i32 = arith.constant 0 : i32
    %c0_i32_0 = arith.constant 0 : i32
    %c0_i32_1 = arith.constant 0 : i32
    return %c0_i32, %c0_i32_0 : i32, i32
  }
  func.func @transform_4(%arg0: i32) -> (i32, i32, i32) {
    %add3A = arith.constant 0 : i32
    %add3A_0 = arith.addi %arg0, %add3A : i32
    %c0_i32 = arith.constant 0 : i32
    %c0_i32_1 = arith.constant 0 : i32
    %c0_i32_2 = arith.constant 0 : i32
    return %add3A_0, %c0_i32, %c0_i32_1 : i32, i32, i32
  }
  func.func @transform_5(%arg0: i32) -> (i32, i32, i32) {
    %c0_i32 = arith.constant 0 : i32
    %c0_i32_0 = arith.constant 0 : i32
    %c0_i32_1 = arith.constant 0 : i32
    return %arg0, %c0_i32, %c0_i32_0 : i32, i32, i32
  }
}

</mosaic_0001>

<sc_bundles>
// kernel: kernel.11.cloned.1.call-start
scs
__scs_entry_jumppad:
0x0: {  	(pc) =	sbr.rel $0x88, $3  }
0x1: {  	(tag) =	ssettag $0x0;
	lr =	simm.s32 $0x1  }
0x2: {  	[smem:$0x3F9A] =	sst lr;
	_ =	strace $0xD0000000  }
0x3: {  	_ = 	snop  }
0x4: {  	_ = 	snop  }
0x5: {  	_ = 	snop  }
0x6: {  	_ = 	snop  }
0x7: {  	_ = 	snop  }
__scs_overlays_trampoline_lowered:
0x8: {  	[smem:$0x3FA9] =	sst s0  }
0x9: {  	[smem:$0x3FAA] =	sst s1  }
0xa: {  	[smem:$0x3FAB] =	sst s2  }
0xb: {  	[smem:$0x3FAC] =	sst s3  }
0xc: {  	[smem:$0x3FAD] =	sst s4  }
0xd: {  	[smem:$0x3FAE] =	sst s5  }
0xe: {  	[smem:$0x3FAF] =	sst s6  }
0xf: {  	[smem:$0x3FB0] =	sst s7  }
0x10: {  	[smem:$0x3FB1] =	sst s8  }
0x11: {  	[smem:$0x3FB2] =	sst s9;
	s0 =	simm.s32 @!p0 $0x0  }
0x12: {  	s1 =	sld [smem:$0x3F98];
	s0 =	simm.s32 @p0 $0x1  }
0x13: {  	[smem:$0x3FB3] =	sst s0;
	s0 =	simm.s32 @!p1 $0x0  }
0x14: {  	s2 =	sld [smem:$0x3F97];
	s0 =	simm.s32 @p1 $0x1  }
0x15: {  	[smem:$0x3FB4] =	sst s0;
	s0 =	simm.s32 @!p2 $0x0  }
0x16: {  	s3 =	sld [smem:$0x3FDB];
	s0 =	simm.s32 @p2 $0x1  }
0x17: {  	s4 =	simm.s32 $0x1BF5;
	[smem:$0x3FB6] =	sst s0  }
0x18: {  	s0 =	sld [smem:$0x3F99];
	_ =	swait.ge [sflag:s4], $0x0  }
0x19: {  	s7 =	sld [smem:$0x3F9A]  }
0x1a: {  	s8 =	sadd.s32 $0xFFFFE003, lr  }
0x1b: {  	s9 =	sadd.s32 $0xFFFFFEF7, lr;
	s5 =	simm.s32 $0xFFFFFFFF;
	p2 =	slt.u32 s8, $0xFFFFF086  }
0x1c: {  	p1 =	slt.u32 s9, $0xF7A;
	s5 =	simm.s32 @!p2 $0x0  }
0x1d: {  	s5 =	simm.s32 @p1 $0x1;
	p0 =	seq.s32 s7, s2  }
0x1e: {  	s7 =	smul.u32 @!p0 $0xF7A, s2;
	p2 =	seq.s32 @!p0 s5, $0x0  }
0x1f: {  	s9 =	smul.u32 $0xF7A, s1;
	s8 =	simm.s32 @!p0 $0x1BF5;
	p2 =	por !p2, p0  }
0x20: {  	[sflag:s8] =	ssyncset.s32 @!p0 $0xFFFFF086;
	s6 =	sadd.s32 @!p0 s3, s7;
	s7 =	simm.s32 @!p0 $0x108  }
0x21: {  	s3 =	sadd.s32 s3, s9;
	s6 =	sadd.s32 @!p0 $0x88, s6;
	s7 =	simm.s32 @p2 $0x1082  }
0x22: {  	[simem:s7], [sflag:s8] =	dma.local @!p0 [hbm:s6], $0xF7A  }
0x23: {  	s9 =	sor.u32 $0xD0000000, s2;
	s6 =	simm.s32 $0x108;
	_ =	swait.ge @!p0 [sflag:s8], $0x0  }
0x24: {  	s3 =	sadd.s32 $0x88, s3;
	s6 =	simm.s32 @!p1 $0x1082;
	[sflag:s4] =	ssyncset.s32 $0xFFFFF086  }
0x25: {  	[simem:s6], [sflag:s4] =	dma.local [hbm:s3], $0xF7A  }
0x26: {  	[smem:$0x3F9A] =	sst s1;
	(tag) =	ssettag s2;
	_ =	strace s9  }
0x27: {  	s1 =	sld [smem:$0x3FAA]  }
0x28: {  	s2 =	sld [smem:$0x3FAB]  }
0x29: {  	s4 =	sld [smem:$0x3FAD]  }
0x2a: {  	p0 =	seq.s32 s5, $0x0;
	s5 =	sld [smem:$0x3FAE]  }
0x2b: {  	s6 =	sld [smem:$0x3FAF]  }
0x2c: {  	s7 =	sld [smem:$0x3FB0]  }
0x2d: {  	s3 =	simm.s32 $0x108;
	s8 =	sld [smem:$0x3FB1]  }
0x2e: {  	s3 =	simm.s32 @!p0 $0x1082;
	s9 =	sld [smem:$0x3FB2]  }
0x2f: {  	lr =	sadd.s32 s0, s3;
	s0 =	sld [smem:$0x3FA9]  }
0x30: {  	s3 =	sld [smem:$0x3FAC]  }
0x31: {  	[smem:$0x3FB5] =	sst s10  }
0x32: {  	s10 =	sld [smem:$0x3FB3];
	_ =	sdelay $0x3  }
0x33: {  	p0 =	seq.s32 s10, $0x1;
	s10 =	sld [smem:$0x3FB5];
	_ =	sdelay $0x3  }
0x34: {  	[smem:$0x3FB5] =	sst s10  }
0x35: {  	s10 =	sld [smem:$0x3FB4];
	_ =	sdelay $0x3  }
0x36: {  	p1 =	seq.s32 s10, $0x1;
	s10 =	sld [smem:$0x3FB5];
	_ =	sdelay $0x3  }
0x37: {  	[smem:$0x3FB5] =	sst s10  }
0x38: {  	s10 =	sld [smem:$0x3FB6]  }
0x39: {  	_ = 	snop;
	(pc) =	sbr.ind lr, $3  }
0x3a: {  	_ = 	snop  }
0x3b: {  	_ = 	snop  }
0x3c: {  	p2 =	seq.s32 s10, $0x1;
	s10 =	sld [smem:$0x3FB5]  }
0x3d: {  	_ =	shalt  }
0x3e: {  	_ =	shalt  }
0x3f: {  	_ =	shalt  }
0x40: {  	_ =	shalt  }
0x41: {  	_ =	shalt  }
0x42: {  	_ =	shalt  }
0x43: {  	_ =	shalt  }
0x44: {  	_ =	shalt  }
0x45: {  	_ =	shalt  }
0x46: {  	_ =	shalt  }
0x47: {  	_ =	shalt  }
0x48: {  	_ =	shalt  }
0x49: {  	_ =	shalt  }
0x4a: {  	_ =	shalt  }
0x4b: {  	_ =	shalt  }
0x4c: {  	_ =	shalt  }
0x4d: {  	_ =	shalt  }
0x4e: {  	_ =	shalt  }
0x4f: {  	_ =	shalt  }
0x50: {  	_ =	shalt  }
0x51: {  	_ =	shalt  }
0x52: {  	_ =	shalt  }
0x53: {  	_ =	shalt  }
0x54: {  	_ =	shalt  }
0x55: {  	_ =	shalt  }
0x56: {  	_ =	shalt  }
0x57: {  	_ =	shalt  }
0x58: {  	_ =	shalt  }
0x59: {  	_ =	shalt  }
0x5a: {  	_ =	shalt  }
0x5b: {  	_ =	shalt  }
0x5c: {  	_ =	shalt  }
0x5d: {  	_ =	shalt  }
0x5e: {  	_ =	shalt  }
0x5f: {  	_ =	shalt  }
0x60: {  	_ =	shalt  }
0x61: {  	_ =	shalt  }
0x62: {  	_ =	shalt  }
0x63: {  	_ =	shalt  }
0x64: {  	_ =	shalt  }
0x65: {  	_ =	shalt  }
0x66: {  	_ =	shalt  }
0x67: {  	_ =	shalt  }
0x68: {  	_ =	shalt  }
0x69: {  	_ =	shalt  }
0x6a: {  	_ =	shalt  }
0x6b: {  	_ =	shalt  }
0x6c: {  	_ =	shalt  }
0x6d: {  	_ =	shalt  }
0x6e: {  	_ =	shalt  }
0x6f: {  	_ =	shalt  }
0x70: {  	_ =	shalt  }
0x71: {  	_ =	shalt  }
0x72: {  	_ =	shalt  }
0x73: {  	_ =	shalt  }
0x74: {  	_ =	shalt  }
0x75: {  	_ =	shalt  }
0x76: {  	_ =	shalt  }
0x77: {  	_ =	shalt  }
0x78: {  	_ =	shalt  }
0x79: {  	_ =	shalt  }
0x7a: {  	_ =	shalt  }
0x7b: {  	_ =	shalt  }
0x7c: {  	_ =	shalt  }
0x7d: {  	_ =	shalt  }
0x7e: {  	_ =	shalt  }
0x7f: {  	_ =	shalt  }
0x80: {  	_ =	shalt  }
0x81: {  	_ =	shalt  }
0x82: {  	_ =	shalt  }
0x83: {  	_ =	shalt  }
0x84: {  	_ =	shalt  }
0x85: {  	_ =	shalt  }
0x86: {  	_ =	shalt  }
0x87: {  	_ =	shalt  }
.Lfunc_end0:
.L_simem_size_0:
called_computation.1_lowered:
.L_overlay_start_0:
0x88: {  	s2 =	sld [smem:$0x3FD9]  }
0x89: {  	s3 =	sld [smem:$0x3FFE];
	_ =	sdelay $0x1  }
0x8a: {  	s1 =	srdreg.scid  }
0x8b: {  	s0 =	sand.u32 $0x1, s1  }
0x8c: {  	s17 =	sshll.u32 s0, $0xA;
	s2 =	sadd.s32 s3, s2  }
0x8d: {  	s2 =	sadd.s32 s2, s17  }
0x8e: {  	[smem:$0x3FC1] =	sst s2  }
0x8f: {  	_ = 	snop  }
0x90: {  	s18 =	sld [smem:$0x3FC3];
	(tm) =	ssettm $0x1  }
0x91: {  	s19 =	sld [smem:$0x3FFB];
	_ =	sdelay $0x3  }
0x92: {  	_ =	strace s19  }
0x93: {  	s2 =	sld [smem:$0x3FFC];
	_ =	sdelay $0x3  }
0x94: {  	_ =	strace s2  }
0x95: {  	s2 =	sld [smem:$0x3FFD];
	_ =	sdelay $0x3  }
0x96: {  	_ =	strace s2  }
0x97: {  	_ =	strace $0x8FFFFFFF  }
0x98: {  	s20 =	sld [smem:$0x3FDB];
	_ =	sdelay $0x1  }
0x99: {  	s4 =	simm.s32 $_scs_section_size  }
0x9a: {  	s5 =	simm.s32 $_size__tile_overlayer_lowered;
	s6 =	simm.s32 $_tile_overlayer_lowered  }
0x9b: {  	s7 =	simm.s32 $0x1BFF;
	s21 =	sshll.u32 s6, $0x1;
	s4 =	sadd.s32 s4, s20  }
0x9c: {  	s22 =	simm.s32 $0x0;
	s5 =	sshll.u32 s5, $0x1;
	s6 =	sadd.s32 s21, s4  }
0x9d: {  	[timem:s22], [sflag:s7] =	dma.local [hbm:s6], s5  }
0x9e: {  	_ =	swait.ge [sflag:s7], s5  }
0x9f: {  	s5 =	ssub.s32 $0x0, s5;
	[sflag:s7] =	ssyncset.done $0x0  }
0xa0: {  	[sflag:s7] =	ssyncadd.s32 s5;
	_ =	sdelay $0x1  }
0xa1: {  	s23 =	simm.s32 $0x1B8B  }
0xa2: {  	_ =	swait.ge [sflag:s23], $0x1  }
0xa3: {  	[sflag:s23] =	ssyncset.done $0x0  }
0xa4: {  	[sflag:s23] =	ssyncadd.s32 $0xFFFFFFFF  }
0xa5: {  	s5 =	sld [smem:$0x0]  }
0xa6: {  	s6 =	sand.u32 $0xFFFFFFFE, s1  }
0xa7: {  	p0 =	sne.s32 s1, s6  }
0xa8: {  	s6 =	sshll.u32 @p0 s6, $0xE  }
0xa9: {  	s6 =	sadd.s32 @p0 $0x11B8D, s6;
	s7 =	sshll.u32 @p0 s5, $0x11  }
0xaa: {  	s6 =	sor.u32 @p0 s7, s6  }
0xab: {  	[sflag:s6] =	ssyncadd.remote.s32 @p0 $0x1;
	_ =	sdelay $0x1  }
0xac: {  	s6 =	simm.s32 @p0 $0x1B8D  }
0xad: {  	_ =	swait.eq @p0 [sflag:s6], $0x1  }
0xae: {  	[sflag:s6] =	ssyncadd.s32 @p0 $0xFFFFFFFF  }
0xaf: {  	s7 =	sshll.u32 @!p0 s1, $0xE  }
0xb0: {  	s7 =	sor.u32 @!p0 $0x4000, s7;
	s6 =	simm.s32 @!p0 $0x1B8D  }
0xb1: {  	s5 =	sshll.u32 @!p0 s5, $0x11;
	s7 =	sadd.s32 @!p0 $0x11B8D, s7;
	_ =	swait.eq @!p0 [sflag:s6], $0x1  }
0xb2: {  	s5 =	sor.u32 @!p0 s5, s7;
	[sflag:s6] =	ssyncadd.s32 @!p0 $0xFFFFFFFF  }
0xb3: {  	s25 =	simm.s32 $0x1B8E;
	s24 =	sld [smem:$0x3FFE];
	[sflag:s5] =	ssyncadd.remote.s32 @!p0 $0x1  }
0xb4: {  	s26 =	simm.s32 $execute0_lowered;
	[smem:$0x3FD2] =	sst s25  }
0xb5: {  	s6 =	sshll.u32 s26, $0x1;
	_ =	strace $0x80000049;
	[dreg:$0x1] =	wrdreg $0xFFFFFFFF  }
0xb6: {  	s28 =	simm.s32 $_size_execute0_lowered;
	s4 =	sadd.s32 s4, s6;
	[dreg:$0x0] =	wrdreg $0x0  }
0xb7: {  	s6 =	sshll.u32 s28, $0x1;
	[dreg:$0x2] =	wrdreg s4  }
0xb8: {  	[dreg:$0x3] =	wrdreg s6  }
0xb9: {  	[dreg:$0x4] =	wrdreg $0xC0  }
0xba: {  	_ =	task [dreg:s22], $0x5FFFF  }
0xbb: {  	[dreg:$0x1] =	wrdreg $0xFFFFFFFF  }
0xbc: {  	[dreg:$0x0] =	wrdreg $0x60  }
0xbd: {  	[dreg:$0x2] =	wrdreg s18  }
0xbe: {  	[dreg:$0x3] =	wrdreg s24  }
0xbf: {  	[dreg:$0x4] =	wrdreg $0xA  }
0xc0: {  	_ =	task.clear_ibuf [dreg:s22], $0x5FFFF;
	_ =	strace $0x90000049  }
0xc1: {  	s29 =	simm.s32 $0xA;
	_ =	strace $0x8000004B  }
0xc2: {  	_ =	swait.ge [sflag:s29], $0x1  }
0xc3: {  	[sflag:s29] =	ssyncadd.s32 $0xFFFFFFFF  }
0xc4: {  	_ =	strace $0x9000004B  }
0xc5: {  	_ =	sfence  }
0xc6: {  	s30 =	sld [smem:$0x0];
	_ =	sdelay $0x2  }
0xc7: {  	s31 =	sshll.u32 s1, $0xD;
	s1 =	sshrl.u32 s1, $0x2  }
0xc8: {  	s4 =	sand.u32 $0x4000, s31;
	s1 =	sadd.s32 s1, s30  }
0xc9: {  	s0 =	sor.u32 s4, s0;
	s1 =	sshll.u32 s1, $0x11  }
0xca: {  	s0 =	sor.u32 s1, s0  }
0xcb: {  	s0 =	sadd.s32 $0x8F2B, s0  }
0xcc: {  	[sflag:s0] =	ssyncadd.remote.s32 $0x1  }
0xcd: {  	_ =	sfence.sel $0xFFFF  }
0xce: {  	[dreg:$0x0] =	wrdreg $0xFFFFFFFF;
	(pc) =	sbr.abs _section_cstart, $3  }
0xcf: {  	[dreg:$0x1] =	wrdreg $0xFFFFFFFF  }
0xd0: {  	_ =	task.clear_ibuf [dreg:s22], $0x2FFFF;
	_ =	strace $0x9FFFFFFF  }
0xd1: {  	(tm) =	ssettm $0x7FFFFFFF  }
tec
execute0_lowered:
.L_overlay_start_1:
0x0: {  	(tag) =	ssettag $0x1  }
0x1: {  	s2 =	rddreg [dreg:$0x0]  }
0x2: {  	s4 =	rddreg [dreg:$0x1]  }
0x3: {  	s0 =	rddreg [dreg:$0x2];
	s3 =	simm.s32 $0x0;
	s1 =	stileid.u32  }
0x4: {  	s6 =	srdreg.scid;
	s11 =	simm.s32 $0x400;
	s12 =	simm.s32 $0x800  }
0x5: {  	s13 =	simm.s32 $0x1000;
	s14 =	simm.s32 $0x1800;
	s15 =	simm.s32 $0x2000  }
0x6: {  	s16 =	simm.s32 $0x2800;
	s17 =	simm.s32 $0x3000;
	s18 =	simm.s32 $0x3800  }
0x7: {  	s19 =	simm.s32 $0x4000;
	s20 =	simm.s32 $0x4800;
	s21 =	simm.s32 $0x5000  }
0x8: {  	s22 =	simm.s32 $0x5800;
	s23 =	simm.s32 $0x6000;
	s24 =	simm.s32 $0x6800  }
0x9: {  	s25 =	simm.s32 $0x7000;
	s28 =	simm.s32 $0x8000;
	s29 =	simm.s32 $0x1  }
0xa: {  	[smem:$0x7FF] =	sst s3;
	s5 =	sshll.u32 s1, $0x5;
	s6 =	sand.u32 $0x1, s6  }
0xb: {  	s7 =	sshll.u32 s1, $0xE;
	s30 =	sshll.u32 s1, $0x7;
	_ =	strace $0x8000004A  }
0xc: {  	s5 =	sand.u32 $0x180, s5;
	s8 =	sshll.u32 s6, $0xD;
	s9 =	ssub.s32 $0x2, s6  }
0xd: {  	s31 =	sand.u32 $0x180, s30;
	s6 =	sshll.u32 s6, $0x6;
	s7 =	sor.u32 s8, s7  }
0xe: {  	s5 =	sadd.s32 s5, s4;
	s26 =	sshrl.u32 s9, $0x1;
	s10 =	sadd.s32 s7, s4  }
0xf: {  	v2 =	vlaneseq.u32;
	s9 =	ssub.s32 s9, s26;
	s4 =	sadd.s32 $0xC2000, s5;
	s5 =	sor.u32 s6, s31  }
0x10: {  	vm0 =	vmmov $0xffff;
	v1 =	vshrl.u32 v2, $0x3;
	s6 =	sadd.s32 $0x100, s2;
	s26 =	simm.s32 $0x7800;
	s7 =	sadd.s32 $0xC2200, s10  }
0x11: {  	v0 =	vand.u32 $0x7, v2;
	v2 =	vor.u32 $0x8, v2;
	v1 =	vmul.u32 $0x8, v1;
	s8 =	sadd.s32 $0xC2400, s10;
	s9 =	smax.u32 s9, $0x1;
	s10 =	simm.s32 $0x2  }
.LBB2_1:
0x12: {  	[tilespmem:s3], [sflag:$0x2] =	stream.linear.gather [hbm4b:s4+s3], $0x400, $0x38;
	[tilespmem:$0x10800] =	vst v63  }
0x13: {  	_ =	swait.ge [sflag:s10], $0x400  }
0x14: {  	[sflag:s10] =	ssyncset.done $0x0  }
0x15: {  	[sflag:s10] =	ssyncadd.s32 $0xFFFFFC00  }
0x16: {  	[tilespmem:s11], [sflag:$0x2] =	stream.linear.gather [hbm4b:s4+s3], $0x400, $0x38;
	[tilespmem:$0x10800] =	vst v63  }
0x17: {  	_ =	swait.ge [sflag:s10], $0x400  }
0x18: {  	[sflag:s10] =	ssyncset.done $0x0  }
0x19: {  	[sflag:s10] =	ssyncadd.s32 $0xFFFFFC00  }
0x1a: {  	v3 =	vld [tilespmem:s5+$0x0];
	_ =	sdelay $0x4  }
0x1b: {  	v4 =	vshll.u32 v3, $0x2  }
0x1c: {  	v3 =	vand.u32 $0x7, v3;
	v4 =	vand.u32 $0xFFFFFFE0, v4  }
0x1d: {  	v3 =	vor.u32 v3, v4  }
0x1e: {  	v4 =	vperm.xlane v3, v0;
	_ =	sdelay $0x1  }
0x1f: {  	v4 =	vadd.s32 v1, v4;
	_ =	sdelay $0x1  }
0x20: {  	v3 =	vperm.xlane v3, v2;
	_ =	sdelay $0x1  }
0x21: {  	v3 =	vadd.s32 v1, v3  }
0x22: {  	[tilespmem:s12], [sflag:$0x1] =	stream.indirect_vreg.gather [hbm4b:s2+s3], $0x80, v4, vm0, $0xb8;
	[tilespmem:$0x10800] =	vst v63  }
0x23: {  	_ = 	snop  }
0x24: {  	[tilespmem:s13], [sflag:$0x1] =	stream.indirect_vreg.gather [hbm4b:s6+s3], $0x80, v4, vm0, $0xb8;
	[tilespmem:$0x10800] =	vst v63  }
0x25: {  	_ = 	snop  }
0x26: {  	[tilespmem:s14], [sflag:$0x1] =	stream.indirect_vreg.gather [hbm4b:s2+s3], $0x80, v3, vm0, $0xb8;
	[tilespmem:$0x10800] =	vst v63  }
0x27: {  	_ = 	snop  }
0x28: {  	[tilespmem:s15], [sflag:$0x1] =	stream.indirect_vreg.gather [hbm4b:s6+s3], $0x80, v3, vm0, $0xb8;
	[tilespmem:$0x10800] =	vst v63  }
0x29: {  	v3 =	vld [tilespmem:s5+$0x10];
	_ =	sdelay $0x4  }
0x2a: {  	v57 =	vshll.u32 v3, $0x2  }
0x2b: {  	v3 =	vand.u32 $0x7, v3;
	v4 =	vand.u32 $0xFFFFFFE0, v57  }
0x2c: {  	v3 =	vor.u32 v3, v4  }
0x2d: {  	v4 =	vperm.xlane v3, v0;
	_ =	sdelay $0x1  }
0x2e: {  	v4 =	vadd.s32 v1, v4;
	_ =	sdelay $0x1  }
0x2f: {  	v3 =	vperm.xlane v3, v2;
	_ =	sdelay $0x1  }
0x30: {  	v3 =	vadd.s32 v1, v3  }
0x31: {  	[tilespmem:s16], [sflag:$0x1] =	stream.indirect_vreg.gather [hbm4b:s2+s3], $0x80, v4, vm0, $0xb8;
	[tilespmem:$0x10800] =	vst v63  }
0x32: {  	_ = 	snop  }
0x33: {  	[tilespmem:s17], [sflag:$0x1] =	stream.indirect_vreg.gather [hbm4b:s6+s3], $0x80, v4, vm0, $0xb8;
	[tilespmem:$0x10800] =	vst v63  }
0x34: {  	_ = 	snop  }
0x35: {  	[tilespmem:s18], [sflag:$0x1] =	stream.indirect_vreg.gather [hbm4b:s2+s3], $0x80, v3, vm0, $0xb8;
	[tilespmem:$0x10800] =	vst v63  }
0x36: {  	_ = 	snop  }
0x37: {  	[tilespmem:s19], [sflag:$0x1] =	stream.indirect_vreg.gather [hbm4b:s6+s3], $0x80, v3, vm0, $0xb8;
	[tilespmem:$0x10800] =	vst v63  }
0x38: {  	v3 =	vld [tilespmem:s5+$0x20];
	_ =	sdelay $0x4  }
0x39: {  	v58 =	vshll.u32 v3, $0x2  }
0x3a: {  	v3 =	vand.u32 $0x7, v3;
	v4 =	vand.u32 $0xFFFFFFE0, v58  }
0x3b: {  	v3 =	vor.u32 v3, v4  }
0x3c: {  	v4 =	vperm.xlane v3, v0;
	_ =	sdelay $0x1  }
0x3d: {  	v4 =	vadd.s32 v1, v4;
	_ =	sdelay $0x1  }
0x3e: {  	v3 =	vperm.xlane v3, v2;
	_ =	sdelay $0x1  }
0x3f: {  	v3 =	vadd.s32 v1, v3  }
0x40: {  	[tilespmem:s20], [sflag:$0x1] =	stream.indirect_vreg.gather [hbm4b:s2+s3], $0x80, v4, vm0, $0xb8;
	[tilespmem:$0x10800] =	vst v63  }
0x41: {  	_ = 	snop  }
0x42: {  	[tilespmem:s21], [sflag:$0x1] =	stream.indirect_vreg.gather [hbm4b:s6+s3], $0x80, v4, vm0, $0xb8;
	[tilespmem:$0x10800] =	vst v63  }
0x43: {  	_ = 	snop  }
0x44: {  	[tilespmem:s22], [sflag:$0x1] =	stream.indirect_vreg.gather [hbm4b:s2+s3], $0x80, v3, vm0, $0xb8;
	[tilespmem:$0x10800] =	vst v63  }
0x45: {  	_ = 	snop  }
0x46: {  	[tilespmem:s23], [sflag:$0x1] =	stream.indirect_vreg.gather [hbm4b:s6+s3], $0x80, v3, vm0, $0xb8;
	[tilespmem:$0x10800] =	vst v63  }
0x47: {  	v3 =	vld [tilespmem:s5+$0x30];
	_ =	sdelay $0x4  }
0x48: {  	v59 =	vshll.u32 v3, $0x2  }
0x49: {  	v3 =	vand.u32 $0x7, v3;
	v4 =	vand.u32 $0xFFFFFFE0, v59  }
0x4a: {  	v3 =	vor.u32 v3, v4  }
0x4b: {  	v4 =	vperm.xlane v3, v0;
	_ =	sdelay $0x1  }
0x4c: {  	v4 =	vadd.s32 v1, v4;
	_ =	sdelay $0x1  }
0x4d: {  	v3 =	vperm.xlane v3, v2;
	_ =	sdelay $0x1  }
0x4e: {  	v3 =	vadd.s32 v1, v3  }
0x4f: {  	[tilespmem:s24], [sflag:$0x1] =	stream.indirect_vreg.gather [hbm4b:s2+s3], $0x80, v4, vm0, $0xb8;
	[tilespmem:$0x10800] =	vst v63  }
0x50: {  	_ = 	snop  }
0x51: {  	[tilespmem:s25], [sflag:$0x1] =	stream.indirect_vreg.gather [hbm4b:s6+s3], $0x80, v4, vm0, $0xb8;
	[tilespmem:$0x10800] =	vst v63  }
0x52: {  	_ = 	snop  }
0x53: {  	[tilespmem:s26], [sflag:$0x1] =	stream.indirect_vreg.gather [hbm4b:s2+s3], $0x80, v3, vm0, $0xb8;
	[tilespmem:$0x10800] =	vst v63  }
0x54: {  	_ = 	snop  }
0x55: {  	[tilespmem:s28], [sflag:$0x1] =	stream.indirect_vreg.gather [hbm4b:s6+s3], $0x80, v3, vm0, $0xb8;
	[tilespmem:$0x10800] =	vst v63  }
0x56: {  	_ =	swait.ge [sflag:s29], $0x8000  }
0x57: {  	[sflag:s29] =	ssyncset.done $0x0  }
0x58: {  	[sflag:s29] =	ssyncadd.s32 $0xFFFF8000  }
0x59: {  	[hbm4b:s7+s13] =	stream.strided.scatter [tilespmem:s12], [sflag:$0x2], $0x8000, s15, s13, $0x38;
	[tilespmem:$0x10800] =	vst v63  }
0x5a: {  	_ =	swait.ge [sflag:s10], $0x8000  }
0x5b: {  	[sflag:s10] =	ssyncset.done $0x0  }
0x5c: {  	[sflag:s10] =	ssyncadd.s32 $0xFFFF8000  }
0x5d: {  	v3 =	vld [tilespmem:s5+$0x200];
	_ =	sdelay $0x4  }
0x5e: {  	v60 =	vshll.u32 v3, $0x2  }
0x5f: {  	v3 =	vand.u32 $0x7, v3;
	v4 =	vand.u32 $0xFFFFFFE0, v60  }
0x60: {  	v3 =	vor.u32 v3, v4  }
0x61: {  	v4 =	vperm.xlane v3, v0;
	_ =	sdelay $0x1  }
0x62: {  	v4 =	vadd.s32 v1, v4;
	_ =	sdelay $0x1  }
0x63: {  	v3 =	vperm.xlane v3, v2;
	_ =	sdelay $0x1  }
0x64: {  	v3 =	vadd.s32 v1, v3  }
0x65: {  	[tilespmem:s12], [sflag:$0x1] =	stream.indirect_vreg.gather [hbm4b:s2+s3], $0x80, v4, vm0, $0xb8;
	[tilespmem:$0x10800] =	vst v63  }
0x66: {  	_ = 	snop  }
0x67: {  	[tilespmem:s13], [sflag:$0x1] =	stream.indirect_vreg.gather [hbm4b:s6+s3], $0x80, v4, vm0, $0xb8;
	[tilespmem:$0x10800] =	vst v63  }
0x68: {  	_ = 	snop  }
0x69: {  	[tilespmem:s14], [sflag:$0x1] =	stream.indirect_vreg.gather [hbm4b:s2+s3], $0x80, v3, vm0, $0xb8;
	[tilespmem:$0x10800] =	vst v63  }
0x6a: {  	_ = 	snop  }
0x6b: {  	[tilespmem:s15], [sflag:$0x1] =	stream.indirect_vreg.gather [hbm4b:s6+s3], $0x80, v3, vm0, $0xb8;
	[tilespmem:$0x10800] =	vst v63  }
0x6c: {  	v3 =	vld [tilespmem:s5+$0x210];
	_ =	sdelay $0x4  }
0x6d: {  	v61 =	vshll.u32 v3, $0x2  }
0x6e: {  	v3 =	vand.u32 $0x7, v3;
	v4 =	vand.u32 $0xFFFFFFE0, v61  }
0x6f: {  	v3 =	vor.u32 v3, v4  }
0x70: {  	v4 =	vperm.xlane v3, v0;
	_ =	sdelay $0x1  }
0x71: {  	v4 =	vadd.s32 v1, v4;
	_ =	sdelay $0x1  }
0x72: {  	v3 =	vperm.xlane v3, v2;
	_ =	sdelay $0x1  }
0x73: {  	v3 =	vadd.s32 v1, v3  }
0x74: {  	[tilespmem:s16], [sflag:$0x1] =	stream.indirect_vreg.gather [hbm4b:s2+s3], $0x80, v4, vm0, $0xb8;
	[tilespmem:$0x10800] =	vst v63  }
0x75: {  	_ = 	snop  }
0x76: {  	[tilespmem:s17], [sflag:$0x1] =	stream.indirect_vreg.gather [hbm4b:s6+s3], $0x80, v4, vm0, $0xb8;
	[tilespmem:$0x10800] =	vst v63  }
0x77: {  	_ = 	snop  }
0x78: {  	[tilespmem:s18], [sflag:$0x1] =	stream.indirect_vreg.gather [hbm4b:s2+s3], $0x80, v3, vm0, $0xb8;
	[tilespmem:$0x10800] =	vst v63  }
0x79: {  	_ = 	snop  }
0x7a: {  	[tilespmem:s19], [sflag:$0x1] =	stream.indirect_vreg.gather [hbm4b:s6+s3], $0x80, v3, vm0, $0xb8;
	[tilespmem:$0x10800] =	vst v63  }
0x7b: {  	v3 =	vld [tilespmem:s5+$0x220];
	_ =	sdelay $0x4  }
0x7c: {  	v62 =	vshll.u32 v3, $0x2  }
0x7d: {  	v3 =	vand.u32 $0x7, v3;
	v4 =	vand.u32 $0xFFFFFFE0, v62  }
0x7e: {  	v3 =	vor.u32 v3, v4  }
0x7f: {  	v4 =	vperm.xlane v3, v0;
	_ =	sdelay $0x1  }
0x80: {  	v4 =	vadd.s32 v1, v4;
	_ =	sdelay $0x1  }
0x81: {  	v3 =	vperm.xlane v3, v2;
	_ =	sdelay $0x1  }
0x82: {  	v3 =	vadd.s32 v1, v3  }
0x83: {  	[tilespmem:s20], [sflag:$0x1] =	stream.indirect_vreg.gather [hbm4b:s2+s3], $0x80, v4, vm0, $0xb8;
	[tilespmem:$0x10800] =	vst v63  }
0x84: {  	_ = 	snop  }
0x85: {  	[tilespmem:s21], [sflag:$0x1] =	stream.indirect_vreg.gather [hbm4b:s6+s3], $0x80, v4, vm0, $0xb8;
	[tilespmem:$0x10800] =	vst v63  }
0x86: {  	_ = 	snop  }
0x87: {  	[tilespmem:s22], [sflag:$0x1] =	stream.indirect_vreg.gather [hbm4b:s2+s3], $0x80, v3, vm0, $0xb8;
	[tilespmem:$0x10800] =	vst v63  }
0x88: {  	_ = 	snop  }
0x89: {  	[tilespmem:s23], [sflag:$0x1] =	stream.indirect_vreg.gather [hbm4b:s6+s3], $0x80, v3, vm0, $0xb8;
	[tilespmem:$0x10800] =	vst v63  }
0x8a: {  	v3 =	vld [tilespmem:s5+$0x230];
	_ =	sdelay $0x4  }
0x8b: {  	v63 =	vshll.u32 v3, $0x2  }
0x8c: {  	v3 =	vand.u32 $0x7, v3;
	v4 =	vand.u32 $0xFFFFFFE0, v63  }
0x8d: {  	v3 =	vor.u32 v3, v4  }
0x8e: {  	v4 =	vperm.xlane v3, v0;
	_ =	sdelay $0x1  }
0x8f: {  	v4 =	vadd.s32 v1, v4;
	_ =	sdelay $0x1  }
0x90: {  	v3 =	vperm.xlane v3, v2;
	_ =	sdelay $0x1  }
0x91: {  	v3 =	vadd.s32 v1, v3  }
0x92: {  	[tilespmem:s24], [sflag:$0x1] =	stream.indirect_vreg.gather [hbm4b:s2+s3], $0x80, v4, vm0, $0xb8;
	[tilespmem:$0x10800] =	vst v63  }
0x93: {  	_ = 	snop  }
0x94: {  	[tilespmem:s25], [sflag:$0x1] =	stream.indirect_vreg.gather [hbm4b:s6+s3], $0x80, v4, vm0, $0xb8;
	[tilespmem:$0x10800] =	vst v63  }
0x95: {  	_ = 	snop  }
0x96: {  	[tilespmem:s26], [sflag:$0x1] =	stream.indirect_vreg.gather [hbm4b:s2+s3], $0x80, v3, vm0, $0xb8;
	[tilespmem:$0x10800] =	vst v63  }
0x97: {  	_ = 	snop  }
0x98: {  	[tilespmem:s28], [sflag:$0x1] =	stream.indirect_vreg.gather [hbm4b:s6+s3], $0x80, v3, vm0, $0xb8;
	[tilespmem:$0x10800] =	vst v63  }
0x99: {  	_ =	swait.ge [sflag:s29], $0x8000  }
0x9a: {  	p0 =	sne.s32 s9, $0x1;
	[sflag:s29] =	ssyncset.done $0x0  }
.Ltmp0:
0x9b: {  	[sflag:s29] =	ssyncadd.s32 $0xFFFF8000;
	(pc) =	sbr.rel @p0 .LBB2_1-.Ltmp0, $4  }
0x9c: {  	[hbm4b:s8+s13] =	stream.strided.scatter [tilespmem:s12], [sflag:$0x2], $0x8000, s15, s13, $0x38;
	[tilespmem:$0x10800] =	vst v63  }
0x9d: {  	_ =	swait.ge [sflag:s10], $0x8000  }
0x9e: {  	[sflag:s10] =	ssyncset.done $0x0  }
0x9f: {  	s9 =	sadd.s32 $0xFFFFFFFF, s9;
	[sflag:s10] =	ssyncadd.s32 $0xFFFF8000  }
0xa0: {  	_ =	sfence.sel $0x180000  }
0xa1: {  	[bflag:$0x0] =	sbarrier.arrive $0xFFFF  }
0xa2: {  	p0 =	sne.s32 s1, $0x0;
	_ =	strace $0x9000004A  }
0xa3: {  	s0 =	sadd.s32 @!p0 $0x100000, s0;
	[bflag:$0x2] =	sbarrier.arrive $0xFFFF  }
0xa4: {  	[sflag:s0] =	ssyncadd.tile.s32 @!p0 $0x1;
	_ =	shalt  }
.Lfunc_end2:
_tile_overlayer_lowered:
.L_overlay_start_2:
0xa5: {  	(tag) =	ssettag $0x2  }
0xa6: {  	s0 =	rddreg [dreg:$0x0];
	s2 =	stileid.u32  }
0xa7: {  	s1 =	rddreg [dreg:$0x1];
	p0 =	sne.s32 s2, $0x0  }
0xa8: {  	s3 =	rddreg [dreg:$0x2];
	[bflag:$0x3] =	sbarrier.arrive $0xFFFF;
	s2 =	simm.s32 @!p0 $0x1C02  }
0xa9: {  	[timem:s3], [sflag:s2] =	dma.local @!p0 [hbm:s0], s1  }
0xaa: {  	s0 =	simm.s32 @!p0 $0x2  }
0xab: {  	_ =	swait.ge @!p0 [sflag:s0], s1  }
0xac: {  	s1 =	ssub.s32 @!p0 $0x0, s1;
	[sflag:s0] =	ssyncset.done @!p0 $0x0  }
0xad: {  	[sflag:s0] =	ssyncadd.s32 @!p0 s1  }
0xae: {  	[bflag:$0x3] =	sbarrier.arrive $0xFFFF  }
0xaf: {  	_ =	shalt  }

// kernel: kernel.8.cloned.1.call-start
scs
__scs_entry_jumppad:
0x0: {  	(pc) =	sbr.rel $0x88, $3  }
0x1: {  	(tag) =	ssettag $0x0;
	lr =	simm.s32 $0x1  }
0x2: {  	[smem:$0x3F9A] =	sst lr;
	_ =	strace $0xD0000000  }
0x3: {  	_ = 	snop  }
0x4: {  	_ = 	snop  }
0x5: {  	_ = 	snop  }
0x6: {  	_ = 	snop  }
0x7: {  	_ = 	snop  }
__scs_overlays_trampoline_lowered:
0x8: {  	[smem:$0x3FA9] =	sst s0  }
0x9: {  	[smem:$0x3FAA] =	sst s1  }
0xa: {  	[smem:$0x3FAB] =	sst s2  }
0xb: {  	[smem:$0x3FAC] =	sst s3  }
0xc: {  	[smem:$0x3FAD] =	sst s4  }
0xd: {  	[smem:$0x3FAE] =	sst s5  }
0xe: {  	[smem:$0x3FAF] =	sst s6  }
0xf: {  	[smem:$0x3FB0] =	sst s7  }
0x10: {  	[smem:$0x3FB1] =	sst s8  }
0x11: {  	[smem:$0x3FB2] =	sst s9;
	s0 =	simm.s32 @!p0 $0x0  }
0x12: {  	s1 =	sld [smem:$0x3F98];
	s0 =	simm.s32 @p0 $0x1  }
0x13: {  	[smem:$0x3FB3] =	sst s0;
	s0 =	simm.s32 @!p1 $0x0  }
0x14: {  	s2 =	sld [smem:$0x3F97];
	s0 =	simm.s32 @p1 $0x1  }
0x15: {  	[smem:$0x3FB4] =	sst s0;
	s0 =	simm.s32 @!p2 $0x0  }
0x16: {  	s3 =	sld [smem:$0x3FDB];
	s0 =	simm.s32 @p2 $0x1  }
0x17: {  	s4 =	simm.s32 $0x1BF5;
	[smem:$0x3FB6] =	sst s0  }
0x18: {  	s0 =	sld [smem:$0x3F99];
	_ =	swait.ge [sflag:s4], $0x0  }
0x19: {  	s7 =	sld [smem:$0x3F9A]  }
0x1a: {  	s8 =	sadd.s32 $0xFFFFE003, lr  }
0x1b: {  	s9 =	sadd.s32 $0xFFFFFEF7, lr;
	s5 =	simm.s32 $0xFFFFFFFF;
	p2 =	slt.u32 s8, $0xFFFFF086  }
0x1c: {  	p1 =	slt.u32 s9, $0xF7A;
	s5 =	simm.s32 @!p2 $0x0  }
0x1d: {  	s5 =	simm.s32 @p1 $0x1;
	p0 =	seq.s32 s7, s2  }
0x1e: {  	s7 =	smul.u32 @!p0 $0xF7A, s2;
	p2 =	seq.s32 @!p0 s5, $0x0  }
0x1f: {  	s9 =	smul.u32 $0xF7A, s1;
	s8 =	simm.s32 @!p0 $0x1BF5;
	p2 =	por !p2, p0  }
0x20: {  	[sflag:s8] =	ssyncset.s32 @!p0 $0xFFFFF086;
	s6 =	sadd.s32 @!p0 s3, s7;
	s7 =	simm.s32 @!p0 $0x108  }
0x21: {  	s3 =	sadd.s32 s3, s9;
	s6 =	sadd.s32 @!p0 $0x88, s6;
	s7 =	simm.s32 @p2 $0x1082  }
0x22: {  	[simem:s7], [sflag:s8] =	dma.local @!p0 [hbm:s6], $0xF7A  }
0x23: {  	s9 =	sor.u32 $0xD0000000, s2;
	s6 =	simm.s32 $0x108;
	_ =	swait.ge @!p0 [sflag:s8], $0x0  }
0x24: {  	s3 =	sadd.s32 $0x88, s3;
	s6 =	simm.s32 @!p1 $0x1082;
	[sflag:s4] =	ssyncset.s32 $0xFFFFF086  }
0x25: {  	[simem:s6], [sflag:s4] =	dma.local [hbm:s3], $0xF7A  }
0x26: {  	[smem:$0x3F9A] =	sst s1;
	(tag) =	ssettag s2;
	_ =	strace s9  }
0x27: {  	s1 =	sld [smem:$0x3FAA]  }
0x28: {  	s2 =	sld [smem:$0x3FAB]  }
0x29: {  	s4 =	sld [smem:$0x3FAD]  }
0x2a: {  	p0 =	seq.s32 s5, $0x0;
	s5 =	sld [smem:$0x3FAE]  }
0x2b: {  	s6 =	sld [smem:$0x3FAF]  }
0x2c: {  	s7 =	sld [smem:$0x3FB0]  }
0x2d: {  	s3 =	simm.s32 $0x108;
	s8 =	sld [smem:$0x3FB1]  }
0x2e: {  	s3 =	simm.s32 @!p0 $0x1082;
	s9 =	sld [smem:$0x3FB2]  }
0x2f: {  	lr =	sadd.s32 s0, s3;
	s0 =	sld [smem:$0x3FA9]  }
0x30: {  	s3 =	sld [smem:$0x3FAC]  }
0x31: {  	[smem:$0x3FB5] =	sst s10  }
0x32: {  	s10 =	sld [smem:$0x3FB3];
	_ =	sdelay $0x3  }
0x33: {  	p0 =	seq.s32 s10, $0x1;
	s10 =	sld [smem:$0x3FB5];
	_ =	sdelay $0x3  }
0x34: {  	[smem:$0x3FB5] =	sst s10  }
0x35: {  	s10 =	sld [smem:$0x3FB4];
	_ =	sdelay $0x3  }
0x36: {  	p1 =	seq.s32 s10, $0x1;
	s10 =	sld [smem:$0x3FB5];
	_ =	sdelay $0x3  }
0x37: {  	[smem:$0x3FB5] =	sst s10  }
0x38: {  	s10 =	sld [smem:$0x3FB6]  }
0x39: {  	_ = 	snop;
	(pc) =	sbr.ind lr, $3  }
0x3a: {  	_ = 	snop  }
0x3b: {  	_ = 	snop  }
0x3c: {  	p2 =	seq.s32 s10, $0x1;
	s10 =	sld [smem:$0x3FB5]  }
0x3d: {  	_ =	shalt  }
0x3e: {  	_ =	shalt  }
0x3f: {  	_ =	shalt  }
0x40: {  	_ =	shalt  }
0x41: {  	_ =	shalt  }
0x42: {  	_ =	shalt  }
0x43: {  	_ =	shalt  }
0x44: {  	_ =	shalt  }
0x45: {  	_ =	shalt  }
0x46: {  	_ =	shalt  }
0x47: {  	_ =	shalt  }
0x48: {  	_ =	shalt  }
0x49: {  	_ =	shalt  }
0x4a: {  	_ =	shalt  }
0x4b: {  	_ =	shalt  }
0x4c: {  	_ =	shalt  }
0x4d: {  	_ =	shalt  }
0x4e: {  	_ =	shalt  }
0x4f: {  	_ =	shalt  }
0x50: {  	_ =	shalt  }
0x51: {  	_ =	shalt  }
0x52: {  	_ =	shalt  }
0x53: {  	_ =	shalt  }
0x54: {  	_ =	shalt  }
0x55: {  	_ =	shalt  }
0x56: {  	_ =	shalt  }
0x57: {  	_ =	shalt  }
0x58: {  	_ =	shalt  }
0x59: {  	_ =	shalt  }
0x5a: {  	_ =	shalt  }
0x5b: {  	_ =	shalt  }
0x5c: {  	_ =	shalt  }
0x5d: {  	_ =	shalt  }
0x5e: {  	_ =	shalt  }
0x5f: {  	_ =	shalt  }
0x60: {  	_ =	shalt  }
0x61: {  	_ =	shalt  }
0x62: {  	_ =	shalt  }
0x63: {  	_ =	shalt  }
0x64: {  	_ =	shalt  }
0x65: {  	_ =	shalt  }
0x66: {  	_ =	shalt  }
0x67: {  	_ =	shalt  }
0x68: {  	_ =	shalt  }
0x69: {  	_ =	shalt  }
0x6a: {  	_ =	shalt  }
0x6b: {  	_ =	shalt  }
0x6c: {  	_ =	shalt  }
0x6d: {  	_ =	shalt  }
0x6e: {  	_ =	shalt  }
0x6f: {  	_ =	shalt  }
0x70: {  	_ =	shalt  }
0x71: {  	_ =	shalt  }
0x72: {  	_ =	shalt  }
0x73: {  	_ =	shalt  }
0x74: {  	_ =	shalt  }
0x75: {  	_ =	shalt  }
0x76: {  	_ =	shalt  }
0x77: {  	_ =	shalt  }
0x78: {  	_ =	shalt  }
0x79: {  	_ =	shalt  }
0x7a: {  	_ =	shalt  }
0x7b: {  	_ =	shalt  }
0x7c: {  	_ =	shalt  }
0x7d: {  	_ =	shalt  }
0x7e: {  	_ =	shalt  }
0x7f: {  	_ =	shalt  }
0x80: {  	_ =	shalt  }
0x81: {  	_ =	shalt  }
0x82: {  	_ =	shalt  }
0x83: {  	_ =	shalt  }
0x84: {  	_ =	shalt  }
0x85: {  	_ =	shalt  }
0x86: {  	_ =	shalt  }
0x87: {  	_ =	shalt  }
.Lfunc_end0:
.L_simem_size_0:
called_computation_lowered:
.L_overlay_start_0:
0x88: {  	s2 =	sld [smem:$0x3FD9]  }
0x89: {  	s3 =	sld [smem:$0x3FFE];
	_ =	sdelay $0x1  }
0x8a: {  	s1 =	srdreg.scid  }
0x8b: {  	s0 =	sand.u32 $0x1, s1  }
0x8c: {  	s14 =	sshll.u32 s0, $0xA;
	s2 =	sadd.s32 s3, s2  }
0x8d: {  	s2 =	sadd.s32 s2, s14  }
0x8e: {  	[smem:$0x3FC1] =	sst s2  }
0x8f: {  	_ = 	snop  }
0x90: {  	s2 =	sld [smem:$0x3FD0];
	_ =	sdelay $0x2  }
0x91: {  	s4 =	simm.s32 $0xB;
	s5 =	simm.s32 $0x10;
	s15 =	sld [smem:$0x3FC3]  }
0x92: {  	[smem:s5], [sflag:s4] =	dma.local [hbm:s2], $0x1  }
0x93: {  	_ =	swait.eq [sflag:s4], $0x1  }
0x94: {  	[sflag:s4] =	ssyncset.done $0x0  }
0x95: {  	[sflag:s4] =	ssyncadd.s32 $0xFFFFFFFF  }
0x96: {  	s16 =	sld [smem:$0x11];
	(tm) =	ssettm $0x1  }
0x97: {  	s17 =	sld [smem:$0x3FFB];
	_ =	sdelay $0x3  }
0x98: {  	_ =	strace s17  }
0x99: {  	s4 =	sld [smem:$0x3FFC];
	_ =	sdelay $0x3  }
0x9a: {  	_ =	strace s4  }
0x9b: {  	s4 =	sld [smem:$0x3FFD];
	_ =	sdelay $0x3  }
0x9c: {  	_ =	strace s4  }
0x9d: {  	_ =	strace $0x8FFFFFFF  }
0x9e: {  	s18 =	sld [smem:$0x3FDB];
	_ =	sdelay $0x1  }
0x9f: {  	s19 =	simm.s32 $_scs_section_size  }
0xa0: {  	s6 =	simm.s32 $_size__tile_overlayer_lowered;
	s7 =	simm.s32 $_tile_overlayer_lowered  }
0xa1: {  	s22 =	simm.s32 $0x1BFF;
	s21 =	sshll.u32 s7, $0x1;
	s4 =	sadd.s32 s19, s18  }
0xa2: {  	s8 =	simm.s32 $0x0;
	s20 =	sshll.u32 s6, $0x1;
	s6 =	sadd.s32 s21, s4  }
0xa3: {  	[timem:s8], [sflag:s22] =	dma.local [hbm:s6], s20  }
0xa4: {  	_ =	swait.ge [sflag:s22], s20  }
0xa5: {  	s5 =	ssub.s32 $0x0, s20;
	[sflag:s22] =	ssyncset.done $0x0  }
0xa6: {  	[sflag:s22] =	ssyncadd.s32 s5;
	_ =	sdelay $0x1  }
0xa7: {  	s23 =	simm.s32 $0x1B8B  }
0xa8: {  	_ =	swait.ge [sflag:s23], $0x1  }
0xa9: {  	[sflag:s23] =	ssyncset.done $0x0  }
0xaa: {  	s25 =	simm.s32 $0x1B8E;
	s24 =	sld [smem:$0x3FFE];
	[sflag:s23] =	ssyncadd.s32 $0xFFFFFFFF  }
0xab: {  	s26 =	simm.s32 $execute0_lowered;
	[smem:$0x3FD2] =	sst s25  }
0xac: {  	s6 =	sshll.u32 s26, $0x1;
	_ =	strace $0x80000046;
	[dreg:$0x1] =	wrdreg $0xFFFFFFFF  }
0xad: {  	s28 =	simm.s32 $_size_execute0_lowered;
	s4 =	sadd.s32 s4, s6;
	[dreg:$0x0] =	wrdreg $0x0  }
0xae: {  	s6 =	sshll.u32 s28, $0x1;
	[dreg:$0x2] =	wrdreg s4  }
0xaf: {  	[dreg:$0x3] =	wrdreg s6  }
0xb0: {  	[dreg:$0x4] =	wrdreg $0xC0  }
0xb1: {  	_ =	task [dreg:s8], $0x5FFFF  }
0xb2: {  	[dreg:$0x1] =	wrdreg $0xFFFFFFFF  }
0xb3: {  	[dreg:$0x0] =	wrdreg $0x60  }
0xb4: {  	[dreg:$0x2] =	wrdreg s15  }
0xb5: {  	[dreg:$0x3] =	wrdreg s16  }
0xb6: {  	[dreg:$0x4] =	wrdreg s24  }
0xb7: {  	[dreg:$0x5] =	wrdreg $0x9  }
0xb8: {  	_ =	task.clear_ibuf [dreg:s8], $0x6FFFF;
	_ =	strace $0x90000046  }
0xb9: {  	s29 =	simm.s32 $0x9;
	_ =	strace $0x80000048  }
0xba: {  	_ =	swait.ge [sflag:s29], $0x1  }
0xbb: {  	[sflag:s29] =	ssyncadd.s32 $0xFFFFFFFF  }
0xbc: {  	_ =	strace $0x90000048  }
0xbd: {  	_ =	sfence  }
0xbe: {  	s30 =	sld [smem:$0x0];
	_ =	sdelay $0x2  }
0xbf: {  	s31 =	sshll.u32 s1, $0xD;
	s1 =	sshrl.u32 s1, $0x2  }
0xc0: {  	s3 =	sand.u32 $0x4000, s31;
	s1 =	sadd.s32 s1, s30  }
0xc1: {  	s0 =	sor.u32 s3, s0;
	s1 =	sshll.u32 s1, $0x11  }
0xc2: {  	s0 =	sor.u32 s1, s0  }
0xc3: {  	s0 =	sadd.s32 $0x8F2B, s0  }
0xc4: {  	[sflag:s0] =	ssyncadd.remote.s32 $0x1  }
0xc5: {  	_ =	sfence.sel $0xFFFF  }
0xc6: {  	[dreg:$0x0] =	wrdreg $0xFFFFFFFF;
	(pc) =	sbr.abs _section_cstart, $3  }
0xc7: {  	[dreg:$0x1] =	wrdreg $0xFFFFFFFF  }
0xc8: {  	_ =	task.clear_ibuf [dreg:s8], $0x2FFFF;
	_ =	strace $0x9FFFFFFF  }
0xc9: {  	(tm) =	ssettm $0x7FFFFFFF  }
tec
execute0_lowered:
.L_overlay_start_1:
0x0: {  	(tag) =	ssettag $0x1  }
0x1: {  	s1 =	rddreg [dreg:$0x0]  }
0x2: {  	s2 =	srdreg.scid;
	s4 =	rddreg [dreg:$0x1]  }
0x3: {  	s0 =	stileid.u32;
	s6 =	rddreg [dreg:$0x2]  }
0x4: {  	s28 =	simm.s32 $0x6800;
	s29 =	simm.s32 $0x7000;
	s30 =	simm.s32 $0x7800  }
0x5: {  	s31 =	simm.s32 $0x8000;
	s2 =	sand.u32 $0x1, s2;
	s3 =	sshll.u32 s0, $0x1  }
0x6: {  	s0 =	sadd.s32 $0x2000, s6;
	s25 =	sadd.s32 $0x2200, s6;
	s5 =	sor.u32 s2, s3  }
0x7: {  	s3 =	simm.s32 $0x0;
	s2 =	ssub.s32 $0x2, s2;
	s7 =	smul.u32 $0xC0, s5  }
0x8: {  	[smem:$0x7FF] =	sst s3;
	s12 =	sshrl.u32 s2, $0x1;
	s26 =	smul.u32 $0x300, s5  }
0x9: {  	s18 =	smul.u32 $0x6000, s5;
	s5 =	sadd.s32 $0x100, s1;
	_ =	strace $0x80000047  }
0xa: {  	s2 =	ssub.s32 s2, s12;
	s8 =	sshrl.u32 s7, $0x9;
	s9 =	sadd.s32 $0x80, s7  }
0xb: {  	s17 =	sand.u32 $0x600, s26;
	s19 =	sadd.s32 $0x40, s7;
	s7 =	sand.u32 $0x40, s7  }
0xc: {  	s13 =	sadd.s32 s0, s18;
	s26 =	sadd.s32 s18, s25;
	s18 =	simm.s32 $0x2000  }
0xd: {  	s10 =	sshll.u32 s8, $0x7;
	s11 =	sshrl.u32 s9, $0x2;
	s20 =	sshrl.u32 s19, $0x9  }
0xe: {  	[dreg:$0x6] =	wrdreg s13;
	s22 =	sand.u32 $0x40, s19;
	s15 =	sshrl.u32 s9, $0x9  }
0xf: {  	s16 =	sand.u32 $0x180, s19;
	s12 =	sshll.u32 s19, $0x7;
	s24 =	sshll.u32 s9, $0x7  }
0x10: {  	s9 =	sand.u32 $0x180, s9;
	[dreg:$0x9] =	wrdreg s26;
	s19 =	simm.s32 $0x2800  }
0x11: {  	s26 =	simm.s32 $0x6000;
	s10 =	sadd.s32 s4, s10;
	s11 =	sand.u32 $0xF80, s11  }
0x12: {  	s14 =	ssub.s32 s20, s8;
	s8 =	ssub.s32 s15, s8;
	s23 =	sadd.s32 s0, s12  }
0x13: {  	s15 =	simm.s32 $0x800;
	s20 =	simm.s32 $0x3000;
	[dreg:$0x4] =	wrdreg s10  }
0x14: {  	s4 =	sadd.s32 s4, s11;
	s21 =	sshll.u32 s14, $0xC;
	s8 =	sshll.u32 s8, $0xC  }
0x15: {  	[dreg:$0x7] =	wrdreg s23;
	s11 =	sadd.s32 s0, s24;
	s14 =	simm.s32 $0x400  }
0x16: {  	s23 =	simm.s32 $0x4800;
	[dreg:$0x5] =	wrdreg s4;
	s4 =	sshrl.u32 s17, $0x2  }
0x17: {  	s13 =	sshra.s32 s21, $0x2;
	s8 =	sshra.s32 s8, $0x2;
	[dreg:$0x8] =	wrdreg s11  }
0x18: {  	s11 =	sadd.s32 s24, s25;
	s17 =	simm.s32 $0x1800;
	s21 =	simm.s32 $0x3800  }
0x19: {  	s24 =	simm.s32 $0x5000;
	s4 =	sor.u32 s7, s4;
	s13 =	sor.u32 s16, s13  }
0x1a: {  	s8 =	sor.u32 s9, s8;
	s9 =	sadd.s32 s12, s25;
	s12 =	smax.u32 s2, $0x1  }
0x1b: {  	v2 =	vlaneseq.u32;
	s16 =	simm.s32 $0x1000;
	s25 =	simm.s32 $0x5800;
	s2 =	simm.s32 $0x1  }
0x1c: {  	vm0 =	vmmov $0xffff;
	v1 =	vshrl.u32 v2, $0x3;
	s6 =	sor.u32 s22, s13;
	s7 =	sor.u32 s7, s8;
	s13 =	simm.s32 $0x2  }
0x1d: {  	v0 =	vand.u32 $0x7, v2;
	v2 =	vor.u32 $0x8, v2;
	v1 =	vmul.u32 $0x8, v1;
	s22 =	simm.s32 $0x4000;
	s8 =	sor.u32 $0x200, s6;
	s10 =	sor.u32 $0x200, s7  }
.LBB2_1:
0x1e: {  	s0 =	rddreg [dreg:$0x4]  }
0x1f: {  	[tilespmem:s3], [sflag:$0x2] =	stream.linear.gather [hbm4b:s0+s3], $0x400, $0x38;
	[tilespmem:$0x10800] =	vst v63  }
0x20: {  	_ =	swait.ge [sflag:s13], $0x400  }
0x21: {  	[sflag:s13] =	ssyncset.done $0x0  }
0x22: {  	s0 =	rddreg [dreg:$0x5];
	[sflag:s13] =	ssyncadd.s32 $0xFFFFFC00  }
0x23: {  	[tilespmem:s14], [sflag:$0x2] =	stream.linear.gather [hbm4b:s0+s3], $0x400, $0x38;
	[tilespmem:$0x10800] =	vst v63  }
0x24: {  	_ =	swait.ge [sflag:s13], $0x400  }
0x25: {  	[sflag:s13] =	ssyncset.done $0x0  }
0x26: {  	[sflag:s13] =	ssyncadd.s32 $0xFFFFFC00  }
0x27: {  	v3 =	vld [tilespmem:s4+$0x0];
	_ =	sdelay $0x4  }
0x28: {  	v4 =	vshll.u32 v3, $0x2  }
0x29: {  	v3 =	vand.u32 $0x7, v3;
	v4 =	vand.u32 $0xFFFFFFE0, v4  }
0x2a: {  	v3 =	vor.u32 v3, v4  }
0x2b: {  	v4 =	vperm.xlane v3, v0;
	_ =	sdelay $0x1  }
0x2c: {  	v4 =	vadd.s32 v1, v4;
	_ =	sdelay $0x1  }
0x2d: {  	v3 =	vperm.xlane v3, v2;
	_ =	sdelay $0x1  }
0x2e: {  	v3 =	vadd.s32 v1, v3  }
0x2f: {  	[tilespmem:s15], [sflag:$0x1] =	stream.indirect_vreg.gather [hbm4b:s1+s3], $0x80, v4, vm0, $0xb8;
	[tilespmem:$0x10800] =	vst v63  }
0x30: {  	_ = 	snop  }
0x31: {  	[tilespmem:s16], [sflag:$0x1] =	stream.indirect_vreg.gather [hbm4b:s5+s3], $0x80, v4, vm0, $0xb8;
	[tilespmem:$0x10800] =	vst v63  }
0x32: {  	_ = 	snop  }
0x33: {  	[tilespmem:s17], [sflag:$0x1] =	stream.indirect_vreg.gather [hbm4b:s1+s3], $0x80, v3, vm0, $0xb8;
	[tilespmem:$0x10800] =	vst v63  }
0x34: {  	_ = 	snop  }
0x35: {  	[tilespmem:s18], [sflag:$0x1] =	stream.indirect_vreg.gather [hbm4b:s5+s3], $0x80, v3, vm0, $0xb8;
	[tilespmem:$0x10800] =	vst v63  }
0x36: {  	v3 =	vld [tilespmem:s4+$0x10];
	_ =	sdelay $0x4  }
0x37: {  	v41 =	vshll.u32 v3, $0x2  }
0x38: {  	v3 =	vand.u32 $0x7, v3;
	v4 =	vand.u32 $0xFFFFFFE0, v41  }
0x39: {  	v3 =	vor.u32 v3, v4  }
0x3a: {  	v4 =	vperm.xlane v3, v0;
	_ =	sdelay $0x1  }
0x3b: {  	v4 =	vadd.s32 v1, v4;
	_ =	sdelay $0x1  }
0x3c: {  	v3 =	vperm.xlane v3, v2;
	_ =	sdelay $0x1  }
0x3d: {  	v3 =	vadd.s32 v1, v3  }
0x3e: {  	[tilespmem:s19], [sflag:$0x1] =	stream.indirect_vreg.gather [hbm4b:s1+s3], $0x80, v4, vm0, $0xb8;
	[tilespmem:$0x10800] =	vst v63  }
0x3f: {  	_ = 	snop  }
0x40: {  	[tilespmem:s20], [sflag:$0x1] =	stream.indirect_vreg.gather [hbm4b:s5+s3], $0x80, v4, vm0, $0xb8;
	[tilespmem:$0x10800] =	vst v63  }
0x41: {  	_ = 	snop  }
0x42: {  	[tilespmem:s21], [sflag:$0x1] =	stream.indirect_vreg.gather [hbm4b:s1+s3], $0x80, v3, vm0, $0xb8;
	[tilespmem:$0x10800] =	vst v63  }
0x43: {  	_ = 	snop  }
0x44: {  	[tilespmem:s22], [sflag:$0x1] =	stream.indirect_vreg.gather [hbm4b:s5+s3], $0x80, v3, vm0, $0xb8;
	[tilespmem:$0x10800] =	vst v63  }
0x45: {  	v3 =	vld [tilespmem:s4+$0x20];
	_ =	sdelay $0x4  }
0x46: {  	v42 =	vshll.u32 v3, $0x2  }
0x47: {  	v3 =	vand.u32 $0x7, v3;
	v4 =	vand.u32 $0xFFFFFFE0, v42  }
0x48: {  	v3 =	vor.u32 v3, v4  }
0x49: {  	v4 =	vperm.xlane v3, v0;
	_ =	sdelay $0x1  }
0x4a: {  	v4 =	vadd.s32 v1, v4;
	_ =	sdelay $0x1  }
0x4b: {  	v3 =	vperm.xlane v3, v2;
	_ =	sdelay $0x1  }
0x4c: {  	v3 =	vadd.s32 v1, v3  }
0x4d: {  	[tilespmem:s23], [sflag:$0x1] =	stream.indirect_vreg.gather [hbm4b:s1+s3], $0x80, v4, vm0, $0xb8;
	[tilespmem:$0x10800] =	vst v63  }
0x4e: {  	_ = 	snop  }
0x4f: {  	[tilespmem:s24], [sflag:$0x1] =	stream.indirect_vreg.gather [hbm4b:s5+s3], $0x80, v4, vm0, $0xb8;
	[tilespmem:$0x10800] =	vst v63  }
0x50: {  	_ = 	snop  }
0x51: {  	[tilespmem:s25], [sflag:$0x1] =	stream.indirect_vreg.gather [hbm4b:s1+s3], $0x80, v3, vm0, $0xb8;
	[tilespmem:$0x10800] =	vst v63  }
0x52: {  	_ = 	snop  }
0x53: {  	[tilespmem:s26], [sflag:$0x1] =	stream.indirect_vreg.gather [hbm4b:s5+s3], $0x80, v3, vm0, $0xb8;
	[tilespmem:$0x10800] =	vst v63  }
0x54: {  	v3 =	vld [tilespmem:s4+$0x30];
	_ =	sdelay $0x4  }
0x55: {  	v43 =	vshll.u32 v3, $0x2  }
0x56: {  	v3 =	vand.u32 $0x7, v3;
	v4 =	vand.u32 $0xFFFFFFE0, v43  }
0x57: {  	v3 =	vor.u32 v3, v4  }
0x58: {  	v4 =	vperm.xlane v3, v0;
	_ =	sdelay $0x1  }
0x59: {  	v4 =	vadd.s32 v1, v4;
	_ =	sdelay $0x1  }
0x5a: {  	v3 =	vperm.xlane v3, v2;
	_ =	sdelay $0x1  }
0x5b: {  	v3 =	vadd.s32 v1, v3  }
0x5c: {  	[tilespmem:s28], [sflag:$0x1] =	stream.indirect_vreg.gather [hbm4b:s1+s3], $0x80, v4, vm0, $0xb8;
	[tilespmem:$0x10800] =	vst v63  }
0x5d: {  	_ = 	snop  }
0x5e: {  	[tilespmem:s29], [sflag:$0x1] =	stream.indirect_vreg.gather [hbm4b:s5+s3], $0x80, v4, vm0, $0xb8;
	[tilespmem:$0x10800] =	vst v63  }
0x5f: {  	_ = 	snop  }
0x60: {  	[tilespmem:s30], [sflag:$0x1] =	stream.indirect_vreg.gather [hbm4b:s1+s3], $0x80, v3, vm0, $0xb8;
	[tilespmem:$0x10800] =	vst v63  }
0x61: {  	_ = 	snop  }
0x62: {  	[tilespmem:s31], [sflag:$0x1] =	stream.indirect_vreg.gather [hbm4b:s5+s3], $0x80, v3, vm0, $0xb8;
	[tilespmem:$0x10800] =	vst v63  }
0x63: {  	_ =	swait.ge [sflag:s2], $0x8000  }
0x64: {  	[sflag:s2] =	ssyncset.done $0x0  }
0x65: {  	s0 =	rddreg [dreg:$0x6];
	[sflag:s2] =	ssyncadd.s32 $0xFFFF8000  }
0x66: {  	[hbm4b:s0+s16] =	stream.strided.scatter [tilespmem:s15], [sflag:$0x2], $0x8000, s18, s16, $0x38;
	[tilespmem:$0x10800] =	vst v63  }
0x67: {  	_ =	swait.ge [sflag:s13], $0x8000  }
0x68: {  	[sflag:s13] =	ssyncset.done $0x0  }
0x69: {  	[sflag:s13] =	ssyncadd.s32 $0xFFFF8000  }
0x6a: {  	v3 =	vld [tilespmem:s6+$0x0];
	_ =	sdelay $0x4  }
0x6b: {  	v44 =	vshll.u32 v3, $0x2  }
0x6c: {  	v3 =	vand.u32 $0x7, v3;
	v4 =	vand.u32 $0xFFFFFFE0, v44  }
0x6d: {  	v3 =	vor.u32 v3, v4  }
0x6e: {  	v4 =	vperm.xlane v3, v0;
	_ =	sdelay $0x1  }
0x6f: {  	v4 =	vadd.s32 v1, v4;
	_ =	sdelay $0x1  }
0x70: {  	v3 =	vperm.xlane v3, v2;
	_ =	sdelay $0x1  }
0x71: {  	v3 =	vadd.s32 v1, v3  }
0x72: {  	[tilespmem:s15], [sflag:$0x1] =	stream.indirect_vreg.gather [hbm4b:s1+s3], $0x80, v4, vm0, $0xb8;
	[tilespmem:$0x10800] =	vst v63  }
0x73: {  	_ = 	snop  }
0x74: {  	[tilespmem:s16], [sflag:$0x1] =	stream.indirect_vreg.gather [hbm4b:s5+s3], $0x80, v4, vm0, $0xb8;
	[tilespmem:$0x10800] =	vst v63  }
0x75: {  	_ = 	snop  }
0x76: {  	[tilespmem:s17], [sflag:$0x1] =	stream.indirect_vreg.gather [hbm4b:s1+s3], $0x80, v3, vm0, $0xb8;
	[tilespmem:$0x10800] =	vst v63  }
0x77: {  	_ = 	snop  }
0x78: {  	[tilespmem:s18], [sflag:$0x1] =	stream.indirect_vreg.gather [hbm4b:s5+s3], $0x80, v3, vm0, $0xb8;
	[tilespmem:$0x10800] =	vst v63  }
0x79: {  	v3 =	vld [tilespmem:s6+$0x10];
	_ =	sdelay $0x4  }
0x7a: {  	v45 =	vshll.u32 v3, $0x2  }
0x7b: {  	v3 =	vand.u32 $0x7, v3;
	v4 =	vand.u32 $0xFFFFFFE0, v45  }
0x7c: {  	v3 =	vor.u32 v3, v4  }
0x7d: {  	v4 =	vperm.xlane v3, v0;
	_ =	sdelay $0x1  }
0x7e: {  	v4 =	vadd.s32 v1, v4;
	_ =	sdelay $0x1  }
0x7f: {  	v3 =	vperm.xlane v3, v2;
	_ =	sdelay $0x1  }
0x80: {  	v3 =	vadd.s32 v1, v3  }
0x81: {  	[tilespmem:s19], [sflag:$0x1] =	stream.indirect_vreg.gather [hbm4b:s1+s3], $0x80, v4, vm0, $0xb8;
	[tilespmem:$0x10800] =	vst v63  }
0x82: {  	_ = 	snop  }
0x83: {  	[tilespmem:s20], [sflag:$0x1] =	stream.indirect_vreg.gather [hbm4b:s5+s3], $0x80, v4, vm0, $0xb8;
	[tilespmem:$0x10800] =	vst v63  }
0x84: {  	_ = 	snop  }
0x85: {  	[tilespmem:s21], [sflag:$0x1] =	stream.indirect_vreg.gather [hbm4b:s1+s3], $0x80, v3, vm0, $0xb8;
	[tilespmem:$0x10800] =	vst v63  }
0x86: {  	_ = 	snop  }
0x87: {  	[tilespmem:s22], [sflag:$0x1] =	stream.indirect_vreg.gather [hbm4b:s5+s3], $0x80, v3, vm0, $0xb8;
	[tilespmem:$0x10800] =	vst v63  }
0x88: {  	v3 =	vld [tilespmem:s6+$0x20];
	_ =	sdelay $0x4  }
0x89: {  	v46 =	vshll.u32 v3, $0x2  }
0x8a: {  	v3 =	vand.u32 $0x7, v3;
	v4 =	vand.u32 $0xFFFFFFE0, v46  }
0x8b: {  	v3 =	vor.u32 v3, v4  }
0x8c: {  	v4 =	vperm.xlane v3, v0;
	_ =	sdelay $0x1  }
0x8d: {  	v4 =	vadd.s32 v1, v4;
	_ =	sdelay $0x1  }
0x8e: {  	v3 =	vperm.xlane v3, v2;
	_ =	sdelay $0x1  }
0x8f: {  	v3 =	vadd.s32 v1, v3  }
0x90: {  	[tilespmem:s23], [sflag:$0x1] =	stream.indirect_vreg.gather [hbm4b:s1+s3], $0x80, v4, vm0, $0xb8;
	[tilespmem:$0x10800] =	vst v63  }
0x91: {  	_ = 	snop  }
0x92: {  	[tilespmem:s24], [sflag:$0x1] =	stream.indirect_vreg.gather [hbm4b:s5+s3], $0x80, v4, vm0, $0xb8;
	[tilespmem:$0x10800] =	vst v63  }
0x93: {  	_ = 	snop  }
0x94: {  	[tilespmem:s25], [sflag:$0x1] =	stream.indirect_vreg.gather [hbm4b:s1+s3], $0x80, v3, vm0, $0xb8;
	[tilespmem:$0x10800] =	vst v63  }
0x95: {  	_ = 	snop  }
0x96: {  	[tilespmem:s26], [sflag:$0x1] =	stream.indirect_vreg.gather [hbm4b:s5+s3], $0x80, v3, vm0, $0xb8;
	[tilespmem:$0x10800] =	vst v63  }
0x97: {  	v3 =	vld [tilespmem:s6+$0x30];
	_ =	sdelay $0x4  }
0x98: {  	v47 =	vshll.u32 v3, $0x2  }
0x99: {  	v3 =	vand.u32 $0x7, v3;
	v4 =	vand.u32 $0xFFFFFFE0, v47  }
0x9a: {  	v3 =	vor.u32 v3, v4  }
0x9b: {  	v4 =	vperm.xlane v3, v0;
	_ =	sdelay $0x1  }
0x9c: {  	v4 =	vadd.s32 v1, v4;
	_ =	sdelay $0x1  }
0x9d: {  	v3 =	vperm.xlane v3, v2;
	_ =	sdelay $0x1  }
0x9e: {  	v3 =	vadd.s32 v1, v3  }
0x9f: {  	[tilespmem:s28], [sflag:$0x1] =	stream.indirect_vreg.gather [hbm4b:s1+s3], $0x80, v4, vm0, $0xb8;
	[tilespmem:$0x10800] =	vst v63  }
0xa0: {  	_ = 	snop  }
0xa1: {  	[tilespmem:s29], [sflag:$0x1] =	stream.indirect_vreg.gather [hbm4b:s5+s3], $0x80, v4, vm0, $0xb8;
	[tilespmem:$0x10800] =	vst v63  }
0xa2: {  	_ = 	snop  }
0xa3: {  	[tilespmem:s30], [sflag:$0x1] =	stream.indirect_vreg.gather [hbm4b:s1+s3], $0x80, v3, vm0, $0xb8;
	[tilespmem:$0x10800] =	vst v63  }
0xa4: {  	_ = 	snop  }
0xa5: {  	[tilespmem:s31], [sflag:$0x1] =	stream.indirect_vreg.gather [hbm4b:s5+s3], $0x80, v3, vm0, $0xb8;
	[tilespmem:$0x10800] =	vst v63  }
0xa6: {  	_ =	swait.ge [sflag:s2], $0x8000  }
0xa7: {  	[sflag:s2] =	ssyncset.done $0x0  }
0xa8: {  	s0 =	rddreg [dreg:$0x7];
	[sflag:s2] =	ssyncadd.s32 $0xFFFF8000  }
0xa9: {  	[hbm4b:s0+s16] =	stream.strided.scatter [tilespmem:s15], [sflag:$0x2], $0x8000, s18, s16, $0x38;
	[tilespmem:$0x10800] =	vst v63  }
0xaa: {  	_ =	swait.ge [sflag:s13], $0x8000  }
0xab: {  	[sflag:s13] =	ssyncset.done $0x0  }
0xac: {  	[sflag:s13] =	ssyncadd.s32 $0xFFFF8000  }
0xad: {  	v3 =	vld [tilespmem:s7+$0x0];
	_ =	sdelay $0x4  }
0xae: {  	v48 =	vshll.u32 v3, $0x2  }
0xaf: {  	v3 =	vand.u32 $0x7, v3;
	v4 =	vand.u32 $0xFFFFFFE0, v48  }
0xb0: {  	v3 =	vor.u32 v3, v4  }
0xb1: {  	v4 =	vperm.xlane v3, v0;
	_ =	sdelay $0x1  }
0xb2: {  	v4 =	vadd.s32 v1, v4;
	_ =	sdelay $0x1  }
0xb3: {  	v3 =	vperm.xlane v3, v2;
	_ =	sdelay $0x1  }
0xb4: {  	v3 =	vadd.s32 v1, v3  }
0xb5: {  	[tilespmem:s15], [sflag:$0x1] =	stream.indirect_vreg.gather [hbm4b:s1+s3], $0x80, v4, vm0, $0xb8;
	[tilespmem:$0x10800] =	vst v63  }
0xb6: {  	_ = 	snop  }
0xb7: {  	[tilespmem:s16], [sflag:$0x1] =	stream.indirect_vreg.gather [hbm4b:s5+s3], $0x80, v4, vm0, $0xb8;
	[tilespmem:$0x10800] =	vst v63  }
0xb8: {  	_ = 	snop  }
0xb9: {  	[tilespmem:s17], [sflag:$0x1] =	stream.indirect_vreg.gather [hbm4b:s1+s3], $0x80, v3, vm0, $0xb8;
	[tilespmem:$0x10800] =	vst v63  }
0xba: {  	_ = 	snop  }
0xbb: {  	[tilespmem:s18], [sflag:$0x1] =	stream.indirect_vreg.gather [hbm4b:s5+s3], $0x80, v3, vm0, $0xb8;
	[tilespmem:$0x10800] =	vst v63  }
0xbc: {  	v3 =	vld [tilespmem:s7+$0x10];
	_ =	sdelay $0x4  }
0xbd: {  	v49 =	vshll.u32 v3, $0x2  }
0xbe: {  	v3 =	vand.u32 $0x7, v3;
	v4 =	vand.u32 $0xFFFFFFE0, v49  }
0xbf: {  	v3 =	vor.u32 v3, v4  }
0xc0: {  	v4 =	vperm.xlane v3, v0;
	_ =	sdelay $0x1  }
0xc1: {  	v4 =	vadd.s32 v1, v4;
	_ =	sdelay $0x1  }
0xc2: {  	v3 =	vperm.xlane v3, v2;
	_ =	sdelay $0x1  }
0xc3: {  	v3 =	vadd.s32 v1, v3  }
0xc4: {  	[tilespmem:s19], [sflag:$0x1] =	stream.indirect_vreg.gather [hbm4b:s1+s3], $0x80, v4, vm0, $0xb8;
	[tilespmem:$0x10800] =	vst v63  }
0xc5: {  	_ = 	snop  }
0xc6: {  	[tilespmem:s20], [sflag:$0x1] =	stream.indirect_vreg.gather [hbm4b:s5+s3], $0x80, v4, vm0, $0xb8;
	[tilespmem:$0x10800] =	vst v63  }
0xc7: {  	_ = 	snop  }
0xc8: {  	[tilespmem:s21], [sflag:$0x1] =	stream.indirect_vreg.gather [hbm4b:s1+s3], $0x80, v3, vm0, $0xb8;
	[tilespmem:$0x10800] =	vst v63  }
0xc9: {  	_ = 	snop  }
0xca: {  	[tilespmem:s22], [sflag:$0x1] =	stream.indirect_vreg.gather [hbm4b:s5+s3], $0x80, v3, vm0, $0xb8;
	[tilespmem:$0x10800] =	vst v63  }
0xcb: {  	v3 =	vld [tilespmem:s7+$0x20];
	_ =	sdelay $0x4  }
0xcc: {  	v50 =	vshll.u32 v3, $0x2  }
0xcd: {  	v3 =	vand.u32 $0x7, v3;
	v4 =	vand.u32 $0xFFFFFFE0, v50  }
0xce: {  	v3 =	vor.u32 v3, v4  }
0xcf: {  	v4 =	vperm.xlane v3, v0;
	_ =	sdelay $0x1  }
0xd0: {  	v4 =	vadd.s32 v1, v4;
	_ =	sdelay $0x1  }
0xd1: {  	v3 =	vperm.xlane v3, v2;
	_ =	sdelay $0x1  }
0xd2: {  	v3 =	vadd.s32 v1, v3  }
0xd3: {  	[tilespmem:s23], [sflag:$0x1] =	stream.indirect_vreg.gather [hbm4b:s1+s3], $0x80, v4, vm0, $0xb8;
	[tilespmem:$0x10800] =	vst v63  }
0xd4: {  	_ = 	snop  }
0xd5: {  	[tilespmem:s24], [sflag:$0x1] =	stream.indirect_vreg.gather [hbm4b:s5+s3], $0x80, v4, vm0, $0xb8;
	[tilespmem:$0x10800] =	vst v63  }
0xd6: {  	_ = 	snop  }
0xd7: {  	[tilespmem:s25], [sflag:$0x1] =	stream.indirect_vreg.gather [hbm4b:s1+s3], $0x80, v3, vm0, $0xb8;
	[tilespmem:$0x10800] =	vst v63  }
0xd8: {  	_ = 	snop  }
0xd9: {  	[tilespmem:s26], [sflag:$0x1] =	stream.indirect_vreg.gather [hbm4b:s5+s3], $0x80, v3, vm0, $0xb8;
	[tilespmem:$0x10800] =	vst v63  }
0xda: {  	v3 =	vld [tilespmem:s7+$0x30];
	_ =	sdelay $0x4  }
0xdb: {  	v51 =	vshll.u32 v3, $0x2  }
0xdc: {  	v3 =	vand.u32 $0x7, v3;
	v4 =	vand.u32 $0xFFFFFFE0, v51  }
0xdd: {  	v3 =	vor.u32 v3, v4  }
0xde: {  	v4 =	vperm.xlane v3, v0;
	_ =	sdelay $0x1  }
0xdf: {  	v4 =	vadd.s32 v1, v4;
	_ =	sdelay $0x1  }
0xe0: {  	v3 =	vperm.xlane v3, v2;
	_ =	sdelay $0x1  }
0xe1: {  	v3 =	vadd.s32 v1, v3  }
0xe2: {  	[tilespmem:s28], [sflag:$0x1] =	stream.indirect_vreg.gather [hbm4b:s1+s3], $0x80, v4, vm0, $0xb8;
	[tilespmem:$0x10800] =	vst v63  }
0xe3: {  	_ = 	snop  }
0xe4: {  	[tilespmem:s29], [sflag:$0x1] =	stream.indirect_vreg.gather [hbm4b:s5+s3], $0x80, v4, vm0, $0xb8;
	[tilespmem:$0x10800] =	vst v63  }
0xe5: {  	_ = 	snop  }
0xe6: {  	[tilespmem:s30], [sflag:$0x1] =	stream.indirect_vreg.gather [hbm4b:s1+s3], $0x80, v3, vm0, $0xb8;
	[tilespmem:$0x10800] =	vst v63  }
0xe7: {  	_ = 	snop  }
0xe8: {  	[tilespmem:s31], [sflag:$0x1] =	stream.indirect_vreg.gather [hbm4b:s5+s3], $0x80, v3, vm0, $0xb8;
	[tilespmem:$0x10800] =	vst v63  }
0xe9: {  	_ =	swait.ge [sflag:s2], $0x8000  }
0xea: {  	[sflag:s2] =	ssyncset.done $0x0  }
0xeb: {  	s0 =	rddreg [dreg:$0x8];
	[sflag:s2] =	ssyncadd.s32 $0xFFFF8000  }
0xec: {  	[hbm4b:s0+s16] =	stream.strided.scatter [tilespmem:s15], [sflag:$0x2], $0x8000, s18, s16, $0x38;
	[tilespmem:$0x10800] =	vst v63  }
0xed: {  	_ =	swait.ge [sflag:s13], $0x8000  }
0xee: {  	[sflag:s13] =	ssyncset.done $0x0  }
0xef: {  	[sflag:s13] =	ssyncadd.s32 $0xFFFF8000  }
0xf0: {  	v3 =	vld [tilespmem:s4+$0x200];
	_ =	sdelay $0x4  }
0xf1: {  	v52 =	vshll.u32 v3, $0x2  }
0xf2: {  	v3 =	vand.u32 $0x7, v3;
	v4 =	vand.u32 $0xFFFFFFE0, v52  }
0xf3: {  	v3 =	vor.u32 v3, v4  }
0xf4: {  	v4 =	vperm.xlane v3, v0;
	_ =	sdelay $0x1  }
0xf5: {  	v4 =	vadd.s32 v1, v4;
	_ =	sdelay $0x1  }
0xf6: {  	v3 =	vperm.xlane v3, v2;
	_ =	sdelay $0x1  }
0xf7: {  	v3 =	vadd.s32 v1, v3  }
0xf8: {  	[tilespmem:s15], [sflag:$0x1] =	stream.indirect_vreg.gather [hbm4b:s1+s3], $0x80, v4, vm0, $0xb8;
	[tilespmem:$0x10800] =	vst v63  }
0xf9: {  	_ = 	snop  }
0xfa: {  	[tilespmem:s16], [sflag:$0x1] =	stream.indirect_vreg.gather [hbm4b:s5+s3], $0x80, v4, vm0, $0xb8;
	[tilespmem:$0x10800] =	vst v63  }
0xfb: {  	_ = 	snop  }
0xfc: {  	[tilespmem:s17], [sflag:$0x1] =	stream.indirect_vreg.gather [hbm4b:s1+s3], $0x80, v3, vm0, $0xb8;
	[tilespmem:$0x10800] =	vst v63  }
0xfd: {  	_ = 	snop  }
0xfe: {  	[tilespmem:s18], [sflag:$0x1] =	stream.indirect_vreg.gather [hbm4b:s5+s3], $0x80, v3, vm0, $0xb8;
	[tilespmem:$0x10800] =	vst v63  }
0xff: {  	v3 =	vld [tilespmem:s4+$0x210];
	_ =	sdelay $0x4  }
0x100: {  	v53 =	vshll.u32 v3, $0x2  }
0x101: {  	v3 =	vand.u32 $0x7, v3;
	v4 =	vand.u32 $0xFFFFFFE0, v53  }
0x102: {  	v3 =	vor.u32 v3, v4  }
0x103: {  	v4 =	vperm.xlane v3, v0;
	_ =	sdelay $0x1  }
0x104: {  	v4 =	vadd.s32 v1, v4;
	_ =	sdelay $0x1  }
0x105: {  	v3 =	vperm.xlane v3, v2;
	_ =	sdelay $0x1  }
0x106: {  	v3 =	vadd.s32 v1, v3  }
0x107: {  	[tilespmem:s19], [sflag:$0x1] =	stream.indirect_vreg.gather [hbm4b:s1+s3], $0x80, v4, vm0, $0xb8;
	[tilespmem:$0x10800] =	vst v63  }
0x108: {  	_ = 	snop  }
0x109: {  	[tilespmem:s20], [sflag:$0x1] =	stream.indirect_vreg.gather [hbm4b:s5+s3], $0x80, v4, vm0, $0xb8;
	[tilespmem:$0x10800] =	vst v63  }
0x10a: {  	_ = 	snop  }
0x10b: {  	[tilespmem:s21], [sflag:$0x1] =	stream.indirect_vreg.gather [hbm4b:s1+s3], $0x80, v3, vm0, $0xb8;
	[tilespmem:$0x10800] =	vst v63  }
0x10c: {  	_ = 	snop  }
0x10d: {  	[tilespmem:s22], [sflag:$0x1] =	stream.indirect_vreg.gather [hbm4b:s5+s3], $0x80, v3, vm0, $0xb8;
	[tilespmem:$0x10800] =	vst v63  }
0x10e: {  	v3 =	vld [tilespmem:s4+$0x220];
	_ =	sdelay $0x4  }
0x10f: {  	v54 =	vshll.u32 v3, $0x2  }
0x110: {  	v3 =	vand.u32 $0x7, v3;
	v4 =	vand.u32 $0xFFFFFFE0, v54  }
0x111: {  	v3 =	vor.u32 v3, v4  }
0x112: {  	v4 =	vperm.xlane v3, v0;
	_ =	sdelay $0x1  }
0x113: {  	v4 =	vadd.s32 v1, v4;
	_ =	sdelay $0x1  }
0x114: {  	v3 =	vperm.xlane v3, v2;
	_ =	sdelay $0x1  }
0x115: {  	v3 =	vadd.s32 v1, v3  }
0x116: {  	[tilespmem:s23], [sflag:$0x1] =	stream.indirect_vreg.gather [hbm4b:s1+s3], $0x80, v4, vm0, $0xb8;
	[tilespmem:$0x10800] =	vst v63  }
0x117: {  	_ = 	snop  }
0x118: {  	[tilespmem:s24], [sflag:$0x1] =	stream.indirect_vreg.gather [hbm4b:s5+s3], $0x80, v4, vm0, $0xb8;
	[tilespmem:$0x10800] =	vst v63  }
0x119: {  	_ = 	snop  }
0x11a: {  	[tilespmem:s25], [sflag:$0x1] =	stream.indirect_vreg.gather [hbm4b:s1+s3], $0x80, v3, vm0, $0xb8;
	[tilespmem:$0x10800] =	vst v63  }
0x11b: {  	_ = 	snop  }
0x11c: {  	[tilespmem:s26], [sflag:$0x1] =	stream.indirect_vreg.gather [hbm4b:s5+s3], $0x80, v3, vm0, $0xb8;
	[tilespmem:$0x10800] =	vst v63  }
0x11d: {  	v3 =	vld [tilespmem:s4+$0x230];
	_ =	sdelay $0x4  }
0x11e: {  	v55 =	vshll.u32 v3, $0x2  }
0x11f: {  	v3 =	vand.u32 $0x7, v3;
	v4 =	vand.u32 $0xFFFFFFE0, v55  }
0x120: {  	v3 =	vor.u32 v3, v4  }
0x121: {  	v4 =	vperm.xlane v3, v0;
	_ =	sdelay $0x1  }
0x122: {  	v4 =	vadd.s32 v1, v4;
	_ =	sdelay $0x1  }
0x123: {  	v3 =	vperm.xlane v3, v2;
	_ =	sdelay $0x1  }
0x124: {  	v3 =	vadd.s32 v1, v3  }
0x125: {  	[tilespmem:s28], [sflag:$0x1] =	stream.indirect_vreg.gather [hbm4b:s1+s3], $0x80, v4, vm0, $0xb8;
	[tilespmem:$0x10800] =	vst v63  }
0x126: {  	_ = 	snop  }
0x127: {  	[tilespmem:s29], [sflag:$0x1] =	stream.indirect_vreg.gather [hbm4b:s5+s3], $0x80, v4, vm0, $0xb8;
	[tilespmem:$0x10800] =	vst v63  }
0x128: {  	_ = 	snop  }
0x129: {  	[tilespmem:s30], [sflag:$0x1] =	stream.indirect_vreg.gather [hbm4b:s1+s3], $0x80, v3, vm0, $0xb8;
	[tilespmem:$0x10800] =	vst v63  }
0x12a: {  	_ = 	snop  }
0x12b: {  	[tilespmem:s31], [sflag:$0x1] =	stream.indirect_vreg.gather [hbm4b:s5+s3], $0x80, v3, vm0, $0xb8;
	[tilespmem:$0x10800] =	vst v63  }
0x12c: {  	_ =	swait.ge [sflag:s2], $0x8000  }
0x12d: {  	[sflag:s2] =	ssyncset.done $0x0  }
0x12e: {  	s0 =	rddreg [dreg:$0x9];
	[sflag:s2] =	ssyncadd.s32 $0xFFFF8000  }
0x12f: {  	[hbm4b:s0+s16] =	stream.strided.scatter [tilespmem:s15], [sflag:$0x2], $0x8000, s18, s16, $0x38;
	[tilespmem:$0x10800] =	vst v63  }
0x130: {  	_ =	swait.ge [sflag:s13], $0x8000  }
0x131: {  	[sflag:s13] =	ssyncset.done $0x0  }
0x132: {  	[sflag:s13] =	ssyncadd.s32 $0xFFFF8000  }
0x133: {  	v3 =	vld [tilespmem:s8+$0x0];
	_ =	sdelay $0x4  }
0x134: {  	v56 =	vshll.u32 v3, $0x2  }
0x135: {  	v3 =	vand.u32 $0x7, v3;
	v4 =	vand.u32 $0xFFFFFFE0, v56  }
0x136: {  	v3 =	vor.u32 v3, v4  }
0x137: {  	v4 =	vperm.xlane v3, v0;
	_ =	sdelay $0x1  }
0x138: {  	v4 =	vadd.s32 v1, v4;
	_ =	sdelay $0x1  }
0x139: {  	v3 =	vperm.xlane v3, v2;
	_ =	sdelay $0x1  }
0x13a: {  	v3 =	vadd.s32 v1, v3  }
0x13b: {  	[tilespmem:s15], [sflag:$0x1] =	stream.indirect_vreg.gather [hbm4b:s1+s3], $0x80, v4, vm0, $0xb8;
	[tilespmem:$0x10800] =	vst v63  }
0x13c: {  	_ = 	snop  }
0x13d: {  	[tilespmem:s16], [sflag:$0x1] =	stream.indirect_vreg.gather [hbm4b:s5+s3], $0x80, v4, vm0, $0xb8;
	[tilespmem:$0x10800] =	vst v63  }
0x13e: {  	_ = 	snop  }
0x13f: {  	[tilespmem:s17], [sflag:$0x1] =	stream.indirect_vreg.gather [hbm4b:s1+s3], $0x80, v3, vm0, $0xb8;
	[tilespmem:$0x10800] =	vst v63  }
0x140: {  	_ = 	snop  }
0x141: {  	[tilespmem:s18], [sflag:$0x1] =	stream.indirect_vreg.gather [hbm4b:s5+s3], $0x80, v3, vm0, $0xb8;
	[tilespmem:$0x10800] =	vst v63  }
0x142: {  	v3 =	vld [tilespmem:s8+$0x10];
	_ =	sdelay $0x4  }
0x143: {  	v57 =	vshll.u32 v3, $0x2  }
0x144: {  	v3 =	vand.u32 $0x7, v3;
	v4 =	vand.u32 $0xFFFFFFE0, v57  }
0x145: {  	v3 =	vor.u32 v3, v4  }
0x146: {  	v4 =	vperm.xlane v3, v0;
	_ =	sdelay $0x1  }
0x147: {  	v4 =	vadd.s32 v1, v4;
	_ =	sdelay $0x1  }
0x148: {  	v3 =	vperm.xlane v3, v2;
	_ =	sdelay $0x1  }
0x149: {  	v3 =	vadd.s32 v1, v3  }
0x14a: {  	[tilespmem:s19], [sflag:$0x1] =	stream.indirect_vreg.gather [hbm4b:s1+s3], $0x80, v4, vm0, $0xb8;
	[tilespmem:$0x10800] =	vst v63  }
0x14b: {  	_ = 	snop  }
0x14c: {  	[tilespmem:s20], [sflag:$0x1] =	stream.indirect_vreg.gather [hbm4b:s5+s3], $0x80, v4, vm0, $0xb8;
	[tilespmem:$0x10800] =	vst v63  }
0x14d: {  	_ = 	snop  }
0x14e: {  	[tilespmem:s21], [sflag:$0x1] =	stream.indirect_vreg.gather [hbm4b:s1+s3], $0x80, v3, vm0, $0xb8;
	[tilespmem:$0x10800] =	vst v63  }
0x14f: {  	_ = 	snop  }
0x150: {  	[tilespmem:s22], [sflag:$0x1] =	stream.indirect_vreg.gather [hbm4b:s5+s3], $0x80, v3, vm0, $0xb8;
	[tilespmem:$0x10800] =	vst v63  }
0x151: {  	v3 =	vld [tilespmem:s8+$0x20];
	_ =	sdelay $0x4  }
0x152: {  	v58 =	vshll.u32 v3, $0x2  }
0x153: {  	v3 =	vand.u32 $0x7, v3;
	v4 =	vand.u32 $0xFFFFFFE0, v58  }
0x154: {  	v3 =	vor.u32 v3, v4  }
0x155: {  	v4 =	vperm.xlane v3, v0;
	_ =	sdelay $0x1  }
0x156: {  	v4 =	vadd.s32 v1, v4;
	_ =	sdelay $0x1  }
0x157: {  	v3 =	vperm.xlane v3, v2;
	_ =	sdelay $0x1  }
0x158: {  	v3 =	vadd.s32 v1, v3  }
0x159: {  	[tilespmem:s23], [sflag:$0x1] =	stream.indirect_vreg.gather [hbm4b:s1+s3], $0x80, v4, vm0, $0xb8;
	[tilespmem:$0x10800] =	vst v63  }
0x15a: {  	_ = 	snop  }
0x15b: {  	[tilespmem:s24], [sflag:$0x1] =	stream.indirect_vreg.gather [hbm4b:s5+s3], $0x80, v4, vm0, $0xb8;
	[tilespmem:$0x10800] =	vst v63  }
0x15c: {  	_ = 	snop  }
0x15d: {  	[tilespmem:s25], [sflag:$0x1] =	stream.indirect_vreg.gather [hbm4b:s1+s3], $0x80, v3, vm0, $0xb8;
	[tilespmem:$0x10800] =	vst v63  }
0x15e: {  	_ = 	snop  }
0x15f: {  	[tilespmem:s26], [sflag:$0x1] =	stream.indirect_vreg.gather [hbm4b:s5+s3], $0x80, v3, vm0, $0xb8;
	[tilespmem:$0x10800] =	vst v63  }
0x160: {  	v3 =	vld [tilespmem:s8+$0x30];
	_ =	sdelay $0x4  }
0x161: {  	v59 =	vshll.u32 v3, $0x2  }
0x162: {  	v3 =	vand.u32 $0x7, v3;
	v4 =	vand.u32 $0xFFFFFFE0, v59  }
0x163: {  	v3 =	vor.u32 v3, v4  }
0x164: {  	v4 =	vperm.xlane v3, v0;
	_ =	sdelay $0x1  }
0x165: {  	v4 =	vadd.s32 v1, v4;
	_ =	sdelay $0x1  }
0x166: {  	v3 =	vperm.xlane v3, v2;
	_ =	sdelay $0x1  }
0x167: {  	v3 =	vadd.s32 v1, v3  }
0x168: {  	[tilespmem:s28], [sflag:$0x1] =	stream.indirect_vreg.gather [hbm4b:s1+s3], $0x80, v4, vm0, $0xb8;
	[tilespmem:$0x10800] =	vst v63  }
0x169: {  	_ = 	snop  }
0x16a: {  	[tilespmem:s29], [sflag:$0x1] =	stream.indirect_vreg.gather [hbm4b:s5+s3], $0x80, v4, vm0, $0xb8;
	[tilespmem:$0x10800] =	vst v63  }
0x16b: {  	_ = 	snop  }
0x16c: {  	[tilespmem:s30], [sflag:$0x1] =	stream.indirect_vreg.gather [hbm4b:s1+s3], $0x80, v3, vm0, $0xb8;
	[tilespmem:$0x10800] =	vst v63  }
0x16d: {  	_ = 	snop  }
0x16e: {  	[tilespmem:s31], [sflag:$0x1] =	stream.indirect_vreg.gather [hbm4b:s5+s3], $0x80, v3, vm0, $0xb8;
	[tilespmem:$0x10800] =	vst v63  }
0x16f: {  	_ =	swait.ge [sflag:s2], $0x8000  }
0x170: {  	[sflag:s2] =	ssyncset.done $0x0  }
0x171: {  	[sflag:s2] =	ssyncadd.s32 $0xFFFF8000  }
0x172: {  	[hbm4b:s9+s16] =	stream.strided.scatter [tilespmem:s15], [sflag:$0x2], $0x8000, s18, s16, $0x38;
	[tilespmem:$0x10800] =	vst v63  }
0x173: {  	_ =	swait.ge [sflag:s13], $0x8000  }
0x174: {  	[sflag:s13] =	ssyncset.done $0x0  }
0x175: {  	[sflag:s13] =	ssyncadd.s32 $0xFFFF8000  }
0x176: {  	v3 =	vld [tilespmem:s10+$0x0];
	_ =	sdelay $0x4  }
0x177: {  	v60 =	vshll.u32 v3, $0x2  }
0x178: {  	v3 =	vand.u32 $0x7, v3;
	v4 =	vand.u32 $0xFFFFFFE0, v60  }
0x179: {  	v3 =	vor.u32 v3, v4  }
0x17a: {  	v4 =	vperm.xlane v3, v0;
	_ =	sdelay $0x1  }
0x17b: {  	v4 =	vadd.s32 v1, v4;
	_ =	sdelay $0x1  }
0x17c: {  	v3 =	vperm.xlane v3, v2;
	_ =	sdelay $0x1  }
0x17d: {  	v3 =	vadd.s32 v1, v3  }
0x17e: {  	[tilespmem:s15], [sflag:$0x1] =	stream.indirect_vreg.gather [hbm4b:s1+s3], $0x80, v4, vm0, $0xb8;
	[tilespmem:$0x10800] =	vst v63  }
0x17f: {  	_ = 	snop  }
0x180: {  	[tilespmem:s16], [sflag:$0x1] =	stream.indirect_vreg.gather [hbm4b:s5+s3], $0x80, v4, vm0, $0xb8;
	[tilespmem:$0x10800] =	vst v63  }
0x181: {  	_ = 	snop  }
0x182: {  	[tilespmem:s17], [sflag:$0x1] =	stream.indirect_vreg.gather [hbm4b:s1+s3], $0x80, v3, vm0, $0xb8;
	[tilespmem:$0x10800] =	vst v63  }
0x183: {  	_ = 	snop  }
0x184: {  	[tilespmem:s18], [sflag:$0x1] =	stream.indirect_vreg.gather [hbm4b:s5+s3], $0x80, v3, vm0, $0xb8;
	[tilespmem:$0x10800] =	vst v63  }
0x185: {  	v3 =	vld [tilespmem:s10+$0x10];
	_ =	sdelay $0x4  }
0x186: {  	v61 =	vshll.u32 v3, $0x2  }
0x187: {  	v3 =	vand.u32 $0x7, v3;
	v4 =	vand.u32 $0xFFFFFFE0, v61  }
0x188: {  	v3 =	vor.u32 v3, v4  }
0x189: {  	v4 =	vperm.xlane v3, v0;
	_ =	sdelay $0x1  }
0x18a: {  	v4 =	vadd.s32 v1, v4;
	_ =	sdelay $0x1  }
0x18b: {  	v3 =	vperm.xlane v3, v2;
	_ =	sdelay $0x1  }
0x18c: {  	v3 =	vadd.s32 v1, v3  }
0x18d: {  	[tilespmem:s19], [sflag:$0x1] =	stream.indirect_vreg.gather [hbm4b:s1+s3], $0x80, v4, vm0, $0xb8;
	[tilespmem:$0x10800] =	vst v63  }
0x18e: {  	_ = 	snop  }
0x18f: {  	[tilespmem:s20], [sflag:$0x1] =	stream.indirect_vreg.gather [hbm4b:s5+s3], $0x80, v4, vm0, $0xb8;
	[tilespmem:$0x10800] =	vst v63  }
0x190: {  	_ = 	snop  }
0x191: {  	[tilespmem:s21], [sflag:$0x1] =	stream.indirect_vreg.gather [hbm4b:s1+s3], $0x80, v3, vm0, $0xb8;
	[tilespmem:$0x10800] =	vst v63  }
0x192: {  	_ = 	snop  }
0x193: {  	[tilespmem:s22], [sflag:$0x1] =	stream.indirect_vreg.gather [hbm4b:s5+s3], $0x80, v3, vm0, $0xb8;
	[tilespmem:$0x10800] =	vst v63  }
0x194: {  	v3 =	vld [tilespmem:s10+$0x20];
	_ =	sdelay $0x4  }
0x195: {  	v62 =	vshll.u32 v3, $0x2  }
0x196: {  	v3 =	vand.u32 $0x7, v3;
	v4 =	vand.u32 $0xFFFFFFE0, v62  }
0x197: {  	v3 =	vor.u32 v3, v4  }
0x198: {  	v4 =	vperm.xlane v3, v0;
	_ =	sdelay $0x1  }
0x199: {  	v4 =	vadd.s32 v1, v4;
	_ =	sdelay $0x1  }
0x19a: {  	v3 =	vperm.xlane v3, v2;
	_ =	sdelay $0x1  }
0x19b: {  	v3 =	vadd.s32 v1, v3  }
0x19c: {  	[tilespmem:s23], [sflag:$0x1] =	stream.indirect_vreg.gather [hbm4b:s1+s3], $0x80, v4, vm0, $0xb8;
	[tilespmem:$0x10800] =	vst v63  }
0x19d: {  	_ = 	snop  }
0x19e: {  	[tilespmem:s24], [sflag:$0x1] =	stream.indirect_vreg.gather [hbm4b:s5+s3], $0x80, v4, vm0, $0xb8;
	[tilespmem:$0x10800] =	vst v63  }
0x19f: {  	_ = 	snop  }
0x1a0: {  	[tilespmem:s25], [sflag:$0x1] =	stream.indirect_vreg.gather [hbm4b:s1+s3], $0x80, v3, vm0, $0xb8;
	[tilespmem:$0x10800] =	vst v63  }
0x1a1: {  	_ = 	snop  }
0x1a2: {  	[tilespmem:s26], [sflag:$0x1] =	stream.indirect_vreg.gather [hbm4b:s5+s3], $0x80, v3, vm0, $0xb8;
	[tilespmem:$0x10800] =	vst v63  }
0x1a3: {  	v3 =	vld [tilespmem:s10+$0x30];
	_ =	sdelay $0x4  }
0x1a4: {  	v63 =	vshll.u32 v3, $0x2  }
0x1a5: {  	v3 =	vand.u32 $0x7, v3;
	v4 =	vand.u32 $0xFFFFFFE0, v63  }
0x1a6: {  	v3 =	vor.u32 v3, v4  }
0x1a7: {  	v4 =	vperm.xlane v3, v0;
	_ =	sdelay $0x1  }
0x1a8: {  	v4 =	vadd.s32 v1, v4;
	_ =	sdelay $0x1  }
0x1a9: {  	v3 =	vperm.xlane v3, v2;
	_ =	sdelay $0x1  }
0x1aa: {  	v3 =	vadd.s32 v1, v3  }
0x1ab: {  	[tilespmem:s28], [sflag:$0x1] =	stream.indirect_vreg.gather [hbm4b:s1+s3], $0x80, v4, vm0, $0xb8;
	[tilespmem:$0x10800] =	vst v63  }
0x1ac: {  	_ = 	snop  }
0x1ad: {  	[tilespmem:s29], [sflag:$0x1] =	stream.indirect_vreg.gather [hbm4b:s5+s3], $0x80, v4, vm0, $0xb8;
	[tilespmem:$0x10800] =	vst v63  }
0x1ae: {  	_ = 	snop  }
0x1af: {  	[tilespmem:s30], [sflag:$0x1] =	stream.indirect_vreg.gather [hbm4b:s1+s3], $0x80, v3, vm0, $0xb8;
	[tilespmem:$0x10800] =	vst v63  }
0x1b0: {  	_ = 	snop  }
0x1b1: {  	[tilespmem:s31], [sflag:$0x1] =	stream.indirect_vreg.gather [hbm4b:s5+s3], $0x80, v3, vm0, $0xb8;
	[tilespmem:$0x10800] =	vst v63  }
0x1b2: {  	_ =	swait.ge [sflag:s2], $0x8000  }
0x1b3: {  	p0 =	sne.s32 s12, $0x1;
	[sflag:s2] =	ssyncset.done $0x0  }
.Ltmp0:
0x1b4: {  	[sflag:s2] =	ssyncadd.s32 $0xFFFF8000;
	(pc) =	sbr.rel @p0 .LBB2_1-.Ltmp0, $4  }
0x1b5: {  	[hbm4b:s11+s16] =	stream.strided.scatter [tilespmem:s15], [sflag:$0x2], $0x8000, s18, s16, $0x38;
	[tilespmem:$0x10800] =	vst v63  }
0x1b6: {  	_ =	swait.ge [sflag:s13], $0x8000  }
0x1b7: {  	[sflag:s13] =	ssyncset.done $0x0  }
0x1b8: {  	s12 =	sadd.s32 $0xFFFFFFFF, s12;
	[sflag:s13] =	ssyncadd.s32 $0xFFFF8000  }
0x1b9: {  	_ =	sfence.sel $0x180000  }
0x1ba: {  	[bflag:$0x0] =	sbarrier.arrive $0xFFFF  }
0x1bb: {  	_ =	strace $0x90000047  }
0x1bc: {  	s0 =	stileid.u32;
	[bflag:$0x2] =	sbarrier.arrive $0xFFFF  }
0x1bd: {  	p0 =	sne.s32 s0, $0x0;
	s0 =	rddreg [dreg:$0x3]  }
0x1be: {  	s0 =	sadd.s32 @!p0 $0x100000, s0  }
0x1bf: {  	[sflag:s0] =	ssyncadd.tile.s32 @!p0 $0x1;
	_ =	shalt  }
.Lfunc_end2:
_tile_overlayer_lowered:
.L_overlay_start_2:
0x1c0: {  	(tag) =	ssettag $0x2  }
0x1c1: {  	s0 =	rddreg [dreg:$0x0];
	s2 =	stileid.u32  }
0x1c2: {  	s1 =	rddreg [dreg:$0x1];
	p0 =	sne.s32 s2, $0x0  }
0x1c3: {  	s3 =	rddreg [dreg:$0x2];
	[bflag:$0x3] =	sbarrier.arrive $0xFFFF;
	s2 =	simm.s32 @!p0 $0x1C02  }
0x1c4: {  	[timem:s3], [sflag:s2] =	dma.local @!p0 [hbm:s0], s1  }
0x1c5: {  	s0 =	simm.s32 @!p0 $0x2  }
0x1c6: {  	_ =	swait.ge @!p0 [sflag:s0], s1  }
0x1c7: {  	s1 =	ssub.s32 @!p0 $0x0, s1;
	[sflag:s0] =	ssyncset.done @!p0 $0x0  }
0x1c8: {  	[sflag:s0] =	ssyncadd.s32 @!p0 s1  }
0x1c9: {  	[bflag:$0x3] =	sbarrier.arrive $0xFFFF  }
0x1ca: {  	_ =	shalt  }

</sc_bundles>
